<compile_context>
chip_gen: v7x
topology: tpu7x:2x2x1
jax: 0.10.2.dev20260603
libtpu: 0.0.44.dev20260713+nightly
codegen_flags: <defaults>
</compile_context>

<pallas_src>
import functools
import jax
import jax.numpy as jnp
from jax import lax
from jax.experimental import pallas as pl
from jax.experimental.pallas import tpu as pltpu
from jax.experimental.pallas import tpu_sc as plsc

K = 3
N = 10000
E = 320000
D_IN = 128
HID = 16
D_OUT = 128

NC = 2
NS = 16
NW = NC * NS
EW = E // NW
C = 128
NCH = 79
EWP = NCH * C
NP = 10240
RPT = NP // NS

_mesh = plsc.VectorSubcoreMesh(core_axis_name="c", subcore_axis_name="s")

_SC_SCRATCH = [
    pltpu.VMEM((NCH, C), jnp.int32),
    pltpu.VMEM((NCH, C), jnp.int32),
    pltpu.VMEM((C, HID), jnp.float32),
    pltpu.VMEM((C, HID), jnp.float32),
    pltpu.VMEM_SHARED((NP, HID), jnp.float32),
    pltpu.VMEM_SHARED((N, HID), jnp.float32),
    pltpu.SemaphoreType.DMA,
    pltpu.SemaphoreType.DMA,
    pltpu.SemaphoreType.DMA,
    pltpu.SemaphoreType.DMA,
]
VROWS = N // NS


@functools.partial(
    pl.kernel,
    mesh=_mesh,
    out_type=jax.ShapeDtypeStruct((NC, NP, HID), jnp.float32),
    scratch_types=_SC_SCRATCH,
    compiler_params=pltpu.CompilerParams(use_tc_tiling_on_sc=False),
)
def _scatter_pass(v_hbm, src3_hbm, dst3_hbm, zeros_hbm, out_hbm,
                  sidx_all, didx_all, buf0, buf1, acc, vspm,
                  gsem0, gsem1, ssem0, ssem1):
    c = lax.axis_index("c")
    s = lax.axis_index("s")
    w = c * NS + s

    c0 = pltpu.async_copy(zeros_hbm.at[pl.ds(s * RPT, RPT)],
                          acc.at[pl.ds(s * RPT, RPT)], gsem0)
    c1 = pltpu.async_copy(v_hbm.at[pl.ds(s * VROWS, VROWS)],
                          vspm.at[pl.ds(s * VROWS, VROWS)], gsem1)
    c2 = pltpu.async_copy(src3_hbm.at[w], sidx_all, ssem0)
    c3 = pltpu.async_copy(dst3_hbm.at[w], didx_all, ssem1)
    c0.wait()
    c1.wait()
    c2.wait()
    c3.wait()
    plsc.subcore_barrier()

    bufs = (buf0, buf1)
    gsems = (gsem0, gsem1)
    ssems = (ssem0, ssem1)

    def fire_gather(i, p):
        pltpu.async_copy(vspm.at[sidx_all.at[i]], bufs[p], gsems[p])

    def drain_gather(p):
        pltpu.make_async_copy(v_hbm.at[pl.ds(0, C)], bufs[p], gsems[p]).wait()

    def fire_scatter(i, p):
        pltpu.async_copy(bufs[p], acc.at[didx_all.at[i]], ssems[p], add=True)

    def drain_scatter(p):
        pltpu.make_async_copy(v_hbm.at[pl.ds(0, C)], bufs[p], ssems[p]).wait()

    fire_gather(0, 0)
    fire_gather(1, 1)
    drain_gather(0)
    fire_scatter(0, 0)

    def body(k, carry):
        a = 2 * k + 1
        b = a + 1

        drain_scatter(0)
        fire_gather(a + 1, 0)
        drain_gather(1)
        fire_scatter(a, 1)

        drain_scatter(1)

        @pl.when(b + 1 < NCH)
        def _():
            fire_gather(b + 1, 1)
        drain_gather(0)
        fire_scatter(b, 0)
        return carry

    lax.fori_loop(0, (NCH - 1) // 2, body, 0)
    drain_scatter(0)
    plsc.subcore_barrier()

    pltpu.sync_copy(acc.at[pl.ds(s * RPT, RPT)],
                    out_hbm.at[c, pl.ds(s * RPT, RPT)])


@functools.partial(
    pl.kernel,
    mesh=_mesh,
    out_type=jax.ShapeDtypeStruct((NC, NP, HID), jnp.float32),
    scratch_types=[
        pltpu.VMEM((NCH, C), jnp.int32),
        pltpu.VMEM((C, HID), jnp.float32),
        pltpu.VMEM_SHARED((NP, HID), jnp.float32),
        pltpu.SemaphoreType.DMA,
        pltpu.SemaphoreType.DMA,
    ],
    compiler_params=pltpu.CompilerParams(use_tc_tiling_on_sc=False),
)
def _degree_pass(dst3_hbm, zeros_hbm, out_hbm,
                 didx_all, ones_buf, acc, ssem0, ssem1):
    c = lax.axis_index("c")
    s = lax.axis_index("s")
    w = c * NS + s

    c0 = pltpu.async_copy(zeros_hbm.at[pl.ds(s * RPT, RPT)],
                          acc.at[pl.ds(s * RPT, RPT)], ssem0)
    c1 = pltpu.async_copy(dst3_hbm.at[w], didx_all, ssem1)

    def fill(j, carry):
        ones_buf[j, :] = jnp.ones((16,), jnp.float32)
        return carry
    lax.fori_loop(0, C, fill, 0)
    c0.wait()
    c1.wait()
    plsc.subcore_barrier()

    ssems = (ssem0, ssem1)

    def fire_scatter(i, p):
        pltpu.async_copy(ones_buf, acc.at[didx_all.at[i]], ssems[p], add=True)

    def drain_scatter(p):
        pltpu.make_async_copy(zeros_hbm.at[pl.ds(0, C)], ones_buf,
                              ssems[p]).wait()

    fire_scatter(0, 0)

    def body(k, carry):
        a = 2 * k + 1
        b = a + 1

        @pl.when(k > 0)
        def _():
            drain_scatter(1)
        fire_scatter(a, 1)
        drain_scatter(0)
        fire_scatter(b, 0)
        return carry

    lax.fori_loop(0, (NCH - 1) // 2, body, 0)
    drain_scatter(0)
    drain_scatter(1)
    plsc.subcore_barrier()

    pltpu.sync_copy(acc.at[pl.ds(s * RPT, RPT)],
                    out_hbm.at[c, pl.ds(s * RPT, RPT)])



F32 = jnp.float32
NPK = N // 8
NPPK = NP // 8


def _tc_call(fn, out_shapes, *args):
    def spec(shape):
        return pl.BlockSpec(shape, lambda: tuple(0 for _ in shape))
    single = not isinstance(out_shapes, list)
    outs = [out_shapes] if single else out_shapes
    return pl.pallas_call(
        fn,
        grid=(),
        in_specs=[spec(a.shape) for a in args],
        out_specs=(spec(out_shapes.shape) if single
                   else [spec(o.shape) for o in outs]),
        out_shape=out_shapes,
    )(*args)


def _stage1(degp_ref, x_ref, kw02_ref, kw1_ref, kw2_ref, b1_ref,
            disp_ref, p2_ref, u1_ref, base1_ref):
    deg = degp_ref[0, 0:NPK, :] + degp_ref[1, 0:NPK, :]
    disp = jnp.where(deg > 0, lax.rsqrt(jnp.where(deg > 0, deg, 1.0)), 0.0)
    disp_ref[...] = disp
    x = x_ref[...]
    p2_ref[...] = disp * jnp.dot(x, kw2_ref[...], preferred_element_type=F32)
    u1_ref[...] = jnp.dot(x, kw1_ref[...], preferred_element_type=F32)
    base1_ref[...] = (
        jnp.dot(x, kw02_ref[...], preferred_element_type=F32) + b1_ref[0:1, :]
    )


def _stage2(u1_ref, q2p_ref, disp_ref, p1_ref):
    disp = disp_ref[...]
    q2 = q2p_ref[0, 0:NPK] + q2p_ref[1, 0:NPK]
    p1_ref[...] = disp * u1_ref[...] - 2.0 * disp * disp * q2


def _stage3(base1_ref, sp_ref, disp_ref, h_ref, ph_ref):
    disp = disp_ref[...]
    s = sp_ref[0, 0:NPK] + sp_ref[1, 0:NPK]
    h = jnp.maximum(base1_ref[...] - disp * s, 0.0)
    h_ref[...] = h
    ph_ref[...] = disp * h


def _stage4(qhp_ref, disp_ref, g1_ref, pg_ref):
    disp = disp_ref[...]
    qh = qhp_ref[0, 0:NPK] + qhp_ref[1, 0:NPK]
    g1_ref[...] = -disp * qh
    pg_ref[...] = disp * disp * qh


def _stage5(rp_ref, disp_ref, h_ref, g1_ref, kw02_ref, kw1_ref, kw2_ref,
            b2_ref, o_ref):
    disp = disp_ref[...]
    g2 = disp * (rp_ref[0, 0:NPK] + rp_ref[1, 0:NPK])
    z = (
        jnp.dot(h_ref[...], kw02_ref[...], preferred_element_type=F32)
        + jnp.dot(g1_ref[...], kw1_ref[...], preferred_element_type=F32)
        + 2.0 * jnp.dot(g2, kw2_ref[...], preferred_element_type=F32)
        + b2_ref[0:1, :]
    )
    for a in range(8):
        za = z[:, a * 128:(a + 1) * 128]
        m = jnp.max(za, axis=1, keepdims=True)
        eza = jnp.exp(za - m)
        lse = jnp.log(jnp.sum(eza, axis=1, keepdims=True))
        o_ref[:, a * 128:(a + 1) * 128] = za - m - lse


def kernel(x, edge_index, W1, b1, W2, b2):
    PAD = EWP - EW
    rowm = edge_index[0].reshape(NW, EW)
    colm = edge_index[1].reshape(NW, EW)
    row3 = jnp.pad(rowm, ((0, 0), (0, PAD))).reshape(NW, NCH, C)
    col3 = jnp.pad(colm, ((0, 0), (0, PAD)),
                   constant_values=N).reshape(NW, NCH, C)
    rowd = jnp.pad(rowm, ((0, 0), (0, PAD)),
                   constant_values=N).reshape(NW, NCH, C)
    zeros = jnp.zeros((NP, HID), F32)

    I8 = jnp.eye(8, dtype=F32)
    kw1_02 = jnp.kron(I8, W1[0] - W1[2])
    kw1_1 = jnp.kron(I8, W1[1])
    kw1_2 = jnp.kron(I8, W1[2])
    kw2_02 = jnp.kron(I8, W2[0] - W2[2])
    kw2_1 = jnp.kron(I8, W2[1])
    kw2_2 = jnp.kron(I8, W2[2])
    b1p = jnp.broadcast_to(jnp.tile(b1, 8)[None, :], (8, 128))
    b2p = jnp.broadcast_to(jnp.tile(b2, 8)[None, :], (8, 1024))

    x_pk = x.reshape(NPK, 1024)

    def pk(partials):
        return partials.reshape(NC, NPPK, 128)

    def unpk(v_pk):
        return v_pk.reshape(N, HID)

    degp = _degree_pass(rowd, zeros)

    disp, p2_pk, u1_pk, base1_pk = _tc_call(
        _stage1, [jax.ShapeDtypeStruct((NPK, 128), F32)] * 4,
        pk(degp), x_pk, kw1_02, kw1_1, kw1_2, b1p)

    q2p = _scatter_pass(unpk(p2_pk), row3, col3, zeros)

    p1_pk = _tc_call(_stage2, jax.ShapeDtypeStruct((NPK, 128), F32),
                     u1_pk, pk(q2p), disp)

    sp = _scatter_pass(unpk(p1_pk), row3, col3, zeros)

    h_pk, ph_pk = _tc_call(
        _stage3, [jax.ShapeDtypeStruct((NPK, 128), F32)] * 2,
        base1_pk, pk(sp), disp)

    qhp = _scatter_pass(unpk(ph_pk), row3, col3, zeros)

    g1_pk, pg_pk = _tc_call(
        _stage4, [jax.ShapeDtypeStruct((NPK, 128), F32)] * 2,
        pk(qhp), disp)

    rp = _scatter_pass(unpk(pg_pk), row3, col3, zeros)

    out_pk = _tc_call(
        _stage5, jax.ShapeDtypeStruct((NPK, 1024), F32),
        pk(rp), disp, h_pk, g1_pk, kw2_02, kw2_1, kw2_2, b2p)

    return out_pk.reshape(N, D_OUT)

# --- scband reference (transcript-rebuilt; emitter-appended) ---
"""Pipeline reference for scband-cheb-net-36498632082159 (READ-ONLY COPY).

The authoritative reference and input builder live on the scoring server;
editing this copy changes nothing except your own understanding.
"""

import jax, jax.numpy as jnp
import numpy as np

K = 3
N = 10000
E = 320000
D_IN = 128
HID = 16
D_OUT = 128


def setup_inputs(seed: int = 0):
    key = jax.random.key(seed)
    k1, k2, k3, k4 = jax.random.split(key, 4)
    x = jax.random.normal(k1, (N, D_IN), dtype=jnp.float32)
    edge_index = jax.random.randint(k2, (2, E), 0, N, dtype=jnp.int32)
    W1 = jax.random.normal(k3, (K, D_IN, HID), dtype=jnp.float32) * (1.0 / np.sqrt(D_IN))
    b1 = jnp.zeros((HID,), dtype=jnp.float32)
    W2 = jax.random.normal(k4, (K, HID, D_OUT), dtype=jnp.float32) * (1.0 / np.sqrt(HID))
    b2 = jnp.zeros((D_OUT,), dtype=jnp.float32)
    return {"x": x, "edge_index": edge_index, "W1": W1, "b1": b1, "W2": W2, "b2": b2}


def _cheb_norm(edge_index, n):
    # PyG ChebConv with normalization='sym', lambda_max=2.0:
    # L_hat = (2/lambda_max) * L - I = L - I = -D^{-1/2} A D^{-1/2}, zero diagonal.
    row = edge_index[0]
    col = edge_index[1]
    deg = jnp.zeros((n,), jnp.float32).at[row].add(1.0)
    dis = jnp.where(deg > 0, 1.0 / jnp.sqrt(jnp.where(deg > 0, deg, 1.0)), 0.0)
    return -dis[row] * dis[col]


def _cheb_conv(x, edge_index, norm, W, b):
    # Tx_0 = x; Tx_1 = L_hat x; Tx_k = 2 L_hat Tx_{k-1} - Tx_{k-2}
    row = edge_index[0]
    col = edge_index[1]
    n = x.shape[0]

    def Lhat(v):
        msg = v[row] * norm[:, None]
        return jnp.zeros((n, v.shape[1]), v.dtype).at[col].add(msg)

    Tx0 = x
    out = Tx0 @ W[0]
    Tx1 = Lhat(x)
    out = out + Tx1 @ W[1]
    for k in range(2, W.shape[0]):
        Tx2 = 2.0 * Lhat(Tx1) - Tx0
        out = out + Tx2 @ W[k]
        Tx0, Tx1 = Tx1, Tx2
    return out + b


def reference(x, edge_index, W1, b1, W2, b2):
    n = x.shape[0]
    norm = _cheb_norm(edge_index, n)
    h = jax.nn.relu(_cheb_conv(x, edge_index, norm, W1, b1))
    h = _cheb_conv(h, edge_index, norm, W2, b2)
    return jax.nn.log_softmax(h, axis=1)

if __name__ == "__main__":
    import jax
    _d = setup_inputs()
    print(jax.jit(kernel)(*tuple(_d.values())))

</pallas_src>

<mosaic_0001>
#map = affine_map<(d0, d1) -> (0, 0)>
#map1 = affine_map<(d0, d1) -> (0, 0, 0)>
module attributes {stable_mosaic.version = 14 : i64} {
  func.func @_scatter_pass(%arg0: i32, %arg1: i32, %arg2: memref<10000x16xf32, #tpu.memory_space<hbm>>, %arg3: memref<32x79x128xi32, #tpu.memory_space<hbm>>, %arg4: memref<32x79x128xi32, #tpu.memory_space<hbm>>, %arg5: memref<10240x16xf32, #tpu.memory_space<hbm>>, %arg6: memref<2x10240x16xf32, #tpu.memory_space<hbm>>, %arg7: memref<79x128xi32, #tpu.memory_space<vmem>>, %arg8: memref<79x128xi32, #tpu.memory_space<vmem>>, %arg9: memref<128x16xf32, #tpu.memory_space<vmem>>, %arg10: memref<128x16xf32, #tpu.memory_space<vmem>>, %arg11: memref<10240x16xf32, #tpu.memory_space<vmem_shared>>, %arg12: memref<10000x16xf32, #tpu.memory_space<vmem_shared>>, %arg13: memref<!tpu.dma_semaphore, #tpu.memory_space<semaphore_mem>>, %arg14: memref<!tpu.dma_semaphore, #tpu.memory_space<semaphore_mem>>, %arg15: memref<!tpu.dma_semaphore, #tpu.memory_space<semaphore_mem>>, %arg16: memref<!tpu.dma_semaphore, #tpu.memory_space<semaphore_mem>>) attributes {dimension_semantics = [#tpu.dimension_semantics<core_parallel>, #tpu.dimension_semantics<subcore_parallel>], iteration_bounds = array<i64: 2, 16>, scalar_prefetch = 0 : i64, scratch_operands = 10 : i64, tpu.core_type = #tpu.core_type<sc_vector_subcore>, window_params = [{transform_indices = #map}, {transform_indices = #map1}, {transform_indices = #map1}, {transform_indices = #map}, {transform_indices = #map1}]} {
    %mul3A = arith.constant 16 : i32
    %mul3A_0 = arith.muli %arg0, %mul3A : i32
    %add3A = arith.addi %mul3A_0, %arg1 : i32
    %mul3A_1 = arith.constant 640 : i32
    %mul3A_2 = arith.muli %arg1, %mul3A_1 : i32
    %mul3A_3 = arith.constant 640 : i32
    %mul3A_4 = arith.muli %arg1, %mul3A_3 : i32
    %dma_start3A = arith.constant 0 : i32
    %dma_start3A_5 = tpu.memref_slice %arg11[%mul3A_4, %dma_start3A] : memref<10240x16xf32, #tpu.memory_space<vmem_shared>> -> memref<640x16xf32, #tpu.memory_space<vmem_shared>>
    %dma_start3A_6 = arith.constant 0 : i32
    %dma_start3A_7 = tpu.memref_slice %arg5[%mul3A_2, %dma_start3A_6] : memref<10240x16xf32, #tpu.memory_space<hbm>> -> memref<640x16xf32, #tpu.memory_space<hbm>>
    tpu.enqueue_dma source(%dma_start3A_7 : memref<640x16xf32, #tpu.memory_space<hbm>>) target(%dma_start3A_5 : memref<640x16xf32, #tpu.memory_space<vmem_shared>>) target_semaphore(%arg13 : memref<!tpu.dma_semaphore, #tpu.memory_space<semaphore_mem>>)
    %mul3A_8 = arith.constant 625 : i32
    %mul3A_9 = arith.muli %arg1, %mul3A_8 : i32
    %mul3A_10 = arith.constant 625 : i32
    %mul3A_11 = arith.muli %arg1, %mul3A_10 : i32
    %dma_start3A_12 = arith.constant 0 : i32
    %dma_start3A_13 = tpu.memref_slice %arg12[%mul3A_11, %dma_start3A_12] : memref<10000x16xf32, #tpu.memory_space<vmem_shared>> -> memref<625x16xf32, #tpu.memory_space<vmem_shared>>
    %dma_start3A_14 = arith.constant 0 : i32
    %dma_start3A_15 = tpu.memref_slice %arg2[%mul3A_9, %dma_start3A_14] : memref<10000x16xf32, #tpu.memory_space<hbm>> -> memref<625x16xf32, #tpu.memory_space<hbm>>
    tpu.enqueue_dma source(%dma_start3A_15 : memref<625x16xf32, #tpu.memory_space<hbm>>) target(%dma_start3A_13 : memref<625x16xf32, #tpu.memory_space<vmem_shared>>) target_semaphore(%arg14 : memref<!tpu.dma_semaphore, #tpu.memory_space<semaphore_mem>>)
    %dma_start3A_16 = arith.constant 0 : i32
    %dma_start3A_17 = arith.constant 0 : i32
    %dma_start3A_18 = tpu.memref_slice %arg3[%add3A, %dma_start3A_16, %dma_start3A_17] : memref<32x79x128xi32, #tpu.memory_space<hbm>> -> memref<1x79x128xi32, #tpu.memory_space<hbm>>
    %dma_start3A_19 = tpu.memref_squeeze %dma_start3A_18 : memref<1x79x128xi32, #tpu.memory_space<hbm>> -> memref<79x128xi32, #tpu.memory_space<hbm>>
    %dma_start3A_20 = arith.constant 0 : i32
    %dma_start3A_21 = arith.constant 0 : i32
    %dma_start3A_22 = tpu.memref_slice %arg3[%add3A, %dma_start3A_20, %dma_start3A_21] : memref<32x79x128xi32, #tpu.memory_space<hbm>> -> memref<1x79x128xi32, #tpu.memory_space<hbm>>
    %dma_start3A_23 = tpu.memref_squeeze %dma_start3A_22 : memref<1x79x128xi32, #tpu.memory_space<hbm>> -> memref<79x128xi32, #tpu.memory_space<hbm>>
    tpu.enqueue_dma source(%dma_start3A_23 : memref<79x128xi32, #tpu.memory_space<hbm>>) target(%arg7 : memref<79x128xi32, #tpu.memory_space<vmem>>) target_semaphore(%arg15 : memref<!tpu.dma_semaphore, #tpu.memory_space<semaphore_mem>>)
    %dma_start3A_24 = arith.constant 0 : i32
    %dma_start3A_25 = arith.constant 0 : i32
    %dma_start3A_26 = tpu.memref_slice %arg4[%add3A, %dma_start3A_24, %dma_start3A_25] : memref<32x79x128xi32, #tpu.memory_space<hbm>> -> memref<1x79x128xi32, #tpu.memory_space<hbm>>
    %dma_start3A_27 = tpu.memref_squeeze %dma_start3A_26 : memref<1x79x128xi32, #tpu.memory_space<hbm>> -> memref<79x128xi32, #tpu.memory_space<hbm>>
    %dma_start3A_28 = arith.constant 0 : i32
    %dma_start3A_29 = arith.constant 0 : i32
    %dma_start3A_30 = tpu.memref_slice %arg4[%add3A, %dma_start3A_28, %dma_start3A_29] : memref<32x79x128xi32, #tpu.memory_space<hbm>> -> memref<1x79x128xi32, #tpu.memory_space<hbm>>
    %dma_start3A_31 = tpu.memref_squeeze %dma_start3A_30 : memref<1x79x128xi32, #tpu.memory_space<hbm>> -> memref<79x128xi32, #tpu.memory_space<hbm>>
    tpu.enqueue_dma source(%dma_start3A_31 : memref<79x128xi32, #tpu.memory_space<hbm>>) target(%arg8 : memref<79x128xi32, #tpu.memory_space<vmem>>) target_semaphore(%arg16 : memref<!tpu.dma_semaphore, #tpu.memory_space<semaphore_mem>>)
    %dma_wait3A = arith.constant 0 : i32
    %dma_wait3A_32 = tpu.memref_slice %arg11[%mul3A_4, %dma_wait3A] : memref<10240x16xf32, #tpu.memory_space<vmem_shared>> -> memref<640x16xf32, #tpu.memory_space<vmem_shared>>
    %dma_wait3A_33 = arith.constant 0 : i32
    %dma_wait3A_34 = tpu.memref_slice %arg5[%mul3A_2, %dma_wait3A_33] : memref<10240x16xf32, #tpu.memory_space<hbm>> -> memref<640x16xf32, #tpu.memory_space<hbm>>
    tpu.wait_dma2 semaphore(%arg13 : memref<!tpu.dma_semaphore, #tpu.memory_space<semaphore_mem>>) src(%dma_wait3A_34 : memref<640x16xf32, #tpu.memory_space<hbm>>) dst(%dma_wait3A_32 : memref<640x16xf32, #tpu.memory_space<vmem_shared>>)
    %dma_wait3A_35 = arith.constant 0 : i32
    %dma_wait3A_36 = tpu.memref_slice %arg12[%mul3A_11, %dma_wait3A_35] : memref<10000x16xf32, #tpu.memory_space<vmem_shared>> -> memref<625x16xf32, #tpu.memory_space<vmem_shared>>
    %dma_wait3A_37 = arith.constant 0 : i32
    %dma_wait3A_38 = tpu.memref_slice %arg2[%mul3A_9, %dma_wait3A_37] : memref<10000x16xf32, #tpu.memory_space<hbm>> -> memref<625x16xf32, #tpu.memory_space<hbm>>
    tpu.wait_dma2 semaphore(%arg14 : memref<!tpu.dma_semaphore, #tpu.memory_space<semaphore_mem>>) src(%dma_wait3A_38 : memref<625x16xf32, #tpu.memory_space<hbm>>) dst(%dma_wait3A_36 : memref<625x16xf32, #tpu.memory_space<vmem_shared>>)
    %dma_wait3A_39 = arith.constant 0 : i32
    %dma_wait3A_40 = arith.constant 0 : i32
    %dma_wait3A_41 = tpu.memref_slice %arg3[%add3A, %dma_wait3A_39, %dma_wait3A_40] : memref<32x79x128xi32, #tpu.memory_space<hbm>> -> memref<1x79x128xi32, #tpu.memory_space<hbm>>
    %dma_wait3A_42 = tpu.memref_squeeze %dma_wait3A_41 : memref<1x79x128xi32, #tpu.memory_space<hbm>> -> memref<79x128xi32, #tpu.memory_space<hbm>>
    %dma_wait3A_43 = arith.constant 0 : i32
    %dma_wait3A_44 = arith.constant 0 : i32
    %dma_wait3A_45 = tpu.memref_slice %arg3[%add3A, %dma_wait3A_43, %dma_wait3A_44] : memref<32x79x128xi32, #tpu.memory_space<hbm>> -> memref<1x79x128xi32, #tpu.memory_space<hbm>>
    %dma_wait3A_46 = tpu.memref_squeeze %dma_wait3A_45 : memref<1x79x128xi32, #tpu.memory_space<hbm>> -> memref<79x128xi32, #tpu.memory_space<hbm>>
    tpu.wait_dma2 semaphore(%arg15 : memref<!tpu.dma_semaphore, #tpu.memory_space<semaphore_mem>>) src(%dma_wait3A_46 : memref<79x128xi32, #tpu.memory_space<hbm>>) dst(%arg7 : memref<79x128xi32, #tpu.memory_space<vmem>>)
    %dma_wait3A_47 = arith.constant 0 : i32
    %dma_wait3A_48 = arith.constant 0 : i32
    %dma_wait3A_49 = tpu.memref_slice %arg4[%add3A, %dma_wait3A_47, %dma_wait3A_48] : memref<32x79x128xi32, #tpu.memory_space<hbm>> -> memref<1x79x128xi32, #tpu.memory_space<hbm>>
    %dma_wait3A_50 = tpu.memref_squeeze %dma_wait3A_49 : memref<1x79x128xi32, #tpu.memory_space<hbm>> -> memref<79x128xi32, #tpu.memory_space<hbm>>
    %dma_wait3A_51 = arith.constant 0 : i32
    %dma_wait3A_52 = arith.constant 0 : i32
    %dma_wait3A_53 = tpu.memref_slice %arg4[%add3A, %dma_wait3A_51, %dma_wait3A_52] : memref<32x79x128xi32, #tpu.memory_space<hbm>> -> memref<1x79x128xi32, #tpu.memory_space<hbm>>
    %dma_wait3A_54 = tpu.memref_squeeze %dma_wait3A_53 : memref<1x79x128xi32, #tpu.memory_space<hbm>> -> memref<79x128xi32, #tpu.memory_space<hbm>>
    tpu.wait_dma2 semaphore(%arg16 : memref<!tpu.dma_semaphore, #tpu.memory_space<semaphore_mem>>) src(%dma_wait3A_54 : memref<79x128xi32, #tpu.memory_space<hbm>>) dst(%arg8 : memref<79x128xi32, #tpu.memory_space<vmem>>)
    %barrier3A = arith.constant 0 : index
    tpu.barrier barrier_id(%barrier3A)
    %dma_start3A_55 = arith.constant 0 : i32
    %dma_start3A_56 = arith.constant 0 : i32
    %dma_start3A_57 = tpu.memref_slice %arg7[%dma_start3A_55, %dma_start3A_56] : memref<79x128xi32, #tpu.memory_space<vmem>> -> memref<1x128xi32, #tpu.memory_space<vmem>>
    %dma_start3A_58 = tpu.memref_squeeze %dma_start3A_57 : memref<1x128xi32, #tpu.memory_space<vmem>> -> memref<128xi32, #tpu.memory_space<vmem>>
    %dma_start3A_59 = arith.constant 0 : i32
    %dma_start3A_60 = arith.constant 0 : i32
    %dma_start3A_61 = tpu.memref_slice %arg12[%dma_start3A_59, %dma_start3A_60] : memref<10000x16xf32, #tpu.memory_space<vmem_shared>> -> memref<10000x16xf32, #tpu.memory_space<vmem_shared>>
    tpu.enqueue_indirect_dma source(%dma_start3A_61 : memref<10000x16xf32, #tpu.memory_space<vmem_shared>>) target(%arg9 : memref<128x16xf32, #tpu.memory_space<vmem>>) offsets(%dma_start3A_58 : memref<128xi32, #tpu.memory_space<vmem>>) semaphore(%arg13 : memref<!tpu.dma_semaphore, #tpu.memory_space<semaphore_mem>>)
    %dma_start3A_62 = arith.constant 1 : i32
    %dma_start3A_63 = arith.constant 0 : i32
    %dma_start3A_64 = tpu.memref_slice %arg7[%dma_start3A_62, %dma_start3A_63] : memref<79x128xi32, #tpu.memory_space<vmem>> -> memref<1x128xi32, #tpu.memory_space<vmem>>
    %dma_start3A_65 = tpu.memref_squeeze %dma_start3A_64 : memref<1x128xi32, #tpu.memory_space<vmem>> -> memref<128xi32, #tpu.memory_space<vmem>>
    %dma_start3A_66 = arith.constant 0 : i32
    %dma_start3A_67 = arith.constant 0 : i32
    %dma_start3A_68 = tpu.memref_slice %arg12[%dma_start3A_66, %dma_start3A_67] : memref<10000x16xf32, #tpu.memory_space<vmem_shared>> -> memref<10000x16xf32, #tpu.memory_space<vmem_shared>>
    tpu.enqueue_indirect_dma source(%dma_start3A_68 : memref<10000x16xf32, #tpu.memory_space<vmem_shared>>) target(%arg10 : memref<128x16xf32, #tpu.memory_space<vmem>>) offsets(%dma_start3A_65 : memref<128xi32, #tpu.memory_space<vmem>>) semaphore(%arg14 : memref<!tpu.dma_semaphore, #tpu.memory_space<semaphore_mem>>)
    %dma_wait3A_69 = arith.constant 0 : i32
    %dma_wait3A_70 = arith.constant 0 : i32
    %dma_wait3A_71 = tpu.memref_slice %arg2[%dma_wait3A_69, %dma_wait3A_70] : memref<10000x16xf32, #tpu.memory_space<hbm>> -> memref<128x16xf32, #tpu.memory_space<hbm>>
    %dma_wait3A_72 = arith.constant 0 : i32
    %dma_wait3A_73 = arith.constant 0 : i32
    %dma_wait3A_74 = tpu.memref_slice %arg2[%dma_wait3A_72, %dma_wait3A_73] : memref<10000x16xf32, #tpu.memory_space<hbm>> -> memref<128x16xf32, #tpu.memory_space<hbm>>
    tpu.wait_dma2 semaphore(%arg13 : memref<!tpu.dma_semaphore, #tpu.memory_space<semaphore_mem>>) src(%dma_wait3A_74 : memref<128x16xf32, #tpu.memory_space<hbm>>) dst(%arg9 : memref<128x16xf32, #tpu.memory_space<vmem>>)
    %dma_start3A_75 = arith.constant 0 : i32
    %dma_start3A_76 = arith.constant 0 : i32
    %dma_start3A_77 = tpu.memref_slice %arg8[%dma_start3A_75, %dma_start3A_76] : memref<79x128xi32, #tpu.memory_space<vmem>> -> memref<1x128xi32, #tpu.memory_space<vmem>>
    %dma_start3A_78 = tpu.memref_squeeze %dma_start3A_77 : memref<1x128xi32, #tpu.memory_space<vmem>> -> memref<128xi32, #tpu.memory_space<vmem>>
    %dma_start3A_79 = arith.constant 0 : i32
    %dma_start3A_80 = arith.constant 0 : i32
    %dma_start3A_81 = tpu.memref_slice %arg11[%dma_start3A_79, %dma_start3A_80] : memref<10240x16xf32, #tpu.memory_space<vmem_shared>> -> memref<10240x16xf32, #tpu.memory_space<vmem_shared>>
    tpu.enqueue_indirect_dma source(%arg9 : memref<128x16xf32, #tpu.memory_space<vmem>>) target(%dma_start3A_81 : memref<10240x16xf32, #tpu.memory_space<vmem_shared>>) offsets(%dma_start3A_78 : memref<128xi32, #tpu.memory_space<vmem>>) semaphore(%arg15 : memref<!tpu.dma_semaphore, #tpu.memory_space<semaphore_mem>>) {add = true}
    %scan3A = arith.constant 0 : i32
    %scan3A_82 = arith.constant 0 : i32
    %scan3A_83 = arith.constant 39 : i32
    %scan3A_84 = arith.addi %scan3A_82, %scan3A_83 : i32
    %scan3A_85 = arith.constant 1 : i32
    scf.for %scan3A_98 = %scan3A_82 to %scan3A_84 step %scan3A_85  : i32 {
      %mul3A_99 = arith.constant 2 : i32
      %mul3A_100 = arith.muli %mul3A_99, %scan3A_98 : i32
      %add3A_101 = arith.constant 1 : i32
      %add3A_102 = arith.addi %mul3A_100, %add3A_101 : i32
      %add3A_103 = arith.constant 1 : i32
      %add3A_104 = arith.addi %add3A_102, %add3A_103 : i32
      %dma_wait3A_105 = arith.constant 0 : i32
      %dma_wait3A_106 = arith.constant 0 : i32
      %dma_wait3A_107 = tpu.memref_slice %arg2[%dma_wait3A_105, %dma_wait3A_106] : memref<10000x16xf32, #tpu.memory_space<hbm>> -> memref<128x16xf32, #tpu.memory_space<hbm>>
      %dma_wait3A_108 = arith.constant 0 : i32
      %dma_wait3A_109 = arith.constant 0 : i32
      %dma_wait3A_110 = tpu.memref_slice %arg2[%dma_wait3A_108, %dma_wait3A_109] : memref<10000x16xf32, #tpu.memory_space<hbm>> -> memref<128x16xf32, #tpu.memory_space<hbm>>
      tpu.wait_dma2 semaphore(%arg15 : memref<!tpu.dma_semaphore, #tpu.memory_space<semaphore_mem>>) src(%dma_wait3A_110 : memref<128x16xf32, #tpu.memory_space<hbm>>) dst(%arg9 : memref<128x16xf32, #tpu.memory_space<vmem>>)
      %add3A_111 = arith.constant 1 : i32
      %add3A_112 = arith.addi %add3A_102, %add3A_111 : i32
      %dma_start3A_113 = arith.constant 0 : i32
      %dma_start3A_114 = tpu.memref_slice %arg7[%add3A_112, %dma_start3A_113] : memref<79x128xi32, #tpu.memory_space<vmem>> -> memref<1x128xi32, #tpu.memory_space<vmem>>
      %dma_start3A_115 = tpu.memref_squeeze %dma_start3A_114 : memref<1x128xi32, #tpu.memory_space<vmem>> -> memref<128xi32, #tpu.memory_space<vmem>>
      %dma_start3A_116 = arith.constant 0 : i32
      %dma_start3A_117 = arith.constant 0 : i32
      %dma_start3A_118 = tpu.memref_slice %arg12[%dma_start3A_116, %dma_start3A_117] : memref<10000x16xf32, #tpu.memory_space<vmem_shared>> -> memref<10000x16xf32, #tpu.memory_space<vmem_shared>>
      tpu.enqueue_indirect_dma source(%dma_start3A_118 : memref<10000x16xf32, #tpu.memory_space<vmem_shared>>) target(%arg9 : memref<128x16xf32, #tpu.memory_space<vmem>>) offsets(%dma_start3A_115 : memref<128xi32, #tpu.memory_space<vmem>>) semaphore(%arg13 : memref<!tpu.dma_semaphore, #tpu.memory_space<semaphore_mem>>)
      %dma_wait3A_119 = arith.constant 0 : i32
      %dma_wait3A_120 = arith.constant 0 : i32
      %dma_wait3A_121 = tpu.memref_slice %arg2[%dma_wait3A_119, %dma_wait3A_120] : memref<10000x16xf32, #tpu.memory_space<hbm>> -> memref<128x16xf32, #tpu.memory_space<hbm>>
      %dma_wait3A_122 = arith.constant 0 : i32
      %dma_wait3A_123 = arith.constant 0 : i32
      %dma_wait3A_124 = tpu.memref_slice %arg2[%dma_wait3A_122, %dma_wait3A_123] : memref<10000x16xf32, #tpu.memory_space<hbm>> -> memref<128x16xf32, #tpu.memory_space<hbm>>
      tpu.wait_dma2 semaphore(%arg14 : memref<!tpu.dma_semaphore, #tpu.memory_space<semaphore_mem>>) src(%dma_wait3A_124 : memref<128x16xf32, #tpu.memory_space<hbm>>) dst(%arg10 : memref<128x16xf32, #tpu.memory_space<vmem>>)
      %dma_start3A_125 = arith.constant 0 : i32
      %dma_start3A_126 = tpu.memref_slice %arg8[%add3A_102, %dma_start3A_125] : memref<79x128xi32, #tpu.memory_space<vmem>> -> memref<1x128xi32, #tpu.memory_space<vmem>>
      %dma_start3A_127 = tpu.memref_squeeze %dma_start3A_126 : memref<1x128xi32, #tpu.memory_space<vmem>> -> memref<128xi32, #tpu.memory_space<vmem>>
      %dma_start3A_128 = arith.constant 0 : i32
      %dma_start3A_129 = arith.constant 0 : i32
      %dma_start3A_130 = tpu.memref_slice %arg11[%dma_start3A_128, %dma_start3A_129] : memref<10240x16xf32, #tpu.memory_space<vmem_shared>> -> memref<10240x16xf32, #tpu.memory_space<vmem_shared>>
      tpu.enqueue_indirect_dma source(%arg10 : memref<128x16xf32, #tpu.memory_space<vmem>>) target(%dma_start3A_130 : memref<10240x16xf32, #tpu.memory_space<vmem_shared>>) offsets(%dma_start3A_127 : memref<128xi32, #tpu.memory_space<vmem>>) semaphore(%arg16 : memref<!tpu.dma_semaphore, #tpu.memory_space<semaphore_mem>>) {add = true}
      %dma_wait3A_131 = arith.constant 0 : i32
      %dma_wait3A_132 = arith.constant 0 : i32
      %dma_wait3A_133 = tpu.memref_slice %arg2[%dma_wait3A_131, %dma_wait3A_132] : memref<10000x16xf32, #tpu.memory_space<hbm>> -> memref<128x16xf32, #tpu.memory_space<hbm>>
      %dma_wait3A_134 = arith.constant 0 : i32
      %dma_wait3A_135 = arith.constant 0 : i32
      %dma_wait3A_136 = tpu.memref_slice %arg2[%dma_wait3A_134, %dma_wait3A_135] : memref<10000x16xf32, #tpu.memory_space<hbm>> -> memref<128x16xf32, #tpu.memory_space<hbm>>
      tpu.wait_dma2 semaphore(%arg16 : memref<!tpu.dma_semaphore, #tpu.memory_space<semaphore_mem>>) src(%dma_wait3A_136 : memref<128x16xf32, #tpu.memory_space<hbm>>) dst(%arg10 : memref<128x16xf32, #tpu.memory_space<vmem>>)
      %add3A_137 = arith.constant 1 : i32
      %add3A_138 = arith.addi %add3A_104, %add3A_137 : i32
      %lt3A = arith.constant 79 : i32
      %lt3A_139 = arith.cmpi slt, %add3A_138, %lt3A : i32
      %convert_element_type3A = arith.extui %lt3A_139 : i1 to i32
      %cond3A = arith.constant 0 : i32
      %cond3A_140 = arith.cmpi ne, %convert_element_type3A, %cond3A : i32
      scf.if %cond3A_140 {
        %add3A_153 = arith.constant 1 : i32
        %add3A_154 = arith.addi %add3A_104, %add3A_153 : i32
        %dma_start3A_155 = arith.constant 0 : i32
        %dma_start3A_156 = tpu.memref_slice %arg7[%add3A_154, %dma_start3A_155] : memref<79x128xi32, #tpu.memory_space<vmem>> -> memref<1x128xi32, #tpu.memory_space<vmem>>
        %dma_start3A_157 = tpu.memref_squeeze %dma_start3A_156 : memref<1x128xi32, #tpu.memory_space<vmem>> -> memref<128xi32, #tpu.memory_space<vmem>>
        %dma_start3A_158 = arith.constant 0 : i32
        %dma_start3A_159 = arith.constant 0 : i32
        %dma_start3A_160 = tpu.memref_slice %arg12[%dma_start3A_158, %dma_start3A_159] : memref<10000x16xf32, #tpu.memory_space<vmem_shared>> -> memref<10000x16xf32, #tpu.memory_space<vmem_shared>>
        tpu.enqueue_indirect_dma source(%dma_start3A_160 : memref<10000x16xf32, #tpu.memory_space<vmem_shared>>) target(%arg10 : memref<128x16xf32, #tpu.memory_space<vmem>>) offsets(%dma_start3A_157 : memref<128xi32, #tpu.memory_space<vmem>>) semaphore(%arg14 : memref<!tpu.dma_semaphore, #tpu.memory_space<semaphore_mem>>)
      } else {
      }
      %dma_wait3A_141 = arith.constant 0 : i32
      %dma_wait3A_142 = arith.constant 0 : i32
      %dma_wait3A_143 = tpu.memref_slice %arg2[%dma_wait3A_141, %dma_wait3A_142] : memref<10000x16xf32, #tpu.memory_space<hbm>> -> memref<128x16xf32, #tpu.memory_space<hbm>>
      %dma_wait3A_144 = arith.constant 0 : i32
      %dma_wait3A_145 = arith.constant 0 : i32
      %dma_wait3A_146 = tpu.memref_slice %arg2[%dma_wait3A_144, %dma_wait3A_145] : memref<10000x16xf32, #tpu.memory_space<hbm>> -> memref<128x16xf32, #tpu.memory_space<hbm>>
      tpu.wait_dma2 semaphore(%arg13 : memref<!tpu.dma_semaphore, #tpu.memory_space<semaphore_mem>>) src(%dma_wait3A_146 : memref<128x16xf32, #tpu.memory_space<hbm>>) dst(%arg9 : memref<128x16xf32, #tpu.memory_space<vmem>>)
      %dma_start3A_147 = arith.constant 0 : i32
      %dma_start3A_148 = tpu.memref_slice %arg8[%add3A_104, %dma_start3A_147] : memref<79x128xi32, #tpu.memory_space<vmem>> -> memref<1x128xi32, #tpu.memory_space<vmem>>
      %dma_start3A_149 = tpu.memref_squeeze %dma_start3A_148 : memref<1x128xi32, #tpu.memory_space<vmem>> -> memref<128xi32, #tpu.memory_space<vmem>>
      %dma_start3A_150 = arith.constant 0 : i32
      %dma_start3A_151 = arith.constant 0 : i32
      %dma_start3A_152 = tpu.memref_slice %arg11[%dma_start3A_150, %dma_start3A_151] : memref<10240x16xf32, #tpu.memory_space<vmem_shared>> -> memref<10240x16xf32, #tpu.memory_space<vmem_shared>>
      tpu.enqueue_indirect_dma source(%arg9 : memref<128x16xf32, #tpu.memory_space<vmem>>) target(%dma_start3A_152 : memref<10240x16xf32, #tpu.memory_space<vmem_shared>>) offsets(%dma_start3A_149 : memref<128xi32, #tpu.memory_space<vmem>>) semaphore(%arg15 : memref<!tpu.dma_semaphore, #tpu.memory_space<semaphore_mem>>) {add = true}
    }
    %scan3A_86 = arith.constant 39 : i32
    %dma_wait3A_87 = arith.constant 0 : i32
    %dma_wait3A_88 = arith.constant 0 : i32
    %dma_wait3A_89 = tpu.memref_slice %arg2[%dma_wait3A_87, %dma_wait3A_88] : memref<10000x16xf32, #tpu.memory_space<hbm>> -> memref<128x16xf32, #tpu.memory_space<hbm>>
    %dma_wait3A_90 = arith.constant 0 : i32
    %dma_wait3A_91 = arith.constant 0 : i32
    %dma_wait3A_92 = tpu.memref_slice %arg2[%dma_wait3A_90, %dma_wait3A_91] : memref<10000x16xf32, #tpu.memory_space<hbm>> -> memref<128x16xf32, #tpu.memory_space<hbm>>
    tpu.wait_dma2 semaphore(%arg15 : memref<!tpu.dma_semaphore, #tpu.memory_space<semaphore_mem>>) src(%dma_wait3A_92 : memref<128x16xf32, #tpu.memory_space<hbm>>) dst(%arg9 : memref<128x16xf32, #tpu.memory_space<vmem>>)
    %barrier3A_93 = arith.constant 0 : index
    tpu.barrier barrier_id(%barrier3A_93)
    %mul3A_94 = arith.constant 640 : i32
    %mul3A_95 = arith.muli %arg1, %mul3A_94 : i32
    %mul3A_96 = arith.constant 640 : i32
    %mul3A_97 = arith.muli %arg1, %mul3A_96 : i32
    "tpu.region"() ({
      %run_scoped3A = tpu.sem_alloc : memref<!tpu.dma_semaphore, #tpu.memory_space<semaphore_mem>>
      %dma_start3A_98 = arith.constant 0 : i32
      %dma_start3A_99 = tpu.memref_slice %arg6[%arg0, %mul3A_97, %dma_start3A_98] : memref<2x10240x16xf32, #tpu.memory_space<hbm>> -> memref<1x640x16xf32, #tpu.memory_space<hbm>>
      %dma_start3A_100 = tpu.memref_squeeze %dma_start3A_99 : memref<1x640x16xf32, #tpu.memory_space<hbm>> -> memref<640x16xf32, #tpu.memory_space<hbm>>
      %dma_start3A_101 = arith.constant 0 : i32
      %dma_start3A_102 = tpu.memref_slice %arg11[%mul3A_95, %dma_start3A_101] : memref<10240x16xf32, #tpu.memory_space<vmem_shared>> -> memref<640x16xf32, #tpu.memory_space<vmem_shared>>
      tpu.enqueue_dma source(%dma_start3A_102 : memref<640x16xf32, #tpu.memory_space<vmem_shared>>) target(%dma_start3A_100 : memref<640x16xf32, #tpu.memory_space<hbm>>) target_semaphore(%run_scoped3A : memref<!tpu.dma_semaphore, #tpu.memory_space<semaphore_mem>>)
      %dma_wait3A_103 = arith.constant 0 : i32
      %dma_wait3A_104 = tpu.memref_slice %arg6[%arg0, %mul3A_97, %dma_wait3A_103] : memref<2x10240x16xf32, #tpu.memory_space<hbm>> -> memref<1x640x16xf32, #tpu.memory_space<hbm>>
      %dma_wait3A_105 = tpu.memref_squeeze %dma_wait3A_104 : memref<1x640x16xf32, #tpu.memory_space<hbm>> -> memref<640x16xf32, #tpu.memory_space<hbm>>
      %dma_wait3A_106 = arith.constant 0 : i32
      %dma_wait3A_107 = tpu.memref_slice %arg11[%mul3A_95, %dma_wait3A_106] : memref<10240x16xf32, #tpu.memory_space<vmem_shared>> -> memref<640x16xf32, #tpu.memory_space<vmem_shared>>
      tpu.wait_dma2 semaphore(%run_scoped3A : memref<!tpu.dma_semaphore, #tpu.memory_space<semaphore_mem>>) src(%dma_wait3A_107 : memref<640x16xf32, #tpu.memory_space<vmem_shared>>) dst(%dma_wait3A_105 : memref<640x16xf32, #tpu.memory_space<hbm>>)
      tpu.yield
    }) : () -> ()
    return
  }
}

#map = affine_map<(d0, d1) -> (0, 0)>
#map1 = affine_map<(d0, d1) -> (0, 0, 0)>
module attributes {stable_mosaic.version = 14 : i64} {
  func.func @_scatter_pass(%arg0: i32, %arg1: i32, %arg2: memref<10000x16xf32, #tpu.memory_space<hbm>>, %arg3: memref<32x79x128xi32, #tpu.memory_space<hbm>>, %arg4: memref<32x79x128xi32, #tpu.memory_space<hbm>>, %arg5: memref<10240x16xf32, #tpu.memory_space<hbm>>, %arg6: memref<2x10240x16xf32, #tpu.memory_space<hbm>>, %arg7: memref<79x128xi32, #tpu.memory_space<vmem>>, %arg8: memref<79x128xi32, #tpu.memory_space<vmem>>, %arg9: memref<128x16xf32, #tpu.memory_space<vmem>>, %arg10: memref<128x16xf32, #tpu.memory_space<vmem>>, %arg11: memref<10240x16xf32, #tpu.memory_space<vmem_shared>>, %arg12: memref<10000x16xf32, #tpu.memory_space<vmem_shared>>, %arg13: memref<!tpu.dma_semaphore, #tpu.memory_space<semaphore_mem>>, %arg14: memref<!tpu.dma_semaphore, #tpu.memory_space<semaphore_mem>>, %arg15: memref<!tpu.dma_semaphore, #tpu.memory_space<semaphore_mem>>, %arg16: memref<!tpu.dma_semaphore, #tpu.memory_space<semaphore_mem>>) attributes {dimension_semantics = [#tpu.dimension_semantics<core_parallel>, #tpu.dimension_semantics<subcore_parallel>], iteration_bounds = array<i64: 2, 16>, scalar_prefetch = 0 : i64, scratch_operands = 10 : i64, tpu.core_type = #tpu.core_type<sc_vector_subcore>, window_params = [{transform_indices = #map}, {transform_indices = #map1}, {transform_indices = #map1}, {transform_indices = #map}, {transform_indices = #map1}]} {
    %mul3A = arith.constant 16 : i32
    %mul3A_0 = arith.muli %arg0, %mul3A : i32
    %add3A = arith.addi %mul3A_0, %arg1 : i32
    %mul3A_1 = arith.constant 640 : i32
    %mul3A_2 = arith.muli %arg1, %mul3A_1 : i32
    %mul3A_3 = arith.constant 640 : i32
    %mul3A_4 = arith.muli %arg1, %mul3A_3 : i32
    %dma_start3A = arith.constant 0 : i32
    %dma_start3A_5 = tpu.memref_slice %arg11[%mul3A_4, %dma_start3A] : memref<10240x16xf32, #tpu.memory_space<vmem_shared>> -> memref<640x16xf32, #tpu.memory_space<vmem_shared>>
    %dma_start3A_6 = arith.constant 0 : i32
    %dma_start3A_7 = tpu.memref_slice %arg5[%mul3A_2, %dma_start3A_6] : memref<10240x16xf32, #tpu.memory_space<hbm>> -> memref<640x16xf32, #tpu.memory_space<hbm>>
    tpu.enqueue_dma source(%dma_start3A_7 : memref<640x16xf32, #tpu.memory_space<hbm>>) target(%dma_start3A_5 : memref<640x16xf32, #tpu.memory_space<vmem_shared>>) target_semaphore(%arg13 : memref<!tpu.dma_semaphore, #tpu.memory_space<semaphore_mem>>)
    %mul3A_8 = arith.constant 625 : i32
    %mul3A_9 = arith.muli %arg1, %mul3A_8 : i32
    %mul3A_10 = arith.constant 625 : i32
    %mul3A_11 = arith.muli %arg1, %mul3A_10 : i32
    %dma_start3A_12 = arith.constant 0 : i32
    %dma_start3A_13 = tpu.memref_slice %arg12[%mul3A_11, %dma_start3A_12] : memref<10000x16xf32, #tpu.memory_space<vmem_shared>> -> memref<625x16xf32, #tpu.memory_space<vmem_shared>>
    %dma_start3A_14 = arith.constant 0 : i32
    %dma_start3A_15 = tpu.memref_slice %arg2[%mul3A_9, %dma_start3A_14] : memref<10000x16xf32, #tpu.memory_space<hbm>> -> memref<625x16xf32, #tpu.memory_space<hbm>>
    tpu.enqueue_dma source(%dma_start3A_15 : memref<625x16xf32, #tpu.memory_space<hbm>>) target(%dma_start3A_13 : memref<625x16xf32, #tpu.memory_space<vmem_shared>>) target_semaphore(%arg14 : memref<!tpu.dma_semaphore, #tpu.memory_space<semaphore_mem>>)
    %dma_start3A_16 = arith.constant 0 : i32
    %dma_start3A_17 = arith.constant 0 : i32
    %dma_start3A_18 = tpu.memref_slice %arg3[%add3A, %dma_start3A_16, %dma_start3A_17] : memref<32x79x128xi32, #tpu.memory_space<hbm>> -> memref<1x79x128xi32, #tpu.memory_space<hbm>>
    %dma_start3A_19 = tpu.memref_squeeze %dma_start3A_18 : memref<1x79x128xi32, #tpu.memory_space<hbm>> -> memref<79x128xi32, #tpu.memory_space<hbm>>
    %dma_start3A_20 = arith.constant 0 : i32
    %dma_start3A_21 = arith.constant 0 : i32
    %dma_start3A_22 = tpu.memref_slice %arg3[%add3A, %dma_start3A_20, %dma_start3A_21] : memref<32x79x128xi32, #tpu.memory_space<hbm>> -> memref<1x79x128xi32, #tpu.memory_space<hbm>>
    %dma_start3A_23 = tpu.memref_squeeze %dma_start3A_22 : memref<1x79x128xi32, #tpu.memory_space<hbm>> -> memref<79x128xi32, #tpu.memory_space<hbm>>
    tpu.enqueue_dma source(%dma_start3A_23 : memref<79x128xi32, #tpu.memory_space<hbm>>) target(%arg7 : memref<79x128xi32, #tpu.memory_space<vmem>>) target_semaphore(%arg15 : memref<!tpu.dma_semaphore, #tpu.memory_space<semaphore_mem>>)
    %dma_start3A_24 = arith.constant 0 : i32
    %dma_start3A_25 = arith.constant 0 : i32
    %dma_start3A_26 = tpu.memref_slice %arg4[%add3A, %dma_start3A_24, %dma_start3A_25] : memref<32x79x128xi32, #tpu.memory_space<hbm>> -> memref<1x79x128xi32, #tpu.memory_space<hbm>>
    %dma_start3A_27 = tpu.memref_squeeze %dma_start3A_26 : memref<1x79x128xi32, #tpu.memory_space<hbm>> -> memref<79x128xi32, #tpu.memory_space<hbm>>
    %dma_start3A_28 = arith.constant 0 : i32
    %dma_start3A_29 = arith.constant 0 : i32
    %dma_start3A_30 = tpu.memref_slice %arg4[%add3A, %dma_start3A_28, %dma_start3A_29] : memref<32x79x128xi32, #tpu.memory_space<hbm>> -> memref<1x79x128xi32, #tpu.memory_space<hbm>>
    %dma_start3A_31 = tpu.memref_squeeze %dma_start3A_30 : memref<1x79x128xi32, #tpu.memory_space<hbm>> -> memref<79x128xi32, #tpu.memory_space<hbm>>
    tpu.enqueue_dma source(%dma_start3A_31 : memref<79x128xi32, #tpu.memory_space<hbm>>) target(%arg8 : memref<79x128xi32, #tpu.memory_space<vmem>>) target_semaphore(%arg16 : memref<!tpu.dma_semaphore, #tpu.memory_space<semaphore_mem>>)
    %dma_wait3A = arith.constant 0 : i32
    %dma_wait3A_32 = tpu.memref_slice %arg11[%mul3A_4, %dma_wait3A] : memref<10240x16xf32, #tpu.memory_space<vmem_shared>> -> memref<640x16xf32, #tpu.memory_space<vmem_shared>>
    %dma_wait3A_33 = arith.constant 0 : i32
    %dma_wait3A_34 = tpu.memref_slice %arg5[%mul3A_2, %dma_wait3A_33] : memref<10240x16xf32, #tpu.memory_space<hbm>> -> memref<640x16xf32, #tpu.memory_space<hbm>>
    tpu.wait_dma2 semaphore(%arg13 : memref<!tpu.dma_semaphore, #tpu.memory_space<semaphore_mem>>) src(%dma_wait3A_34 : memref<640x16xf32, #tpu.memory_space<hbm>>) dst(%dma_wait3A_32 : memref<640x16xf32, #tpu.memory_space<vmem_shared>>)
    %dma_wait3A_35 = arith.constant 0 : i32
    %dma_wait3A_36 = tpu.memref_slice %arg12[%mul3A_11, %dma_wait3A_35] : memref<10000x16xf32, #tpu.memory_space<vmem_shared>> -> memref<625x16xf32, #tpu.memory_space<vmem_shared>>
    %dma_wait3A_37 = arith.constant 0 : i32
    %dma_wait3A_38 = tpu.memref_slice %arg2[%mul3A_9, %dma_wait3A_37] : memref<10000x16xf32, #tpu.memory_space<hbm>> -> memref<625x16xf32, #tpu.memory_space<hbm>>
    tpu.wait_dma2 semaphore(%arg14 : memref<!tpu.dma_semaphore, #tpu.memory_space<semaphore_mem>>) src(%dma_wait3A_38 : memref<625x16xf32, #tpu.memory_space<hbm>>) dst(%dma_wait3A_36 : memref<625x16xf32, #tpu.memory_space<vmem_shared>>)
    %dma_wait3A_39 = arith.constant 0 : i32
    %dma_wait3A_40 = arith.constant 0 : i32
    %dma_wait3A_41 = tpu.memref_slice %arg3[%add3A, %dma_wait3A_39, %dma_wait3A_40] : memref<32x79x128xi32, #tpu.memory_space<hbm>> -> memref<1x79x128xi32, #tpu.memory_space<hbm>>
    %dma_wait3A_42 = tpu.memref_squeeze %dma_wait3A_41 : memref<1x79x128xi32, #tpu.memory_space<hbm>> -> memref<79x128xi32, #tpu.memory_space<hbm>>
    %dma_wait3A_43 = arith.constant 0 : i32
    %dma_wait3A_44 = arith.constant 0 : i32
    %dma_wait3A_45 = tpu.memref_slice %arg3[%add3A, %dma_wait3A_43, %dma_wait3A_44] : memref<32x79x128xi32, #tpu.memory_space<hbm>> -> memref<1x79x128xi32, #tpu.memory_space<hbm>>
    %dma_wait3A_46 = tpu.memref_squeeze %dma_wait3A_45 : memref<1x79x128xi32, #tpu.memory_space<hbm>> -> memref<79x128xi32, #tpu.memory_space<hbm>>
    tpu.wait_dma2 semaphore(%arg15 : memref<!tpu.dma_semaphore, #tpu.memory_space<semaphore_mem>>) src(%dma_wait3A_46 : memref<79x128xi32, #tpu.memory_space<hbm>>) dst(%arg7 : memref<79x128xi32, #tpu.memory_space<vmem>>)
    %dma_wait3A_47 = arith.constant 0 : i32
    %dma_wait3A_48 = arith.constant 0 : i32
    %dma_wait3A_49 = tpu.memref_slice %arg4[%add3A, %dma_wait3A_47, %dma_wait3A_48] : memref<32x79x128xi32, #tpu.memory_space<hbm>> -> memref<1x79x128xi32, #tpu.memory_space<hbm>>
    %dma_wait3A_50 = tpu.memref_squeeze %dma_wait3A_49 : memref<1x79x128xi32, #tpu.memory_space<hbm>> -> memref<79x128xi32, #tpu.memory_space<hbm>>
    %dma_wait3A_51 = arith.constant 0 : i32
    %dma_wait3A_52 = arith.constant 0 : i32
    %dma_wait3A_53 = tpu.memref_slice %arg4[%add3A, %dma_wait3A_51, %dma_wait3A_52] : memref<32x79x128xi32, #tpu.memory_space<hbm>> -> memref<1x79x128xi32, #tpu.memory_space<hbm>>
    %dma_wait3A_54 = tpu.memref_squeeze %dma_wait3A_53 : memref<1x79x128xi32, #tpu.memory_space<hbm>> -> memref<79x128xi32, #tpu.memory_space<hbm>>
    tpu.wait_dma2 semaphore(%arg16 : memref<!tpu.dma_semaphore, #tpu.memory_space<semaphore_mem>>) src(%dma_wait3A_54 : memref<79x128xi32, #tpu.memory_space<hbm>>) dst(%arg8 : memref<79x128xi32, #tpu.memory_space<vmem>>)
    %barrier3A = arith.constant 0 : index
    tpu.barrier barrier_id(%barrier3A)
    %dma_start3A_55 = arith.constant 0 : i32
    %dma_start3A_56 = arith.constant 0 : i32
    %dma_start3A_57 = tpu.memref_slice %arg7[%dma_start3A_55, %dma_start3A_56] : memref<79x128xi32, #tpu.memory_space<vmem>> -> memref<1x128xi32, #tpu.memory_space<vmem>>
    %dma_start3A_58 = tpu.memref_squeeze %dma_start3A_57 : memref<1x128xi32, #tpu.memory_space<vmem>> -> memref<128xi32, #tpu.memory_space<vmem>>
    %dma_start3A_59 = arith.constant 0 : i32
    %dma_start3A_60 = arith.constant 0 : i32
    %dma_start3A_61 = tpu.memref_slice %arg12[%dma_start3A_59, %dma_start3A_60] : memref<10000x16xf32, #tpu.memory_space<vmem_shared>> -> memref<10000x16xf32, #tpu.memory_space<vmem_shared>>
    tpu.enqueue_indirect_dma source(%dma_start3A_61 : memref<10000x16xf32, #tpu.memory_space<vmem_shared>>) target(%arg9 : memref<128x16xf32, #tpu.memory_space<vmem>>) offsets(%dma_start3A_58 : memref<128xi32, #tpu.memory_space<vmem>>) semaphore(%arg13 : memref<!tpu.dma_semaphore, #tpu.memory_space<semaphore_mem>>)
    %dma_start3A_62 = arith.constant 1 : i32
    %dma_start3A_63 = arith.constant 0 : i32
    %dma_start3A_64 = tpu.memref_slice %arg7[%dma_start3A_62, %dma_start3A_63] : memref<79x128xi32, #tpu.memory_space<vmem>> -> memref<1x128xi32, #tpu.memory_space<vmem>>
    %dma_start3A_65 = tpu.memref_squeeze %dma_start3A_64 : memref<1x128xi32, #tpu.memory_space<vmem>> -> memref<128xi32, #tpu.memory_space<vmem>>
    %dma_start3A_66 = arith.constant 0 : i32
    %dma_start3A_67 = arith.constant 0 : i32
    %dma_start3A_68 = tpu.memref_slice %arg12[%dma_start3A_66, %dma_start3A_67] : memref<10000x16xf32, #tpu.memory_space<vmem_shared>> -> memref<10000x16xf32, #tpu.memory_space<vmem_shared>>
    tpu.enqueue_indirect_dma source(%dma_start3A_68 : memref<10000x16xf32, #tpu.memory_space<vmem_shared>>) target(%arg10 : memref<128x16xf32, #tpu.memory_space<vmem>>) offsets(%dma_start3A_65 : memref<128xi32, #tpu.memory_space<vmem>>) semaphore(%arg14 : memref<!tpu.dma_semaphore, #tpu.memory_space<semaphore_mem>>)
    %dma_wait3A_69 = arith.constant 0 : i32
    %dma_wait3A_70 = arith.constant 0 : i32
    %dma_wait3A_71 = tpu.memref_slice %arg2[%dma_wait3A_69, %dma_wait3A_70] : memref<10000x16xf32, #tpu.memory_space<hbm>> -> memref<128x16xf32, #tpu.memory_space<hbm>>
    %dma_wait3A_72 = arith.constant 0 : i32
    %dma_wait3A_73 = arith.constant 0 : i32
    %dma_wait3A_74 = tpu.memref_slice %arg2[%dma_wait3A_72, %dma_wait3A_73] : memref<10000x16xf32, #tpu.memory_space<hbm>> -> memref<128x16xf32, #tpu.memory_space<hbm>>
    tpu.wait_dma2 semaphore(%arg13 : memref<!tpu.dma_semaphore, #tpu.memory_space<semaphore_mem>>) src(%dma_wait3A_74 : memref<128x16xf32, #tpu.memory_space<hbm>>) dst(%arg9 : memref<128x16xf32, #tpu.memory_space<vmem>>)
    %dma_start3A_75 = arith.constant 0 : i32
    %dma_start3A_76 = arith.constant 0 : i32
    %dma_start3A_77 = tpu.memref_slice %arg8[%dma_start3A_75, %dma_start3A_76] : memref<79x128xi32, #tpu.memory_space<vmem>> -> memref<1x128xi32, #tpu.memory_space<vmem>>
    %dma_start3A_78 = tpu.memref_squeeze %dma_start3A_77 : memref<1x128xi32, #tpu.memory_space<vmem>> -> memref<128xi32, #tpu.memory_space<vmem>>
    %dma_start3A_79 = arith.constant 0 : i32
    %dma_start3A_80 = arith.constant 0 : i32
    %dma_start3A_81 = tpu.memref_slice %arg11[%dma_start3A_79, %dma_start3A_80] : memref<10240x16xf32, #tpu.memory_space<vmem_shared>> -> memref<10240x16xf32, #tpu.memory_space<vmem_shared>>
    tpu.enqueue_indirect_dma source(%arg9 : memref<128x16xf32, #tpu.memory_space<vmem>>) target(%dma_start3A_81 : memref<10240x16xf32, #tpu.memory_space<vmem_shared>>) offsets(%dma_start3A_78 : memref<128xi32, #tpu.memory_space<vmem>>) semaphore(%arg15 : memref<!tpu.dma_semaphore, #tpu.memory_space<semaphore_mem>>) {add = true}
    %scan3A = arith.constant 0 : i32
    %scan3A_82 = arith.constant 0 : i32
    %scan3A_83 = arith.constant 39 : i32
    %scan3A_84 = arith.addi %scan3A_82, %scan3A_83 : i32
    %scan3A_85 = arith.constant 1 : i32
    scf.for %scan3A_98 = %scan3A_82 to %scan3A_84 step %scan3A_85  : i32 {
      %mul3A_99 = arith.constant 2 : i32
      %mul3A_100 = arith.muli %mul3A_99, %scan3A_98 : i32
      %add3A_101 = arith.constant 1 : i32
      %add3A_102 = arith.addi %mul3A_100, %add3A_101 : i32
      %add3A_103 = arith.constant 1 : i32
      %add3A_104 = arith.addi %add3A_102, %add3A_103 : i32
      %dma_wait3A_105 = arith.constant 0 : i32
      %dma_wait3A_106 = arith.constant 0 : i32
      %dma_wait3A_107 = tpu.memref_slice %arg2[%dma_wait3A_105, %dma_wait3A_106] : memref<10000x16xf32, #tpu.memory_space<hbm>> -> memref<128x16xf32, #tpu.memory_space<hbm>>
      %dma_wait3A_108 = arith.constant 0 : i32
      %dma_wait3A_109 = arith.constant 0 : i32
      %dma_wait3A_110 = tpu.memref_slice %arg2[%dma_wait3A_108, %dma_wait3A_109] : memref<10000x16xf32, #tpu.memory_space<hbm>> -> memref<128x16xf32, #tpu.memory_space<hbm>>
      tpu.wait_dma2 semaphore(%arg15 : memref<!tpu.dma_semaphore, #tpu.memory_space<semaphore_mem>>) src(%dma_wait3A_110 : memref<128x16xf32, #tpu.memory_space<hbm>>) dst(%arg9 : memref<128x16xf32, #tpu.memory_space<vmem>>)
      %add3A_111 = arith.constant 1 : i32
      %add3A_112 = arith.addi %add3A_102, %add3A_111 : i32
      %dma_start3A_113 = arith.constant 0 : i32
      %dma_start3A_114 = tpu.memref_slice %arg7[%add3A_112, %dma_start3A_113] : memref<79x128xi32, #tpu.memory_space<vmem>> -> memref<1x128xi32, #tpu.memory_space<vmem>>
      %dma_start3A_115 = tpu.memref_squeeze %dma_start3A_114 : memref<1x128xi32, #tpu.memory_space<vmem>> -> memref<128xi32, #tpu.memory_space<vmem>>
      %dma_start3A_116 = arith.constant 0 : i32
      %dma_start3A_117 = arith.constant 0 : i32
      %dma_start3A_118 = tpu.memref_slice %arg12[%dma_start3A_116, %dma_start3A_117] : memref<10000x16xf32, #tpu.memory_space<vmem_shared>> -> memref<10000x16xf32, #tpu.memory_space<vmem_shared>>
      tpu.enqueue_indirect_dma source(%dma_start3A_118 : memref<10000x16xf32, #tpu.memory_space<vmem_shared>>) target(%arg9 : memref<128x16xf32, #tpu.memory_space<vmem>>) offsets(%dma_start3A_115 : memref<128xi32, #tpu.memory_space<vmem>>) semaphore(%arg13 : memref<!tpu.dma_semaphore, #tpu.memory_space<semaphore_mem>>)
      %dma_wait3A_119 = arith.constant 0 : i32
      %dma_wait3A_120 = arith.constant 0 : i32
      %dma_wait3A_121 = tpu.memref_slice %arg2[%dma_wait3A_119, %dma_wait3A_120] : memref<10000x16xf32, #tpu.memory_space<hbm>> -> memref<128x16xf32, #tpu.memory_space<hbm>>
      %dma_wait3A_122 = arith.constant 0 : i32
      %dma_wait3A_123 = arith.constant 0 : i32
      %dma_wait3A_124 = tpu.memref_slice %arg2[%dma_wait3A_122, %dma_wait3A_123] : memref<10000x16xf32, #tpu.memory_space<hbm>> -> memref<128x16xf32, #tpu.memory_space<hbm>>
      tpu.wait_dma2 semaphore(%arg14 : memref<!tpu.dma_semaphore, #tpu.memory_space<semaphore_mem>>) src(%dma_wait3A_124 : memref<128x16xf32, #tpu.memory_space<hbm>>) dst(%arg10 : memref<128x16xf32, #tpu.memory_space<vmem>>)
      %dma_start3A_125 = arith.constant 0 : i32
      %dma_start3A_126 = tpu.memref_slice %arg8[%add3A_102, %dma_start3A_125] : memref<79x128xi32, #tpu.memory_space<vmem>> -> memref<1x128xi32, #tpu.memory_space<vmem>>
      %dma_start3A_127 = tpu.memref_squeeze %dma_start3A_126 : memref<1x128xi32, #tpu.memory_space<vmem>> -> memref<128xi32, #tpu.memory_space<vmem>>
      %dma_start3A_128 = arith.constant 0 : i32
      %dma_start3A_129 = arith.constant 0 : i32
      %dma_start3A_130 = tpu.memref_slice %arg11[%dma_start3A_128, %dma_start3A_129] : memref<10240x16xf32, #tpu.memory_space<vmem_shared>> -> memref<10240x16xf32, #tpu.memory_space<vmem_shared>>
      tpu.enqueue_indirect_dma source(%arg10 : memref<128x16xf32, #tpu.memory_space<vmem>>) target(%dma_start3A_130 : memref<10240x16xf32, #tpu.memory_space<vmem_shared>>) offsets(%dma_start3A_127 : memref<128xi32, #tpu.memory_space<vmem>>) semaphore(%arg16 : memref<!tpu.dma_semaphore, #tpu.memory_space<semaphore_mem>>) {add = true}
      %dma_wait3A_131 = arith.constant 0 : i32
      %dma_wait3A_132 = arith.constant 0 : i32
      %dma_wait3A_133 = tpu.memref_slice %arg2[%dma_wait3A_131, %dma_wait3A_132] : memref<10000x16xf32, #tpu.memory_space<hbm>> -> memref<128x16xf32, #tpu.memory_space<hbm>>
      %dma_wait3A_134 = arith.constant 0 : i32
      %dma_wait3A_135 = arith.constant 0 : i32
      %dma_wait3A_136 = tpu.memref_slice %arg2[%dma_wait3A_134, %dma_wait3A_135] : memref<10000x16xf32, #tpu.memory_space<hbm>> -> memref<128x16xf32, #tpu.memory_space<hbm>>
      tpu.wait_dma2 semaphore(%arg16 : memref<!tpu.dma_semaphore, #tpu.memory_space<semaphore_mem>>) src(%dma_wait3A_136 : memref<128x16xf32, #tpu.memory_space<hbm>>) dst(%arg10 : memref<128x16xf32, #tpu.memory_space<vmem>>)
      %add3A_137 = arith.constant 1 : i32
      %add3A_138 = arith.addi %add3A_104, %add3A_137 : i32
      %lt3A = arith.constant 79 : i32
      %lt3A_139 = arith.cmpi slt, %add3A_138, %lt3A : i32
      %convert_element_type3A = arith.extui %lt3A_139 : i1 to i32
      %cond3A = arith.constant 0 : i32
      %cond3A_140 = arith.cmpi ne, %convert_element_type3A, %cond3A : i32
      scf.if %cond3A_140 {
        %add3A_153 = arith.constant 1 : i32
        %add3A_154 = arith.addi %add3A_104, %add3A_153 : i32
        %dma_start3A_155 = arith.constant 0 : i32
        %dma_start3A_156 = tpu.memref_slice %arg7[%add3A_154, %dma_start3A_155] : memref<79x128xi32, #tpu.memory_space<vmem>> -> memref<1x128xi32, #tpu.memory_space<vmem>>
        %dma_start3A_157 = tpu.memref_squeeze %dma_start3A_156 : memref<1x128xi32, #tpu.memory_space<vmem>> -> memref<128xi32, #tpu.memory_space<vmem>>
        %dma_start3A_158 = arith.constant 0 : i32
        %dma_start3A_159 = arith.constant 0 : i32
        %dma_start3A_160 = tpu.memref_slice %arg12[%dma_start3A_158, %dma_start3A_159] : memref<10000x16xf32, #tpu.memory_space<vmem_shared>> -> memref<10000x16xf32, #tpu.memory_space<vmem_shared>>
        tpu.enqueue_indirect_dma source(%dma_start3A_160 : memref<10000x16xf32, #tpu.memory_space<vmem_shared>>) target(%arg10 : memref<128x16xf32, #tpu.memory_space<vmem>>) offsets(%dma_start3A_157 : memref<128xi32, #tpu.memory_space<vmem>>) semaphore(%arg14 : memref<!tpu.dma_semaphore, #tpu.memory_space<semaphore_mem>>)
      } else {
      }
      %dma_wait3A_141 = arith.constant 0 : i32
      %dma_wait3A_142 = arith.constant 0 : i32
      %dma_wait3A_143 = tpu.memref_slice %arg2[%dma_wait3A_141, %dma_wait3A_142] : memref<10000x16xf32, #tpu.memory_space<hbm>> -> memref<128x16xf32, #tpu.memory_space<hbm>>
      %dma_wait3A_144 = arith.constant 0 : i32
      %dma_wait3A_145 = arith.constant 0 : i32
      %dma_wait3A_146 = tpu.memref_slice %arg2[%dma_wait3A_144, %dma_wait3A_145] : memref<10000x16xf32, #tpu.memory_space<hbm>> -> memref<128x16xf32, #tpu.memory_space<hbm>>
      tpu.wait_dma2 semaphore(%arg13 : memref<!tpu.dma_semaphore, #tpu.memory_space<semaphore_mem>>) src(%dma_wait3A_146 : memref<128x16xf32, #tpu.memory_space<hbm>>) dst(%arg9 : memref<128x16xf32, #tpu.memory_space<vmem>>)
      %dma_start3A_147 = arith.constant 0 : i32
      %dma_start3A_148 = tpu.memref_slice %arg8[%add3A_104, %dma_start3A_147] : memref<79x128xi32, #tpu.memory_space<vmem>> -> memref<1x128xi32, #tpu.memory_space<vmem>>
      %dma_start3A_149 = tpu.memref_squeeze %dma_start3A_148 : memref<1x128xi32, #tpu.memory_space<vmem>> -> memref<128xi32, #tpu.memory_space<vmem>>
      %dma_start3A_150 = arith.constant 0 : i32
      %dma_start3A_151 = arith.constant 0 : i32
      %dma_start3A_152 = tpu.memref_slice %arg11[%dma_start3A_150, %dma_start3A_151] : memref<10240x16xf32, #tpu.memory_space<vmem_shared>> -> memref<10240x16xf32, #tpu.memory_space<vmem_shared>>
      tpu.enqueue_indirect_dma source(%arg9 : memref<128x16xf32, #tpu.memory_space<vmem>>) target(%dma_start3A_152 : memref<10240x16xf32, #tpu.memory_space<vmem_shared>>) offsets(%dma_start3A_149 : memref<128xi32, #tpu.memory_space<vmem>>) semaphore(%arg15 : memref<!tpu.dma_semaphore, #tpu.memory_space<semaphore_mem>>) {add = true}
    }
    %scan3A_86 = arith.constant 39 : i32
    %dma_wait3A_87 = arith.constant 0 : i32
    %dma_wait3A_88 = arith.constant 0 : i32
    %dma_wait3A_89 = tpu.memref_slice %arg2[%dma_wait3A_87, %dma_wait3A_88] : memref<10000x16xf32, #tpu.memory_space<hbm>> -> memref<128x16xf32, #tpu.memory_space<hbm>>
    %dma_wait3A_90 = arith.constant 0 : i32
    %dma_wait3A_91 = arith.constant 0 : i32
    %dma_wait3A_92 = tpu.memref_slice %arg2[%dma_wait3A_90, %dma_wait3A_91] : memref<10000x16xf32, #tpu.memory_space<hbm>> -> memref<128x16xf32, #tpu.memory_space<hbm>>
    tpu.wait_dma2 semaphore(%arg15 : memref<!tpu.dma_semaphore, #tpu.memory_space<semaphore_mem>>) src(%dma_wait3A_92 : memref<128x16xf32, #tpu.memory_space<hbm>>) dst(%arg9 : memref<128x16xf32, #tpu.memory_space<vmem>>)
    %barrier3A_93 = arith.constant 0 : index
    tpu.barrier barrier_id(%barrier3A_93)
    %mul3A_94 = arith.constant 640 : i32
    %mul3A_95 = arith.muli %arg1, %mul3A_94 : i32
    %mul3A_96 = arith.constant 640 : i32
    %mul3A_97 = arith.muli %arg1, %mul3A_96 : i32
    "tpu.region"() ({
      %run_scoped3A = tpu.sem_alloc : memref<!tpu.dma_semaphore, #tpu.memory_space<semaphore_mem>>
      %dma_start3A_98 = arith.constant 0 : i32
      %dma_start3A_99 = tpu.memref_slice %arg6[%arg0, %mul3A_97, %dma_start3A_98] : memref<2x10240x16xf32, #tpu.memory_space<hbm>> -> memref<1x640x16xf32, #tpu.memory_space<hbm>>
      %dma_start3A_100 = tpu.memref_squeeze %dma_start3A_99 : memref<1x640x16xf32, #tpu.memory_space<hbm>> -> memref<640x16xf32, #tpu.memory_space<hbm>>
      %dma_start3A_101 = arith.constant 0 : i32
      %dma_start3A_102 = tpu.memref_slice %arg11[%mul3A_95, %dma_start3A_101] : memref<10240x16xf32, #tpu.memory_space<vmem_shared>> -> memref<640x16xf32, #tpu.memory_space<vmem_shared>>
      tpu.enqueue_dma source(%dma_start3A_102 : memref<640x16xf32, #tpu.memory_space<vmem_shared>>) target(%dma_start3A_100 : memref<640x16xf32, #tpu.memory_space<hbm>>) target_semaphore(%run_scoped3A : memref<!tpu.dma_semaphore, #tpu.memory_space<semaphore_mem>>)
      %dma_wait3A_103 = arith.constant 0 : i32
      %dma_wait3A_104 = tpu.memref_slice %arg6[%arg0, %mul3A_97, %dma_wait3A_103] : memref<2x10240x16xf32, #tpu.memory_space<hbm>> -> memref<1x640x16xf32, #tpu.memory_space<hbm>>
      %dma_wait3A_105 = tpu.memref_squeeze %dma_wait3A_104 : memref<1x640x16xf32, #tpu.memory_space<hbm>> -> memref<640x16xf32, #tpu.memory_space<hbm>>
      %dma_wait3A_106 = arith.constant 0 : i32
      %dma_wait3A_107 = tpu.memref_slice %arg11[%mul3A_95, %dma_wait3A_106] : memref<10240x16xf32, #tpu.memory_space<vmem_shared>> -> memref<640x16xf32, #tpu.memory_space<vmem_shared>>
      tpu.wait_dma2 semaphore(%run_scoped3A : memref<!tpu.dma_semaphore, #tpu.memory_space<semaphore_mem>>) src(%dma_wait3A_107 : memref<640x16xf32, #tpu.memory_space<vmem_shared>>) dst(%dma_wait3A_105 : memref<640x16xf32, #tpu.memory_space<hbm>>)
      tpu.yield
    }) : () -> ()
    return
  }
}

#map = affine_map<(d0, d1) -> (0, 0, 0)>
#map1 = affine_map<(d0, d1) -> (0, 0)>
module attributes {stable_mosaic.version = 14 : i64} {
  func.func @_degree_pass(%arg0: i32, %arg1: i32, %arg2: memref<32x79x128xi32, #tpu.memory_space<hbm>>, %arg3: memref<10240x16xf32, #tpu.memory_space<hbm>>, %arg4: memref<2x10240x16xf32, #tpu.memory_space<hbm>>, %arg5: memref<79x128xi32, #tpu.memory_space<vmem>>, %arg6: memref<128x16xf32, #tpu.memory_space<vmem>>, %arg7: memref<10240x16xf32, #tpu.memory_space<vmem_shared>>, %arg8: memref<!tpu.dma_semaphore, #tpu.memory_space<semaphore_mem>>, %arg9: memref<!tpu.dma_semaphore, #tpu.memory_space<semaphore_mem>>) attributes {dimension_semantics = [#tpu.dimension_semantics<core_parallel>, #tpu.dimension_semantics<subcore_parallel>], iteration_bounds = array<i64: 2, 16>, scalar_prefetch = 0 : i64, scratch_operands = 5 : i64, tpu.core_type = #tpu.core_type<sc_vector_subcore>, window_params = [{transform_indices = #map}, {transform_indices = #map1}, {transform_indices = #map}]} {
    %mul3A = arith.constant 16 : i32
    %mul3A_0 = arith.muli %arg0, %mul3A : i32
    %add3A = arith.addi %mul3A_0, %arg1 : i32
    %mul3A_1 = arith.constant 640 : i32
    %mul3A_2 = arith.muli %arg1, %mul3A_1 : i32
    %mul3A_3 = arith.constant 640 : i32
    %mul3A_4 = arith.muli %arg1, %mul3A_3 : i32
    %dma_start3A = arith.constant 0 : i32
    %dma_start3A_5 = tpu.memref_slice %arg7[%mul3A_4, %dma_start3A] : memref<10240x16xf32, #tpu.memory_space<vmem_shared>> -> memref<640x16xf32, #tpu.memory_space<vmem_shared>>
    %dma_start3A_6 = arith.constant 0 : i32
    %dma_start3A_7 = tpu.memref_slice %arg3[%mul3A_2, %dma_start3A_6] : memref<10240x16xf32, #tpu.memory_space<hbm>> -> memref<640x16xf32, #tpu.memory_space<hbm>>
    tpu.enqueue_dma source(%dma_start3A_7 : memref<640x16xf32, #tpu.memory_space<hbm>>) target(%dma_start3A_5 : memref<640x16xf32, #tpu.memory_space<vmem_shared>>) target_semaphore(%arg8 : memref<!tpu.dma_semaphore, #tpu.memory_space<semaphore_mem>>)
    %dma_start3A_8 = arith.constant 0 : i32
    %dma_start3A_9 = arith.constant 0 : i32
    %dma_start3A_10 = tpu.memref_slice %arg2[%add3A, %dma_start3A_8, %dma_start3A_9] : memref<32x79x128xi32, #tpu.memory_space<hbm>> -> memref<1x79x128xi32, #tpu.memory_space<hbm>>
    %dma_start3A_11 = tpu.memref_squeeze %dma_start3A_10 : memref<1x79x128xi32, #tpu.memory_space<hbm>> -> memref<79x128xi32, #tpu.memory_space<hbm>>
    %dma_start3A_12 = arith.constant 0 : i32
    %dma_start3A_13 = arith.constant 0 : i32
    %dma_start3A_14 = tpu.memref_slice %arg2[%add3A, %dma_start3A_12, %dma_start3A_13] : memref<32x79x128xi32, #tpu.memory_space<hbm>> -> memref<1x79x128xi32, #tpu.memory_space<hbm>>
    %dma_start3A_15 = tpu.memref_squeeze %dma_start3A_14 : memref<1x79x128xi32, #tpu.memory_space<hbm>> -> memref<79x128xi32, #tpu.memory_space<hbm>>
    tpu.enqueue_dma source(%dma_start3A_15 : memref<79x128xi32, #tpu.memory_space<hbm>>) target(%arg5 : memref<79x128xi32, #tpu.memory_space<vmem>>) target_semaphore(%arg9 : memref<!tpu.dma_semaphore, #tpu.memory_space<semaphore_mem>>)
    %scan3A = arith.constant 0 : i32
    %scan3A_16 = arith.constant 0 : i32
    %scan3A_17 = arith.constant 128 : i32
    %scan3A_18 = arith.addi %scan3A_16, %scan3A_17 : i32
    %scan3A_19 = arith.constant 1 : i32
    scf.for %scan3A_62 = %scan3A_16 to %scan3A_18 step %scan3A_19  : i32 {
      %broadcast_in_dim3A = arith.constant 1.000000e+00 : f32
      %broadcast_in_dim3A_63 = vector.broadcast %broadcast_in_dim3A : f32 to vector<16xf32>
      %swap3A = arith.index_cast %scan3A_62 : i32 to index
      %swap3A_64 = arith.constant 0 : index
      %swap3A_65 = tpu.vector_load %arg6[%swap3A, %swap3A_64] {strides = array<i32>} : memref<128x16xf32, #tpu.memory_space<vmem>>, vector<1x16xf32>,
      %swap3A_66 = vector.shape_cast %swap3A_65 : vector<1x16xf32> to vector<16xf32>
      %swap3A_67 = vector.shape_cast %broadcast_in_dim3A_63 : vector<16xf32> to vector<1x16xf32>
      tpu.vector_store %arg6[%swap3A, %swap3A_64], %swap3A_67 {strides = array<i32>} : memref<128x16xf32, #tpu.memory_space<vmem>>, vector<1x16xf32>,
    }
    %scan3A_20 = arith.constant 128 : i32
    %dma_wait3A = arith.constant 0 : i32
    %dma_wait3A_21 = tpu.memref_slice %arg7[%mul3A_4, %dma_wait3A] : memref<10240x16xf32, #tpu.memory_space<vmem_shared>> -> memref<640x16xf32, #tpu.memory_space<vmem_shared>>
    %dma_wait3A_22 = arith.constant 0 : i32
    %dma_wait3A_23 = tpu.memref_slice %arg3[%mul3A_2, %dma_wait3A_22] : memref<10240x16xf32, #tpu.memory_space<hbm>> -> memref<640x16xf32, #tpu.memory_space<hbm>>
    tpu.wait_dma2 semaphore(%arg8 : memref<!tpu.dma_semaphore, #tpu.memory_space<semaphore_mem>>) src(%dma_wait3A_23 : memref<640x16xf32, #tpu.memory_space<hbm>>) dst(%dma_wait3A_21 : memref<640x16xf32, #tpu.memory_space<vmem_shared>>)
    %dma_wait3A_24 = arith.constant 0 : i32
    %dma_wait3A_25 = arith.constant 0 : i32
    %dma_wait3A_26 = tpu.memref_slice %arg2[%add3A, %dma_wait3A_24, %dma_wait3A_25] : memref<32x79x128xi32, #tpu.memory_space<hbm>> -> memref<1x79x128xi32, #tpu.memory_space<hbm>>
    %dma_wait3A_27 = tpu.memref_squeeze %dma_wait3A_26 : memref<1x79x128xi32, #tpu.memory_space<hbm>> -> memref<79x128xi32, #tpu.memory_space<hbm>>
    %dma_wait3A_28 = arith.constant 0 : i32
    %dma_wait3A_29 = arith.constant 0 : i32
    %dma_wait3A_30 = tpu.memref_slice %arg2[%add3A, %dma_wait3A_28, %dma_wait3A_29] : memref<32x79x128xi32, #tpu.memory_space<hbm>> -> memref<1x79x128xi32, #tpu.memory_space<hbm>>
    %dma_wait3A_31 = tpu.memref_squeeze %dma_wait3A_30 : memref<1x79x128xi32, #tpu.memory_space<hbm>> -> memref<79x128xi32, #tpu.memory_space<hbm>>
    tpu.wait_dma2 semaphore(%arg9 : memref<!tpu.dma_semaphore, #tpu.memory_space<semaphore_mem>>) src(%dma_wait3A_31 : memref<79x128xi32, #tpu.memory_space<hbm>>) dst(%arg5 : memref<79x128xi32, #tpu.memory_space<vmem>>)
    %barrier3A = arith.constant 0 : index
    tpu.barrier barrier_id(%barrier3A)
    %dma_start3A_32 = arith.constant 0 : i32
    %dma_start3A_33 = arith.constant 0 : i32
    %dma_start3A_34 = tpu.memref_slice %arg5[%dma_start3A_32, %dma_start3A_33] : memref<79x128xi32, #tpu.memory_space<vmem>> -> memref<1x128xi32, #tpu.memory_space<vmem>>
    %dma_start3A_35 = tpu.memref_squeeze %dma_start3A_34 : memref<1x128xi32, #tpu.memory_space<vmem>> -> memref<128xi32, #tpu.memory_space<vmem>>
    %dma_start3A_36 = arith.constant 0 : i32
    %dma_start3A_37 = arith.constant 0 : i32
    %dma_start3A_38 = tpu.memref_slice %arg7[%dma_start3A_36, %dma_start3A_37] : memref<10240x16xf32, #tpu.memory_space<vmem_shared>> -> memref<10240x16xf32, #tpu.memory_space<vmem_shared>>
    tpu.enqueue_indirect_dma source(%arg6 : memref<128x16xf32, #tpu.memory_space<vmem>>) target(%dma_start3A_38 : memref<10240x16xf32, #tpu.memory_space<vmem_shared>>) offsets(%dma_start3A_35 : memref<128xi32, #tpu.memory_space<vmem>>) semaphore(%arg8 : memref<!tpu.dma_semaphore, #tpu.memory_space<semaphore_mem>>) {add = true}
    %scan3A_39 = arith.constant 0 : i32
    %scan3A_40 = arith.constant 0 : i32
    %scan3A_41 = arith.constant 39 : i32
    %scan3A_42 = arith.addi %scan3A_40, %scan3A_41 : i32
    %scan3A_43 = arith.constant 1 : i32
    scf.for %scan3A_62 = %scan3A_40 to %scan3A_42 step %scan3A_43  : i32 {
      %mul3A_63 = arith.constant 2 : i32
      %mul3A_64 = arith.muli %mul3A_63, %scan3A_62 : i32
      %add3A_65 = arith.constant 1 : i32
      %add3A_66 = arith.addi %mul3A_64, %add3A_65 : i32
      %add3A_67 = arith.constant 1 : i32
      %add3A_68 = arith.addi %add3A_66, %add3A_67 : i32
      %gt3A = arith.constant 0 : i32
      %gt3A_69 = arith.cmpi sgt, %scan3A_62, %gt3A : i32
      %convert_element_type3A = arith.extui %gt3A_69 : i1 to i32
      %cond3A = arith.constant 0 : i32
      %cond3A_70 = arith.cmpi ne, %convert_element_type3A, %cond3A : i32
      scf.if %cond3A_70 {
        %dma_wait3A_89 = arith.constant 0 : i32
        %dma_wait3A_90 = arith.constant 0 : i32
        %dma_wait3A_91 = tpu.memref_slice %arg3[%dma_wait3A_89, %dma_wait3A_90] : memref<10240x16xf32, #tpu.memory_space<hbm>> -> memref<128x16xf32, #tpu.memory_space<hbm>>
        %dma_wait3A_92 = arith.constant 0 : i32
        %dma_wait3A_93 = arith.constant 0 : i32
        %dma_wait3A_94 = tpu.memref_slice %arg3[%dma_wait3A_92, %dma_wait3A_93] : memref<10240x16xf32, #tpu.memory_space<hbm>> -> memref<128x16xf32, #tpu.memory_space<hbm>>
        tpu.wait_dma2 semaphore(%arg9 : memref<!tpu.dma_semaphore, #tpu.memory_space<semaphore_mem>>) src(%dma_wait3A_94 : memref<128x16xf32, #tpu.memory_space<hbm>>) dst(%arg6 : memref<128x16xf32, #tpu.memory_space<vmem>>)
      } else {
      }
      %dma_start3A_71 = arith.constant 0 : i32
      %dma_start3A_72 = tpu.memref_slice %arg5[%add3A_66, %dma_start3A_71] : memref<79x128xi32, #tpu.memory_space<vmem>> -> memref<1x128xi32, #tpu.memory_space<vmem>>
      %dma_start3A_73 = tpu.memref_squeeze %dma_start3A_72 : memref<1x128xi32, #tpu.memory_space<vmem>> -> memref<128xi32, #tpu.memory_space<vmem>>
      %dma_start3A_74 = arith.constant 0 : i32
      %dma_start3A_75 = arith.constant 0 : i32
      %dma_start3A_76 = tpu.memref_slice %arg7[%dma_start3A_74, %dma_start3A_75] : memref<10240x16xf32, #tpu.memory_space<vmem_shared>> -> memref<10240x16xf32, #tpu.memory_space<vmem_shared>>
      tpu.enqueue_indirect_dma source(%arg6 : memref<128x16xf32, #tpu.memory_space<vmem>>) target(%dma_start3A_76 : memref<10240x16xf32, #tpu.memory_space<vmem_shared>>) offsets(%dma_start3A_73 : memref<128xi32, #tpu.memory_space<vmem>>) semaphore(%arg9 : memref<!tpu.dma_semaphore, #tpu.memory_space<semaphore_mem>>) {add = true}
      %dma_wait3A_77 = arith.constant 0 : i32
      %dma_wait3A_78 = arith.constant 0 : i32
      %dma_wait3A_79 = tpu.memref_slice %arg3[%dma_wait3A_77, %dma_wait3A_78] : memref<10240x16xf32, #tpu.memory_space<hbm>> -> memref<128x16xf32, #tpu.memory_space<hbm>>
      %dma_wait3A_80 = arith.constant 0 : i32
      %dma_wait3A_81 = arith.constant 0 : i32
      %dma_wait3A_82 = tpu.memref_slice %arg3[%dma_wait3A_80, %dma_wait3A_81] : memref<10240x16xf32, #tpu.memory_space<hbm>> -> memref<128x16xf32, #tpu.memory_space<hbm>>
      tpu.wait_dma2 semaphore(%arg8 : memref<!tpu.dma_semaphore, #tpu.memory_space<semaphore_mem>>) src(%dma_wait3A_82 : memref<128x16xf32, #tpu.memory_space<hbm>>) dst(%arg6 : memref<128x16xf32, #tpu.memory_space<vmem>>)
      %dma_start3A_83 = arith.constant 0 : i32
      %dma_start3A_84 = tpu.memref_slice %arg5[%add3A_68, %dma_start3A_83] : memref<79x128xi32, #tpu.memory_space<vmem>> -> memref<1x128xi32, #tpu.memory_space<vmem>>
      %dma_start3A_85 = tpu.memref_squeeze %dma_start3A_84 : memref<1x128xi32, #tpu.memory_space<vmem>> -> memref<128xi32, #tpu.memory_space<vmem>>
      %dma_start3A_86 = arith.constant 0 : i32
      %dma_start3A_87 = arith.constant 0 : i32
      %dma_start3A_88 = tpu.memref_slice %arg7[%dma_start3A_86, %dma_start3A_87] : memref<10240x16xf32, #tpu.memory_space<vmem_shared>> -> memref<10240x16xf32, #tpu.memory_space<vmem_shared>>
      tpu.enqueue_indirect_dma source(%arg6 : memref<128x16xf32, #tpu.memory_space<vmem>>) target(%dma_start3A_88 : memref<10240x16xf32, #tpu.memory_space<vmem_shared>>) offsets(%dma_start3A_85 : memref<128xi32, #tpu.memory_space<vmem>>) semaphore(%arg8 : memref<!tpu.dma_semaphore, #tpu.memory_space<semaphore_mem>>) {add = true}
    }
    %scan3A_44 = arith.constant 39 : i32
    %dma_wait3A_45 = arith.constant 0 : i32
    %dma_wait3A_46 = arith.constant 0 : i32
    %dma_wait3A_47 = tpu.memref_slice %arg3[%dma_wait3A_45, %dma_wait3A_46] : memref<10240x16xf32, #tpu.memory_space<hbm>> -> memref<128x16xf32, #tpu.memory_space<hbm>>
    %dma_wait3A_48 = arith.constant 0 : i32
    %dma_wait3A_49 = arith.constant 0 : i32
    %dma_wait3A_50 = tpu.memref_slice %arg3[%dma_wait3A_48, %dma_wait3A_49] : memref<10240x16xf32, #tpu.memory_space<hbm>> -> memref<128x16xf32, #tpu.memory_space<hbm>>
    tpu.wait_dma2 semaphore(%arg8 : memref<!tpu.dma_semaphore, #tpu.memory_space<semaphore_mem>>) src(%dma_wait3A_50 : memref<128x16xf32, #tpu.memory_space<hbm>>) dst(%arg6 : memref<128x16xf32, #tpu.memory_space<vmem>>)
    %dma_wait3A_51 = arith.constant 0 : i32
    %dma_wait3A_52 = arith.constant 0 : i32
    %dma_wait3A_53 = tpu.memref_slice %arg3[%dma_wait3A_51, %dma_wait3A_52] : memref<10240x16xf32, #tpu.memory_space<hbm>> -> memref<128x16xf32, #tpu.memory_space<hbm>>
    %dma_wait3A_54 = arith.constant 0 : i32
    %dma_wait3A_55 = arith.constant 0 : i32
    %dma_wait3A_56 = tpu.memref_slice %arg3[%dma_wait3A_54, %dma_wait3A_55] : memref<10240x16xf32, #tpu.memory_space<hbm>> -> memref<128x16xf32, #tpu.memory_space<hbm>>
    tpu.wait_dma2 semaphore(%arg9 : memref<!tpu.dma_semaphore, #tpu.memory_space<semaphore_mem>>) src(%dma_wait3A_56 : memref<128x16xf32, #tpu.memory_space<hbm>>) dst(%arg6 : memref<128x16xf32, #tpu.memory_space<vmem>>)
    %barrier3A_57 = arith.constant 0 : index
    tpu.barrier barrier_id(%barrier3A_57)
    %mul3A_58 = arith.constant 640 : i32
    %mul3A_59 = arith.muli %arg1, %mul3A_58 : i32
    %mul3A_60 = arith.constant 640 : i32
    %mul3A_61 = arith.muli %arg1, %mul3A_60 : i32
    "tpu.region"() ({
      %run_scoped3A = tpu.sem_alloc : memref<!tpu.dma_semaphore, #tpu.memory_space<semaphore_mem>>
      %dma_start3A_62 = arith.constant 0 : i32
      %dma_start3A_63 = tpu.memref_slice %arg4[%arg0, %mul3A_61, %dma_start3A_62] : memref<2x10240x16xf32, #tpu.memory_space<hbm>> -> memref<1x640x16xf32, #tpu.memory_space<hbm>>
      %dma_start3A_64 = tpu.memref_squeeze %dma_start3A_63 : memref<1x640x16xf32, #tpu.memory_space<hbm>> -> memref<640x16xf32, #tpu.memory_space<hbm>>
      %dma_start3A_65 = arith.constant 0 : i32
      %dma_start3A_66 = tpu.memref_slice %arg7[%mul3A_59, %dma_start3A_65] : memref<10240x16xf32, #tpu.memory_space<vmem_shared>> -> memref<640x16xf32, #tpu.memory_space<vmem_shared>>
      tpu.enqueue_dma source(%dma_start3A_66 : memref<640x16xf32, #tpu.memory_space<vmem_shared>>) target(%dma_start3A_64 : memref<640x16xf32, #tpu.memory_space<hbm>>) target_semaphore(%run_scoped3A : memref<!tpu.dma_semaphore, #tpu.memory_space<semaphore_mem>>)
      %dma_wait3A_67 = arith.constant 0 : i32
      %dma_wait3A_68 = tpu.memref_slice %arg4[%arg0, %mul3A_61, %dma_wait3A_67] : memref<2x10240x16xf32, #tpu.memory_space<hbm>> -> memref<1x640x16xf32, #tpu.memory_space<hbm>>
      %dma_wait3A_69 = tpu.memref_squeeze %dma_wait3A_68 : memref<1x640x16xf32, #tpu.memory_space<hbm>> -> memref<640x16xf32, #tpu.memory_space<hbm>>
      %dma_wait3A_70 = arith.constant 0 : i32
      %dma_wait3A_71 = tpu.memref_slice %arg7[%mul3A_59, %dma_wait3A_70] : memref<10240x16xf32, #tpu.memory_space<vmem_shared>> -> memref<640x16xf32, #tpu.memory_space<vmem_shared>>
      tpu.wait_dma2 semaphore(%run_scoped3A : memref<!tpu.dma_semaphore, #tpu.memory_space<semaphore_mem>>) src(%dma_wait3A_71 : memref<640x16xf32, #tpu.memory_space<vmem_shared>>) dst(%dma_wait3A_69 : memref<640x16xf32, #tpu.memory_space<hbm>>)
      tpu.yield
    }) : () -> ()
    return
  }
}

#map = affine_map<(d0, d1) -> (0, 0)>
#map1 = affine_map<(d0, d1) -> (0, 0, 0)>
module attributes {stable_mosaic.version = 14 : i64} {
  func.func @_scatter_pass(%arg0: i32, %arg1: i32, %arg2: memref<10000x16xf32, #tpu.memory_space<hbm>>, %arg3: memref<32x79x128xi32, #tpu.memory_space<hbm>>, %arg4: memref<32x79x128xi32, #tpu.memory_space<hbm>>, %arg5: memref<10240x16xf32, #tpu.memory_space<hbm>>, %arg6: memref<2x10240x16xf32, #tpu.memory_space<hbm>>, %arg7: memref<79x128xi32, #tpu.memory_space<vmem>>, %arg8: memref<79x128xi32, #tpu.memory_space<vmem>>, %arg9: memref<128x16xf32, #tpu.memory_space<vmem>>, %arg10: memref<128x16xf32, #tpu.memory_space<vmem>>, %arg11: memref<10240x16xf32, #tpu.memory_space<vmem_shared>>, %arg12: memref<10000x16xf32, #tpu.memory_space<vmem_shared>>, %arg13: memref<!tpu.dma_semaphore, #tpu.memory_space<semaphore_mem>>, %arg14: memref<!tpu.dma_semaphore, #tpu.memory_space<semaphore_mem>>, %arg15: memref<!tpu.dma_semaphore, #tpu.memory_space<semaphore_mem>>, %arg16: memref<!tpu.dma_semaphore, #tpu.memory_space<semaphore_mem>>) attributes {dimension_semantics = [#tpu.dimension_semantics<core_parallel>, #tpu.dimension_semantics<subcore_parallel>], iteration_bounds = array<i64: 2, 16>, scalar_prefetch = 0 : i64, scratch_operands = 10 : i64, tpu.core_type = #tpu.core_type<sc_vector_subcore>, window_params = [{transform_indices = #map}, {transform_indices = #map1}, {transform_indices = #map1}, {transform_indices = #map}, {transform_indices = #map1}]} {
    %mul3A = arith.constant 16 : i32
    %mul3A_0 = arith.muli %arg0, %mul3A : i32
    %add3A = arith.addi %mul3A_0, %arg1 : i32
    %mul3A_1 = arith.constant 640 : i32
    %mul3A_2 = arith.muli %arg1, %mul3A_1 : i32
    %mul3A_3 = arith.constant 640 : i32
    %mul3A_4 = arith.muli %arg1, %mul3A_3 : i32
    %dma_start3A = arith.constant 0 : i32
    %dma_start3A_5 = tpu.memref_slice %arg11[%mul3A_4, %dma_start3A] : memref<10240x16xf32, #tpu.memory_space<vmem_shared>> -> memref<640x16xf32, #tpu.memory_space<vmem_shared>>
    %dma_start3A_6 = arith.constant 0 : i32
    %dma_start3A_7 = tpu.memref_slice %arg5[%mul3A_2, %dma_start3A_6] : memref<10240x16xf32, #tpu.memory_space<hbm>> -> memref<640x16xf32, #tpu.memory_space<hbm>>
    tpu.enqueue_dma source(%dma_start3A_7 : memref<640x16xf32, #tpu.memory_space<hbm>>) target(%dma_start3A_5 : memref<640x16xf32, #tpu.memory_space<vmem_shared>>) target_semaphore(%arg13 : memref<!tpu.dma_semaphore, #tpu.memory_space<semaphore_mem>>)
    %mul3A_8 = arith.constant 625 : i32
    %mul3A_9 = arith.muli %arg1, %mul3A_8 : i32
    %mul3A_10 = arith.constant 625 : i32
    %mul3A_11 = arith.muli %arg1, %mul3A_10 : i32
    %dma_start3A_12 = arith.constant 0 : i32
    %dma_start3A_13 = tpu.memref_slice %arg12[%mul3A_11, %dma_start3A_12] : memref<10000x16xf32, #tpu.memory_space<vmem_shared>> -> memref<625x16xf32, #tpu.memory_space<vmem_shared>>
    %dma_start3A_14 = arith.constant 0 : i32
    %dma_start3A_15 = tpu.memref_slice %arg2[%mul3A_9, %dma_start3A_14] : memref<10000x16xf32, #tpu.memory_space<hbm>> -> memref<625x16xf32, #tpu.memory_space<hbm>>
    tpu.enqueue_dma source(%dma_start3A_15 : memref<625x16xf32, #tpu.memory_space<hbm>>) target(%dma_start3A_13 : memref<625x16xf32, #tpu.memory_space<vmem_shared>>) target_semaphore(%arg14 : memref<!tpu.dma_semaphore, #tpu.memory_space<semaphore_mem>>)
    %dma_start3A_16 = arith.constant 0 : i32
    %dma_start3A_17 = arith.constant 0 : i32
    %dma_start3A_18 = tpu.memref_slice %arg3[%add3A, %dma_start3A_16, %dma_start3A_17] : memref<32x79x128xi32, #tpu.memory_space<hbm>> -> memref<1x79x128xi32, #tpu.memory_space<hbm>>
    %dma_start3A_19 = tpu.memref_squeeze %dma_start3A_18 : memref<1x79x128xi32, #tpu.memory_space<hbm>> -> memref<79x128xi32, #tpu.memory_space<hbm>>
    %dma_start3A_20 = arith.constant 0 : i32
    %dma_start3A_21 = arith.constant 0 : i32
    %dma_start3A_22 = tpu.memref_slice %arg3[%add3A, %dma_start3A_20, %dma_start3A_21] : memref<32x79x128xi32, #tpu.memory_space<hbm>> -> memref<1x79x128xi32, #tpu.memory_space<hbm>>
    %dma_start3A_23 = tpu.memref_squeeze %dma_start3A_22 : memref<1x79x128xi32, #tpu.memory_space<hbm>> -> memref<79x128xi32, #tpu.memory_space<hbm>>
    tpu.enqueue_dma source(%dma_start3A_23 : memref<79x128xi32, #tpu.memory_space<hbm>>) target(%arg7 : memref<79x128xi32, #tpu.memory_space<vmem>>) target_semaphore(%arg15 : memref<!tpu.dma_semaphore, #tpu.memory_space<semaphore_mem>>)
    %dma_start3A_24 = arith.constant 0 : i32
    %dma_start3A_25 = arith.constant 0 : i32
    %dma_start3A_26 = tpu.memref_slice %arg4[%add3A, %dma_start3A_24, %dma_start3A_25] : memref<32x79x128xi32, #tpu.memory_space<hbm>> -> memref<1x79x128xi32, #tpu.memory_space<hbm>>
    %dma_start3A_27 = tpu.memref_squeeze %dma_start3A_26 : memref<1x79x128xi32, #tpu.memory_space<hbm>> -> memref<79x128xi32, #tpu.memory_space<hbm>>
    %dma_start3A_28 = arith.constant 0 : i32
    %dma_start3A_29 = arith.constant 0 : i32
    %dma_start3A_30 = tpu.memref_slice %arg4[%add3A, %dma_start3A_28, %dma_start3A_29] : memref<32x79x128xi32, #tpu.memory_space<hbm>> -> memref<1x79x128xi32, #tpu.memory_space<hbm>>
    %dma_start3A_31 = tpu.memref_squeeze %dma_start3A_30 : memref<1x79x128xi32, #tpu.memory_space<hbm>> -> memref<79x128xi32, #tpu.memory_space<hbm>>
    tpu.enqueue_dma source(%dma_start3A_31 : memref<79x128xi32, #tpu.memory_space<hbm>>) target(%arg8 : memref<79x128xi32, #tpu.memory_space<vmem>>) target_semaphore(%arg16 : memref<!tpu.dma_semaphore, #tpu.memory_space<semaphore_mem>>)
    %dma_wait3A = arith.constant 0 : i32
    %dma_wait3A_32 = tpu.memref_slice %arg11[%mul3A_4, %dma_wait3A] : memref<10240x16xf32, #tpu.memory_space<vmem_shared>> -> memref<640x16xf32, #tpu.memory_space<vmem_shared>>
    %dma_wait3A_33 = arith.constant 0 : i32
    %dma_wait3A_34 = tpu.memref_slice %arg5[%mul3A_2, %dma_wait3A_33] : memref<10240x16xf32, #tpu.memory_space<hbm>> -> memref<640x16xf32, #tpu.memory_space<hbm>>
    tpu.wait_dma2 semaphore(%arg13 : memref<!tpu.dma_semaphore, #tpu.memory_space<semaphore_mem>>) src(%dma_wait3A_34 : memref<640x16xf32, #tpu.memory_space<hbm>>) dst(%dma_wait3A_32 : memref<640x16xf32, #tpu.memory_space<vmem_shared>>)
    %dma_wait3A_35 = arith.constant 0 : i32
    %dma_wait3A_36 = tpu.memref_slice %arg12[%mul3A_11, %dma_wait3A_35] : memref<10000x16xf32, #tpu.memory_space<vmem_shared>> -> memref<625x16xf32, #tpu.memory_space<vmem_shared>>
    %dma_wait3A_37 = arith.constant 0 : i32
    %dma_wait3A_38 = tpu.memref_slice %arg2[%mul3A_9, %dma_wait3A_37] : memref<10000x16xf32, #tpu.memory_space<hbm>> -> memref<625x16xf32, #tpu.memory_space<hbm>>
    tpu.wait_dma2 semaphore(%arg14 : memref<!tpu.dma_semaphore, #tpu.memory_space<semaphore_mem>>) src(%dma_wait3A_38 : memref<625x16xf32, #tpu.memory_space<hbm>>) dst(%dma_wait3A_36 : memref<625x16xf32, #tpu.memory_space<vmem_shared>>)
    %dma_wait3A_39 = arith.constant 0 : i32
    %dma_wait3A_40 = arith.constant 0 : i32
    %dma_wait3A_41 = tpu.memref_slice %arg3[%add3A, %dma_wait3A_39, %dma_wait3A_40] : memref<32x79x128xi32, #tpu.memory_space<hbm>> -> memref<1x79x128xi32, #tpu.memory_space<hbm>>
    %dma_wait3A_42 = tpu.memref_squeeze %dma_wait3A_41 : memref<1x79x128xi32, #tpu.memory_space<hbm>> -> memref<79x128xi32, #tpu.memory_space<hbm>>
    %dma_wait3A_43 = arith.constant 0 : i32
    %dma_wait3A_44 = arith.constant 0 : i32
    %dma_wait3A_45 = tpu.memref_slice %arg3[%add3A, %dma_wait3A_43, %dma_wait3A_44] : memref<32x79x128xi32, #tpu.memory_space<hbm>> -> memref<1x79x128xi32, #tpu.memory_space<hbm>>
    %dma_wait3A_46 = tpu.memref_squeeze %dma_wait3A_45 : memref<1x79x128xi32, #tpu.memory_space<hbm>> -> memref<79x128xi32, #tpu.memory_space<hbm>>
    tpu.wait_dma2 semaphore(%arg15 : memref<!tpu.dma_semaphore, #tpu.memory_space<semaphore_mem>>) src(%dma_wait3A_46 : memref<79x128xi32, #tpu.memory_space<hbm>>) dst(%arg7 : memref<79x128xi32, #tpu.memory_space<vmem>>)
    %dma_wait3A_47 = arith.constant 0 : i32
    %dma_wait3A_48 = arith.constant 0 : i32
    %dma_wait3A_49 = tpu.memref_slice %arg4[%add3A, %dma_wait3A_47, %dma_wait3A_48] : memref<32x79x128xi32, #tpu.memory_space<hbm>> -> memref<1x79x128xi32, #tpu.memory_space<hbm>>
    %dma_wait3A_50 = tpu.memref_squeeze %dma_wait3A_49 : memref<1x79x128xi32, #tpu.memory_space<hbm>> -> memref<79x128xi32, #tpu.memory_space<hbm>>
    %dma_wait3A_51 = arith.constant 0 : i32
    %dma_wait3A_52 = arith.constant 0 : i32
    %dma_wait3A_53 = tpu.memref_slice %arg4[%add3A, %dma_wait3A_51, %dma_wait3A_52] : memref<32x79x128xi32, #tpu.memory_space<hbm>> -> memref<1x79x128xi32, #tpu.memory_space<hbm>>
    %dma_wait3A_54 = tpu.memref_squeeze %dma_wait3A_53 : memref<1x79x128xi32, #tpu.memory_space<hbm>> -> memref<79x128xi32, #tpu.memory_space<hbm>>
    tpu.wait_dma2 semaphore(%arg16 : memref<!tpu.dma_semaphore, #tpu.memory_space<semaphore_mem>>) src(%dma_wait3A_54 : memref<79x128xi32, #tpu.memory_space<hbm>>) dst(%arg8 : memref<79x128xi32, #tpu.memory_space<vmem>>)
    %barrier3A = arith.constant 0 : index
    tpu.barrier barrier_id(%barrier3A)
    %dma_start3A_55 = arith.constant 0 : i32
    %dma_start3A_56 = arith.constant 0 : i32
    %dma_start3A_57 = tpu.memref_slice %arg7[%dma_start3A_55, %dma_start3A_56] : memref<79x128xi32, #tpu.memory_space<vmem>> -> memref<1x128xi32, #tpu.memory_space<vmem>>
    %dma_start3A_58 = tpu.memref_squeeze %dma_start3A_57 : memref<1x128xi32, #tpu.memory_space<vmem>> -> memref<128xi32, #tpu.memory_space<vmem>>
    %dma_start3A_59 = arith.constant 0 : i32
    %dma_start3A_60 = arith.constant 0 : i32
    %dma_start3A_61 = tpu.memref_slice %arg12[%dma_start3A_59, %dma_start3A_60] : memref<10000x16xf32, #tpu.memory_space<vmem_shared>> -> memref<10000x16xf32, #tpu.memory_space<vmem_shared>>
    tpu.enqueue_indirect_dma source(%dma_start3A_61 : memref<10000x16xf32, #tpu.memory_space<vmem_shared>>) target(%arg9 : memref<128x16xf32, #tpu.memory_space<vmem>>) offsets(%dma_start3A_58 : memref<128xi32, #tpu.memory_space<vmem>>) semaphore(%arg13 : memref<!tpu.dma_semaphore, #tpu.memory_space<semaphore_mem>>)
    %dma_start3A_62 = arith.constant 1 : i32
    %dma_start3A_63 = arith.constant 0 : i32
    %dma_start3A_64 = tpu.memref_slice %arg7[%dma_start3A_62, %dma_start3A_63] : memref<79x128xi32, #tpu.memory_space<vmem>> -> memref<1x128xi32, #tpu.memory_space<vmem>>
    %dma_start3A_65 = tpu.memref_squeeze %dma_start3A_64 : memref<1x128xi32, #tpu.memory_space<vmem>> -> memref<128xi32, #tpu.memory_space<vmem>>
    %dma_start3A_66 = arith.constant 0 : i32
    %dma_start3A_67 = arith.constant 0 : i32
    %dma_start3A_68 = tpu.memref_slice %arg12[%dma_start3A_66, %dma_start3A_67] : memref<10000x16xf32, #tpu.memory_space<vmem_shared>> -> memref<10000x16xf32, #tpu.memory_space<vmem_shared>>
    tpu.enqueue_indirect_dma source(%dma_start3A_68 : memref<10000x16xf32, #tpu.memory_space<vmem_shared>>) target(%arg10 : memref<128x16xf32, #tpu.memory_space<vmem>>) offsets(%dma_start3A_65 : memref<128xi32, #tpu.memory_space<vmem>>) semaphore(%arg14 : memref<!tpu.dma_semaphore, #tpu.memory_space<semaphore_mem>>)
    %dma_wait3A_69 = arith.constant 0 : i32
    %dma_wait3A_70 = arith.constant 0 : i32
    %dma_wait3A_71 = tpu.memref_slice %arg2[%dma_wait3A_69, %dma_wait3A_70] : memref<10000x16xf32, #tpu.memory_space<hbm>> -> memref<128x16xf32, #tpu.memory_space<hbm>>
    %dma_wait3A_72 = arith.constant 0 : i32
    %dma_wait3A_73 = arith.constant 0 : i32
    %dma_wait3A_74 = tpu.memref_slice %arg2[%dma_wait3A_72, %dma_wait3A_73] : memref<10000x16xf32, #tpu.memory_space<hbm>> -> memref<128x16xf32, #tpu.memory_space<hbm>>
    tpu.wait_dma2 semaphore(%arg13 : memref<!tpu.dma_semaphore, #tpu.memory_space<semaphore_mem>>) src(%dma_wait3A_74 : memref<128x16xf32, #tpu.memory_space<hbm>>) dst(%arg9 : memref<128x16xf32, #tpu.memory_space<vmem>>)
    %dma_start3A_75 = arith.constant 0 : i32
    %dma_start3A_76 = arith.constant 0 : i32
    %dma_start3A_77 = tpu.memref_slice %arg8[%dma_start3A_75, %dma_start3A_76] : memref<79x128xi32, #tpu.memory_space<vmem>> -> memref<1x128xi32, #tpu.memory_space<vmem>>
    %dma_start3A_78 = tpu.memref_squeeze %dma_start3A_77 : memref<1x128xi32, #tpu.memory_space<vmem>> -> memref<128xi32, #tpu.memory_space<vmem>>
    %dma_start3A_79 = arith.constant 0 : i32
    %dma_start3A_80 = arith.constant 0 : i32
    %dma_start3A_81 = tpu.memref_slice %arg11[%dma_start3A_79, %dma_start3A_80] : memref<10240x16xf32, #tpu.memory_space<vmem_shared>> -> memref<10240x16xf32, #tpu.memory_space<vmem_shared>>
    tpu.enqueue_indirect_dma source(%arg9 : memref<128x16xf32, #tpu.memory_space<vmem>>) target(%dma_start3A_81 : memref<10240x16xf32, #tpu.memory_space<vmem_shared>>) offsets(%dma_start3A_78 : memref<128xi32, #tpu.memory_space<vmem>>) semaphore(%arg15 : memref<!tpu.dma_semaphore, #tpu.memory_space<semaphore_mem>>) {add = true}
    %scan3A = arith.constant 0 : i32
    %scan3A_82 = arith.constant 0 : i32
    %scan3A_83 = arith.constant 39 : i32
    %scan3A_84 = arith.addi %scan3A_82, %scan3A_83 : i32
    %scan3A_85 = arith.constant 1 : i32
    scf.for %scan3A_98 = %scan3A_82 to %scan3A_84 step %scan3A_85  : i32 {
      %mul3A_99 = arith.constant 2 : i32
      %mul3A_100 = arith.muli %mul3A_99, %scan3A_98 : i32
      %add3A_101 = arith.constant 1 : i32
      %add3A_102 = arith.addi %mul3A_100, %add3A_101 : i32
      %add3A_103 = arith.constant 1 : i32
      %add3A_104 = arith.addi %add3A_102, %add3A_103 : i32
      %dma_wait3A_105 = arith.constant 0 : i32
      %dma_wait3A_106 = arith.constant 0 : i32
      %dma_wait3A_107 = tpu.memref_slice %arg2[%dma_wait3A_105, %dma_wait3A_106] : memref<10000x16xf32, #tpu.memory_space<hbm>> -> memref<128x16xf32, #tpu.memory_space<hbm>>
      %dma_wait3A_108 = arith.constant 0 : i32
      %dma_wait3A_109 = arith.constant 0 : i32
      %dma_wait3A_110 = tpu.memref_slice %arg2[%dma_wait3A_108, %dma_wait3A_109] : memref<10000x16xf32, #tpu.memory_space<hbm>> -> memref<128x16xf32, #tpu.memory_space<hbm>>
      tpu.wait_dma2 semaphore(%arg15 : memref<!tpu.dma_semaphore, #tpu.memory_space<semaphore_mem>>) src(%dma_wait3A_110 : memref<128x16xf32, #tpu.memory_space<hbm>>) dst(%arg9 : memref<128x16xf32, #tpu.memory_space<vmem>>)
      %add3A_111 = arith.constant 1 : i32
      %add3A_112 = arith.addi %add3A_102, %add3A_111 : i32
      %dma_start3A_113 = arith.constant 0 : i32
      %dma_start3A_114 = tpu.memref_slice %arg7[%add3A_112, %dma_start3A_113] : memref<79x128xi32, #tpu.memory_space<vmem>> -> memref<1x128xi32, #tpu.memory_space<vmem>>
      %dma_start3A_115 = tpu.memref_squeeze %dma_start3A_114 : memref<1x128xi32, #tpu.memory_space<vmem>> -> memref<128xi32, #tpu.memory_space<vmem>>
      %dma_start3A_116 = arith.constant 0 : i32
      %dma_start3A_117 = arith.constant 0 : i32
      %dma_start3A_118 = tpu.memref_slice %arg12[%dma_start3A_116, %dma_start3A_117] : memref<10000x16xf32, #tpu.memory_space<vmem_shared>> -> memref<10000x16xf32, #tpu.memory_space<vmem_shared>>
      tpu.enqueue_indirect_dma source(%dma_start3A_118 : memref<10000x16xf32, #tpu.memory_space<vmem_shared>>) target(%arg9 : memref<128x16xf32, #tpu.memory_space<vmem>>) offsets(%dma_start3A_115 : memref<128xi32, #tpu.memory_space<vmem>>) semaphore(%arg13 : memref<!tpu.dma_semaphore, #tpu.memory_space<semaphore_mem>>)
      %dma_wait3A_119 = arith.constant 0 : i32
      %dma_wait3A_120 = arith.constant 0 : i32
      %dma_wait3A_121 = tpu.memref_slice %arg2[%dma_wait3A_119, %dma_wait3A_120] : memref<10000x16xf32, #tpu.memory_space<hbm>> -> memref<128x16xf32, #tpu.memory_space<hbm>>
      %dma_wait3A_122 = arith.constant 0 : i32
      %dma_wait3A_123 = arith.constant 0 : i32
      %dma_wait3A_124 = tpu.memref_slice %arg2[%dma_wait3A_122, %dma_wait3A_123] : memref<10000x16xf32, #tpu.memory_space<hbm>> -> memref<128x16xf32, #tpu.memory_space<hbm>>
      tpu.wait_dma2 semaphore(%arg14 : memref<!tpu.dma_semaphore, #tpu.memory_space<semaphore_mem>>) src(%dma_wait3A_124 : memref<128x16xf32, #tpu.memory_space<hbm>>) dst(%arg10 : memref<128x16xf32, #tpu.memory_space<vmem>>)
      %dma_start3A_125 = arith.constant 0 : i32
      %dma_start3A_126 = tpu.memref_slice %arg8[%add3A_102, %dma_start3A_125] : memref<79x128xi32, #tpu.memory_space<vmem>> -> memref<1x128xi32, #tpu.memory_space<vmem>>
      %dma_start3A_127 = tpu.memref_squeeze %dma_start3A_126 : memref<1x128xi32, #tpu.memory_space<vmem>> -> memref<128xi32, #tpu.memory_space<vmem>>
      %dma_start3A_128 = arith.constant 0 : i32
      %dma_start3A_129 = arith.constant 0 : i32
      %dma_start3A_130 = tpu.memref_slice %arg11[%dma_start3A_128, %dma_start3A_129] : memref<10240x16xf32, #tpu.memory_space<vmem_shared>> -> memref<10240x16xf32, #tpu.memory_space<vmem_shared>>
      tpu.enqueue_indirect_dma source(%arg10 : memref<128x16xf32, #tpu.memory_space<vmem>>) target(%dma_start3A_130 : memref<10240x16xf32, #tpu.memory_space<vmem_shared>>) offsets(%dma_start3A_127 : memref<128xi32, #tpu.memory_space<vmem>>) semaphore(%arg16 : memref<!tpu.dma_semaphore, #tpu.memory_space<semaphore_mem>>) {add = true}
      %dma_wait3A_131 = arith.constant 0 : i32
      %dma_wait3A_132 = arith.constant 0 : i32
      %dma_wait3A_133 = tpu.memref_slice %arg2[%dma_wait3A_131, %dma_wait3A_132] : memref<10000x16xf32, #tpu.memory_space<hbm>> -> memref<128x16xf32, #tpu.memory_space<hbm>>
      %dma_wait3A_134 = arith.constant 0 : i32
      %dma_wait3A_135 = arith.constant 0 : i32
      %dma_wait3A_136 = tpu.memref_slice %arg2[%dma_wait3A_134, %dma_wait3A_135] : memref<10000x16xf32, #tpu.memory_space<hbm>> -> memref<128x16xf32, #tpu.memory_space<hbm>>
      tpu.wait_dma2 semaphore(%arg16 : memref<!tpu.dma_semaphore, #tpu.memory_space<semaphore_mem>>) src(%dma_wait3A_136 : memref<128x16xf32, #tpu.memory_space<hbm>>) dst(%arg10 : memref<128x16xf32, #tpu.memory_space<vmem>>)
      %add3A_137 = arith.constant 1 : i32
      %add3A_138 = arith.addi %add3A_104, %add3A_137 : i32
      %lt3A = arith.constant 79 : i32
      %lt3A_139 = arith.cmpi slt, %add3A_138, %lt3A : i32
      %convert_element_type3A = arith.extui %lt3A_139 : i1 to i32
      %cond3A = arith.constant 0 : i32
      %cond3A_140 = arith.cmpi ne, %convert_element_type3A, %cond3A : i32
      scf.if %cond3A_140 {
        %add3A_153 = arith.constant 1 : i32
        %add3A_154 = arith.addi %add3A_104, %add3A_153 : i32
        %dma_start3A_155 = arith.constant 0 : i32
        %dma_start3A_156 = tpu.memref_slice %arg7[%add3A_154, %dma_start3A_155] : memref<79x128xi32, #tpu.memory_space<vmem>> -> memref<1x128xi32, #tpu.memory_space<vmem>>
        %dma_start3A_157 = tpu.memref_squeeze %dma_start3A_156 : memref<1x128xi32, #tpu.memory_space<vmem>> -> memref<128xi32, #tpu.memory_space<vmem>>
        %dma_start3A_158 = arith.constant 0 : i32
        %dma_start3A_159 = arith.constant 0 : i32
        %dma_start3A_160 = tpu.memref_slice %arg12[%dma_start3A_158, %dma_start3A_159] : memref<10000x16xf32, #tpu.memory_space<vmem_shared>> -> memref<10000x16xf32, #tpu.memory_space<vmem_shared>>
        tpu.enqueue_indirect_dma source(%dma_start3A_160 : memref<10000x16xf32, #tpu.memory_space<vmem_shared>>) target(%arg10 : memref<128x16xf32, #tpu.memory_space<vmem>>) offsets(%dma_start3A_157 : memref<128xi32, #tpu.memory_space<vmem>>) semaphore(%arg14 : memref<!tpu.dma_semaphore, #tpu.memory_space<semaphore_mem>>)
      } else {
      }
      %dma_wait3A_141 = arith.constant 0 : i32
      %dma_wait3A_142 = arith.constant 0 : i32
      %dma_wait3A_143 = tpu.memref_slice %arg2[%dma_wait3A_141, %dma_wait3A_142] : memref<10000x16xf32, #tpu.memory_space<hbm>> -> memref<128x16xf32, #tpu.memory_space<hbm>>
      %dma_wait3A_144 = arith.constant 0 : i32
      %dma_wait3A_145 = arith.constant 0 : i32
      %dma_wait3A_146 = tpu.memref_slice %arg2[%dma_wait3A_144, %dma_wait3A_145] : memref<10000x16xf32, #tpu.memory_space<hbm>> -> memref<128x16xf32, #tpu.memory_space<hbm>>
      tpu.wait_dma2 semaphore(%arg13 : memref<!tpu.dma_semaphore, #tpu.memory_space<semaphore_mem>>) src(%dma_wait3A_146 : memref<128x16xf32, #tpu.memory_space<hbm>>) dst(%arg9 : memref<128x16xf32, #tpu.memory_space<vmem>>)
      %dma_start3A_147 = arith.constant 0 : i32
      %dma_start3A_148 = tpu.memref_slice %arg8[%add3A_104, %dma_start3A_147] : memref<79x128xi32, #tpu.memory_space<vmem>> -> memref<1x128xi32, #tpu.memory_space<vmem>>
      %dma_start3A_149 = tpu.memref_squeeze %dma_start3A_148 : memref<1x128xi32, #tpu.memory_space<vmem>> -> memref<128xi32, #tpu.memory_space<vmem>>
      %dma_start3A_150 = arith.constant 0 : i32
      %dma_start3A_151 = arith.constant 0 : i32
      %dma_start3A_152 = tpu.memref_slice %arg11[%dma_start3A_150, %dma_start3A_151] : memref<10240x16xf32, #tpu.memory_space<vmem_shared>> -> memref<10240x16xf32, #tpu.memory_space<vmem_shared>>
      tpu.enqueue_indirect_dma source(%arg9 : memref<128x16xf32, #tpu.memory_space<vmem>>) target(%dma_start3A_152 : memref<10240x16xf32, #tpu.memory_space<vmem_shared>>) offsets(%dma_start3A_149 : memref<128xi32, #tpu.memory_space<vmem>>) semaphore(%arg15 : memref<!tpu.dma_semaphore, #tpu.memory_space<semaphore_mem>>) {add = true}
    }
    %scan3A_86 = arith.constant 39 : i32
    %dma_wait3A_87 = arith.constant 0 : i32
    %dma_wait3A_88 = arith.constant 0 : i32
    %dma_wait3A_89 = tpu.memref_slice %arg2[%dma_wait3A_87, %dma_wait3A_88] : memref<10000x16xf32, #tpu.memory_space<hbm>> -> memref<128x16xf32, #tpu.memory_space<hbm>>
    %dma_wait3A_90 = arith.constant 0 : i32
    %dma_wait3A_91 = arith.constant 0 : i32
    %dma_wait3A_92 = tpu.memref_slice %arg2[%dma_wait3A_90, %dma_wait3A_91] : memref<10000x16xf32, #tpu.memory_space<hbm>> -> memref<128x16xf32, #tpu.memory_space<hbm>>
    tpu.wait_dma2 semaphore(%arg15 : memref<!tpu.dma_semaphore, #tpu.memory_space<semaphore_mem>>) src(%dma_wait3A_92 : memref<128x16xf32, #tpu.memory_space<hbm>>) dst(%arg9 : memref<128x16xf32, #tpu.memory_space<vmem>>)
    %barrier3A_93 = arith.constant 0 : index
    tpu.barrier barrier_id(%barrier3A_93)
    %mul3A_94 = arith.constant 640 : i32
    %mul3A_95 = arith.muli %arg1, %mul3A_94 : i32
    %mul3A_96 = arith.constant 640 : i32
    %mul3A_97 = arith.muli %arg1, %mul3A_96 : i32
    "tpu.region"() ({
      %run_scoped3A = tpu.sem_alloc : memref<!tpu.dma_semaphore, #tpu.memory_space<semaphore_mem>>
      %dma_start3A_98 = arith.constant 0 : i32
      %dma_start3A_99 = tpu.memref_slice %arg6[%arg0, %mul3A_97, %dma_start3A_98] : memref<2x10240x16xf32, #tpu.memory_space<hbm>> -> memref<1x640x16xf32, #tpu.memory_space<hbm>>
      %dma_start3A_100 = tpu.memref_squeeze %dma_start3A_99 : memref<1x640x16xf32, #tpu.memory_space<hbm>> -> memref<640x16xf32, #tpu.memory_space<hbm>>
      %dma_start3A_101 = arith.constant 0 : i32
      %dma_start3A_102 = tpu.memref_slice %arg11[%mul3A_95, %dma_start3A_101] : memref<10240x16xf32, #tpu.memory_space<vmem_shared>> -> memref<640x16xf32, #tpu.memory_space<vmem_shared>>
      tpu.enqueue_dma source(%dma_start3A_102 : memref<640x16xf32, #tpu.memory_space<vmem_shared>>) target(%dma_start3A_100 : memref<640x16xf32, #tpu.memory_space<hbm>>) target_semaphore(%run_scoped3A : memref<!tpu.dma_semaphore, #tpu.memory_space<semaphore_mem>>)
      %dma_wait3A_103 = arith.constant 0 : i32
      %dma_wait3A_104 = tpu.memref_slice %arg6[%arg0, %mul3A_97, %dma_wait3A_103] : memref<2x10240x16xf32, #tpu.memory_space<hbm>> -> memref<1x640x16xf32, #tpu.memory_space<hbm>>
      %dma_wait3A_105 = tpu.memref_squeeze %dma_wait3A_104 : memref<1x640x16xf32, #tpu.memory_space<hbm>> -> memref<640x16xf32, #tpu.memory_space<hbm>>
      %dma_wait3A_106 = arith.constant 0 : i32
      %dma_wait3A_107 = tpu.memref_slice %arg11[%mul3A_95, %dma_wait3A_106] : memref<10240x16xf32, #tpu.memory_space<vmem_shared>> -> memref<640x16xf32, #tpu.memory_space<vmem_shared>>
      tpu.wait_dma2 semaphore(%run_scoped3A : memref<!tpu.dma_semaphore, #tpu.memory_space<semaphore_mem>>) src(%dma_wait3A_107 : memref<640x16xf32, #tpu.memory_space<vmem_shared>>) dst(%dma_wait3A_105 : memref<640x16xf32, #tpu.memory_space<hbm>>)
      tpu.yield
    }) : () -> ()
    return
  }
}

#map = affine_map<(d0, d1) -> (0, 0)>
#map1 = affine_map<(d0, d1) -> (0, 0, 0)>
module attributes {stable_mosaic.version = 14 : i64} {
  func.func @_scatter_pass(%arg0: i32, %arg1: i32, %arg2: memref<10000x16xf32, #tpu.memory_space<hbm>>, %arg3: memref<32x79x128xi32, #tpu.memory_space<hbm>>, %arg4: memref<32x79x128xi32, #tpu.memory_space<hbm>>, %arg5: memref<10240x16xf32, #tpu.memory_space<hbm>>, %arg6: memref<2x10240x16xf32, #tpu.memory_space<hbm>>, %arg7: memref<79x128xi32, #tpu.memory_space<vmem>>, %arg8: memref<79x128xi32, #tpu.memory_space<vmem>>, %arg9: memref<128x16xf32, #tpu.memory_space<vmem>>, %arg10: memref<128x16xf32, #tpu.memory_space<vmem>>, %arg11: memref<10240x16xf32, #tpu.memory_space<vmem_shared>>, %arg12: memref<10000x16xf32, #tpu.memory_space<vmem_shared>>, %arg13: memref<!tpu.dma_semaphore, #tpu.memory_space<semaphore_mem>>, %arg14: memref<!tpu.dma_semaphore, #tpu.memory_space<semaphore_mem>>, %arg15: memref<!tpu.dma_semaphore, #tpu.memory_space<semaphore_mem>>, %arg16: memref<!tpu.dma_semaphore, #tpu.memory_space<semaphore_mem>>) attributes {dimension_semantics = [#tpu.dimension_semantics<core_parallel>, #tpu.dimension_semantics<subcore_parallel>], iteration_bounds = array<i64: 2, 16>, scalar_prefetch = 0 : i64, scratch_operands = 10 : i64, tpu.core_type = #tpu.core_type<sc_vector_subcore>, window_params = [{transform_indices = #map}, {transform_indices = #map1}, {transform_indices = #map1}, {transform_indices = #map}, {transform_indices = #map1}]} {
    %mul3A = arith.constant 16 : i32
    %mul3A_0 = arith.muli %arg0, %mul3A : i32
    %add3A = arith.addi %mul3A_0, %arg1 : i32
    %mul3A_1 = arith.constant 640 : i32
    %mul3A_2 = arith.muli %arg1, %mul3A_1 : i32
    %mul3A_3 = arith.constant 640 : i32
    %mul3A_4 = arith.muli %arg1, %mul3A_3 : i32
    %dma_start3A = arith.constant 0 : i32
    %dma_start3A_5 = tpu.memref_slice %arg11[%mul3A_4, %dma_start3A] : memref<10240x16xf32, #tpu.memory_space<vmem_shared>> -> memref<640x16xf32, #tpu.memory_space<vmem_shared>>
    %dma_start3A_6 = arith.constant 0 : i32
    %dma_start3A_7 = tpu.memref_slice %arg5[%mul3A_2, %dma_start3A_6] : memref<10240x16xf32, #tpu.memory_space<hbm>> -> memref<640x16xf32, #tpu.memory_space<hbm>>
    tpu.enqueue_dma source(%dma_start3A_7 : memref<640x16xf32, #tpu.memory_space<hbm>>) target(%dma_start3A_5 : memref<640x16xf32, #tpu.memory_space<vmem_shared>>) target_semaphore(%arg13 : memref<!tpu.dma_semaphore, #tpu.memory_space<semaphore_mem>>)
    %mul3A_8 = arith.constant 625 : i32
    %mul3A_9 = arith.muli %arg1, %mul3A_8 : i32
    %mul3A_10 = arith.constant 625 : i32
    %mul3A_11 = arith.muli %arg1, %mul3A_10 : i32
    %dma_start3A_12 = arith.constant 0 : i32
    %dma_start3A_13 = tpu.memref_slice %arg12[%mul3A_11, %dma_start3A_12] : memref<10000x16xf32, #tpu.memory_space<vmem_shared>> -> memref<625x16xf32, #tpu.memory_space<vmem_shared>>
    %dma_start3A_14 = arith.constant 0 : i32
    %dma_start3A_15 = tpu.memref_slice %arg2[%mul3A_9, %dma_start3A_14] : memref<10000x16xf32, #tpu.memory_space<hbm>> -> memref<625x16xf32, #tpu.memory_space<hbm>>
    tpu.enqueue_dma source(%dma_start3A_15 : memref<625x16xf32, #tpu.memory_space<hbm>>) target(%dma_start3A_13 : memref<625x16xf32, #tpu.memory_space<vmem_shared>>) target_semaphore(%arg14 : memref<!tpu.dma_semaphore, #tpu.memory_space<semaphore_mem>>)
    %dma_start3A_16 = arith.constant 0 : i32
    %dma_start3A_17 = arith.constant 0 : i32
    %dma_start3A_18 = tpu.memref_slice %arg3[%add3A, %dma_start3A_16, %dma_start3A_17] : memref<32x79x128xi32, #tpu.memory_space<hbm>> -> memref<1x79x128xi32, #tpu.memory_space<hbm>>
    %dma_start3A_19 = tpu.memref_squeeze %dma_start3A_18 : memref<1x79x128xi32, #tpu.memory_space<hbm>> -> memref<79x128xi32, #tpu.memory_space<hbm>>
    %dma_start3A_20 = arith.constant 0 : i32
    %dma_start3A_21 = arith.constant 0 : i32
    %dma_start3A_22 = tpu.memref_slice %arg3[%add3A, %dma_start3A_20, %dma_start3A_21] : memref<32x79x128xi32, #tpu.memory_space<hbm>> -> memref<1x79x128xi32, #tpu.memory_space<hbm>>
    %dma_start3A_23 = tpu.memref_squeeze %dma_start3A_22 : memref<1x79x128xi32, #tpu.memory_space<hbm>> -> memref<79x128xi32, #tpu.memory_space<hbm>>
    tpu.enqueue_dma source(%dma_start3A_23 : memref<79x128xi32, #tpu.memory_space<hbm>>) target(%arg7 : memref<79x128xi32, #tpu.memory_space<vmem>>) target_semaphore(%arg15 : memref<!tpu.dma_semaphore, #tpu.memory_space<semaphore_mem>>)
    %dma_start3A_24 = arith.constant 0 : i32
    %dma_start3A_25 = arith.constant 0 : i32
    %dma_start3A_26 = tpu.memref_slice %arg4[%add3A, %dma_start3A_24, %dma_start3A_25] : memref<32x79x128xi32, #tpu.memory_space<hbm>> -> memref<1x79x128xi32, #tpu.memory_space<hbm>>
    %dma_start3A_27 = tpu.memref_squeeze %dma_start3A_26 : memref<1x79x128xi32, #tpu.memory_space<hbm>> -> memref<79x128xi32, #tpu.memory_space<hbm>>
    %dma_start3A_28 = arith.constant 0 : i32
    %dma_start3A_29 = arith.constant 0 : i32
    %dma_start3A_30 = tpu.memref_slice %arg4[%add3A, %dma_start3A_28, %dma_start3A_29] : memref<32x79x128xi32, #tpu.memory_space<hbm>> -> memref<1x79x128xi32, #tpu.memory_space<hbm>>
    %dma_start3A_31 = tpu.memref_squeeze %dma_start3A_30 : memref<1x79x128xi32, #tpu.memory_space<hbm>> -> memref<79x128xi32, #tpu.memory_space<hbm>>
    tpu.enqueue_dma source(%dma_start3A_31 : memref<79x128xi32, #tpu.memory_space<hbm>>) target(%arg8 : memref<79x128xi32, #tpu.memory_space<vmem>>) target_semaphore(%arg16 : memref<!tpu.dma_semaphore, #tpu.memory_space<semaphore_mem>>)
    %dma_wait3A = arith.constant 0 : i32
    %dma_wait3A_32 = tpu.memref_slice %arg11[%mul3A_4, %dma_wait3A] : memref<10240x16xf32, #tpu.memory_space<vmem_shared>> -> memref<640x16xf32, #tpu.memory_space<vmem_shared>>
    %dma_wait3A_33 = arith.constant 0 : i32
    %dma_wait3A_34 = tpu.memref_slice %arg5[%mul3A_2, %dma_wait3A_33] : memref<10240x16xf32, #tpu.memory_space<hbm>> -> memref<640x16xf32, #tpu.memory_space<hbm>>
    tpu.wait_dma2 semaphore(%arg13 : memref<!tpu.dma_semaphore, #tpu.memory_space<semaphore_mem>>) src(%dma_wait3A_34 : memref<640x16xf32, #tpu.memory_space<hbm>>) dst(%dma_wait3A_32 : memref<640x16xf32, #tpu.memory_space<vmem_shared>>)
    %dma_wait3A_35 = arith.constant 0 : i32
    %dma_wait3A_36 = tpu.memref_slice %arg12[%mul3A_11, %dma_wait3A_35] : memref<10000x16xf32, #tpu.memory_space<vmem_shared>> -> memref<625x16xf32, #tpu.memory_space<vmem_shared>>
    %dma_wait3A_37 = arith.constant 0 : i32
    %dma_wait3A_38 = tpu.memref_slice %arg2[%mul3A_9, %dma_wait3A_37] : memref<10000x16xf32, #tpu.memory_space<hbm>> -> memref<625x16xf32, #tpu.memory_space<hbm>>
    tpu.wait_dma2 semaphore(%arg14 : memref<!tpu.dma_semaphore, #tpu.memory_space<semaphore_mem>>) src(%dma_wait3A_38 : memref<625x16xf32, #tpu.memory_space<hbm>>) dst(%dma_wait3A_36 : memref<625x16xf32, #tpu.memory_space<vmem_shared>>)
    %dma_wait3A_39 = arith.constant 0 : i32
    %dma_wait3A_40 = arith.constant 0 : i32
    %dma_wait3A_41 = tpu.memref_slice %arg3[%add3A, %dma_wait3A_39, %dma_wait3A_40] : memref<32x79x128xi32, #tpu.memory_space<hbm>> -> memref<1x79x128xi32, #tpu.memory_space<hbm>>
    %dma_wait3A_42 = tpu.memref_squeeze %dma_wait3A_41 : memref<1x79x128xi32, #tpu.memory_space<hbm>> -> memref<79x128xi32, #tpu.memory_space<hbm>>
    %dma_wait3A_43 = arith.constant 0 : i32
    %dma_wait3A_44 = arith.constant 0 : i32
    %dma_wait3A_45 = tpu.memref_slice %arg3[%add3A, %dma_wait3A_43, %dma_wait3A_44] : memref<32x79x128xi32, #tpu.memory_space<hbm>> -> memref<1x79x128xi32, #tpu.memory_space<hbm>>
    %dma_wait3A_46 = tpu.memref_squeeze %dma_wait3A_45 : memref<1x79x128xi32, #tpu.memory_space<hbm>> -> memref<79x128xi32, #tpu.memory_space<hbm>>
    tpu.wait_dma2 semaphore(%arg15 : memref<!tpu.dma_semaphore, #tpu.memory_space<semaphore_mem>>) src(%dma_wait3A_46 : memref<79x128xi32, #tpu.memory_space<hbm>>) dst(%arg7 : memref<79x128xi32, #tpu.memory_space<vmem>>)
    %dma_wait3A_47 = arith.constant 0 : i32
    %dma_wait3A_48 = arith.constant 0 : i32
    %dma_wait3A_49 = tpu.memref_slice %arg4[%add3A, %dma_wait3A_47, %dma_wait3A_48] : memref<32x79x128xi32, #tpu.memory_space<hbm>> -> memref<1x79x128xi32, #tpu.memory_space<hbm>>
    %dma_wait3A_50 = tpu.memref_squeeze %dma_wait3A_49 : memref<1x79x128xi32, #tpu.memory_space<hbm>> -> memref<79x128xi32, #tpu.memory_space<hbm>>
    %dma_wait3A_51 = arith.constant 0 : i32
    %dma_wait3A_52 = arith.constant 0 : i32
    %dma_wait3A_53 = tpu.memref_slice %arg4[%add3A, %dma_wait3A_51, %dma_wait3A_52] : memref<32x79x128xi32, #tpu.memory_space<hbm>> -> memref<1x79x128xi32, #tpu.memory_space<hbm>>
    %dma_wait3A_54 = tpu.memref_squeeze %dma_wait3A_53 : memref<1x79x128xi32, #tpu.memory_space<hbm>> -> memref<79x128xi32, #tpu.memory_space<hbm>>
    tpu.wait_dma2 semaphore(%arg16 : memref<!tpu.dma_semaphore, #tpu.memory_space<semaphore_mem>>) src(%dma_wait3A_54 : memref<79x128xi32, #tpu.memory_space<hbm>>) dst(%arg8 : memref<79x128xi32, #tpu.memory_space<vmem>>)
    %barrier3A = arith.constant 0 : index
    tpu.barrier barrier_id(%barrier3A)
    %dma_start3A_55 = arith.constant 0 : i32
    %dma_start3A_56 = arith.constant 0 : i32
    %dma_start3A_57 = tpu.memref_slice %arg7[%dma_start3A_55, %dma_start3A_56] : memref<79x128xi32, #tpu.memory_space<vmem>> -> memref<1x128xi32, #tpu.memory_space<vmem>>
    %dma_start3A_58 = tpu.memref_squeeze %dma_start3A_57 : memref<1x128xi32, #tpu.memory_space<vmem>> -> memref<128xi32, #tpu.memory_space<vmem>>
    %dma_start3A_59 = arith.constant 0 : i32
    %dma_start3A_60 = arith.constant 0 : i32
    %dma_start3A_61 = tpu.memref_slice %arg12[%dma_start3A_59, %dma_start3A_60] : memref<10000x16xf32, #tpu.memory_space<vmem_shared>> -> memref<10000x16xf32, #tpu.memory_space<vmem_shared>>
    tpu.enqueue_indirect_dma source(%dma_start3A_61 : memref<10000x16xf32, #tpu.memory_space<vmem_shared>>) target(%arg9 : memref<128x16xf32, #tpu.memory_space<vmem>>) offsets(%dma_start3A_58 : memref<128xi32, #tpu.memory_space<vmem>>) semaphore(%arg13 : memref<!tpu.dma_semaphore, #tpu.memory_space<semaphore_mem>>)
    %dma_start3A_62 = arith.constant 1 : i32
    %dma_start3A_63 = arith.constant 0 : i32
    %dma_start3A_64 = tpu.memref_slice %arg7[%dma_start3A_62, %dma_start3A_63] : memref<79x128xi32, #tpu.memory_space<vmem>> -> memref<1x128xi32, #tpu.memory_space<vmem>>
    %dma_start3A_65 = tpu.memref_squeeze %dma_start3A_64 : memref<1x128xi32, #tpu.memory_space<vmem>> -> memref<128xi32, #tpu.memory_space<vmem>>
    %dma_start3A_66 = arith.constant 0 : i32
    %dma_start3A_67 = arith.constant 0 : i32
    %dma_start3A_68 = tpu.memref_slice %arg12[%dma_start3A_66, %dma_start3A_67] : memref<10000x16xf32, #tpu.memory_space<vmem_shared>> -> memref<10000x16xf32, #tpu.memory_space<vmem_shared>>
    tpu.enqueue_indirect_dma source(%dma_start3A_68 : memref<10000x16xf32, #tpu.memory_space<vmem_shared>>) target(%arg10 : memref<128x16xf32, #tpu.memory_space<vmem>>) offsets(%dma_start3A_65 : memref<128xi32, #tpu.memory_space<vmem>>) semaphore(%arg14 : memref<!tpu.dma_semaphore, #tpu.memory_space<semaphore_mem>>)
    %dma_wait3A_69 = arith.constant 0 : i32
    %dma_wait3A_70 = arith.constant 0 : i32
    %dma_wait3A_71 = tpu.memref_slice %arg2[%dma_wait3A_69, %dma_wait3A_70] : memref<10000x16xf32, #tpu.memory_space<hbm>> -> memref<128x16xf32, #tpu.memory_space<hbm>>
    %dma_wait3A_72 = arith.constant 0 : i32
    %dma_wait3A_73 = arith.constant 0 : i32
    %dma_wait3A_74 = tpu.memref_slice %arg2[%dma_wait3A_72, %dma_wait3A_73] : memref<10000x16xf32, #tpu.memory_space<hbm>> -> memref<128x16xf32, #tpu.memory_space<hbm>>
    tpu.wait_dma2 semaphore(%arg13 : memref<!tpu.dma_semaphore, #tpu.memory_space<semaphore_mem>>) src(%dma_wait3A_74 : memref<128x16xf32, #tpu.memory_space<hbm>>) dst(%arg9 : memref<128x16xf32, #tpu.memory_space<vmem>>)
    %dma_start3A_75 = arith.constant 0 : i32
    %dma_start3A_76 = arith.constant 0 : i32
    %dma_start3A_77 = tpu.memref_slice %arg8[%dma_start3A_75, %dma_start3A_76] : memref<79x128xi32, #tpu.memory_space<vmem>> -> memref<1x128xi32, #tpu.memory_space<vmem>>
    %dma_start3A_78 = tpu.memref_squeeze %dma_start3A_77 : memref<1x128xi32, #tpu.memory_space<vmem>> -> memref<128xi32, #tpu.memory_space<vmem>>
    %dma_start3A_79 = arith.constant 0 : i32
    %dma_start3A_80 = arith.constant 0 : i32
    %dma_start3A_81 = tpu.memref_slice %arg11[%dma_start3A_79, %dma_start3A_80] : memref<10240x16xf32, #tpu.memory_space<vmem_shared>> -> memref<10240x16xf32, #tpu.memory_space<vmem_shared>>
    tpu.enqueue_indirect_dma source(%arg9 : memref<128x16xf32, #tpu.memory_space<vmem>>) target(%dma_start3A_81 : memref<10240x16xf32, #tpu.memory_space<vmem_shared>>) offsets(%dma_start3A_78 : memref<128xi32, #tpu.memory_space<vmem>>) semaphore(%arg15 : memref<!tpu.dma_semaphore, #tpu.memory_space<semaphore_mem>>) {add = true}
    %scan3A = arith.constant 0 : i32
    %scan3A_82 = arith.constant 0 : i32
    %scan3A_83 = arith.constant 39 : i32
    %scan3A_84 = arith.addi %scan3A_82, %scan3A_83 : i32
    %scan3A_85 = arith.constant 1 : i32
    scf.for %scan3A_98 = %scan3A_82 to %scan3A_84 step %scan3A_85  : i32 {
      %mul3A_99 = arith.constant 2 : i32
      %mul3A_100 = arith.muli %mul3A_99, %scan3A_98 : i32
      %add3A_101 = arith.constant 1 : i32
      %add3A_102 = arith.addi %mul3A_100, %add3A_101 : i32
      %add3A_103 = arith.constant 1 : i32
      %add3A_104 = arith.addi %add3A_102, %add3A_103 : i32
      %dma_wait3A_105 = arith.constant 0 : i32
      %dma_wait3A_106 = arith.constant 0 : i32
      %dma_wait3A_107 = tpu.memref_slice %arg2[%dma_wait3A_105, %dma_wait3A_106] : memref<10000x16xf32, #tpu.memory_space<hbm>> -> memref<128x16xf32, #tpu.memory_space<hbm>>
      %dma_wait3A_108 = arith.constant 0 : i32
      %dma_wait3A_109 = arith.constant 0 : i32
      %dma_wait3A_110 = tpu.memref_slice %arg2[%dma_wait3A_108, %dma_wait3A_109] : memref<10000x16xf32, #tpu.memory_space<hbm>> -> memref<128x16xf32, #tpu.memory_space<hbm>>
      tpu.wait_dma2 semaphore(%arg15 : memref<!tpu.dma_semaphore, #tpu.memory_space<semaphore_mem>>) src(%dma_wait3A_110 : memref<128x16xf32, #tpu.memory_space<hbm>>) dst(%arg9 : memref<128x16xf32, #tpu.memory_space<vmem>>)
      %add3A_111 = arith.constant 1 : i32
      %add3A_112 = arith.addi %add3A_102, %add3A_111 : i32
      %dma_start3A_113 = arith.constant 0 : i32
      %dma_start3A_114 = tpu.memref_slice %arg7[%add3A_112, %dma_start3A_113] : memref<79x128xi32, #tpu.memory_space<vmem>> -> memref<1x128xi32, #tpu.memory_space<vmem>>
      %dma_start3A_115 = tpu.memref_squeeze %dma_start3A_114 : memref<1x128xi32, #tpu.memory_space<vmem>> -> memref<128xi32, #tpu.memory_space<vmem>>
      %dma_start3A_116 = arith.constant 0 : i32
      %dma_start3A_117 = arith.constant 0 : i32
      %dma_start3A_118 = tpu.memref_slice %arg12[%dma_start3A_116, %dma_start3A_117] : memref<10000x16xf32, #tpu.memory_space<vmem_shared>> -> memref<10000x16xf32, #tpu.memory_space<vmem_shared>>
      tpu.enqueue_indirect_dma source(%dma_start3A_118 : memref<10000x16xf32, #tpu.memory_space<vmem_shared>>) target(%arg9 : memref<128x16xf32, #tpu.memory_space<vmem>>) offsets(%dma_start3A_115 : memref<128xi32, #tpu.memory_space<vmem>>) semaphore(%arg13 : memref<!tpu.dma_semaphore, #tpu.memory_space<semaphore_mem>>)
      %dma_wait3A_119 = arith.constant 0 : i32
      %dma_wait3A_120 = arith.constant 0 : i32
      %dma_wait3A_121 = tpu.memref_slice %arg2[%dma_wait3A_119, %dma_wait3A_120] : memref<10000x16xf32, #tpu.memory_space<hbm>> -> memref<128x16xf32, #tpu.memory_space<hbm>>
      %dma_wait3A_122 = arith.constant 0 : i32
      %dma_wait3A_123 = arith.constant 0 : i32
      %dma_wait3A_124 = tpu.memref_slice %arg2[%dma_wait3A_122, %dma_wait3A_123] : memref<10000x16xf32, #tpu.memory_space<hbm>> -> memref<128x16xf32, #tpu.memory_space<hbm>>
      tpu.wait_dma2 semaphore(%arg14 : memref<!tpu.dma_semaphore, #tpu.memory_space<semaphore_mem>>) src(%dma_wait3A_124 : memref<128x16xf32, #tpu.memory_space<hbm>>) dst(%arg10 : memref<128x16xf32, #tpu.memory_space<vmem>>)
      %dma_start3A_125 = arith.constant 0 : i32
      %dma_start3A_126 = tpu.memref_slice %arg8[%add3A_102, %dma_start3A_125] : memref<79x128xi32, #tpu.memory_space<vmem>> -> memref<1x128xi32, #tpu.memory_space<vmem>>
      %dma_start3A_127 = tpu.memref_squeeze %dma_start3A_126 : memref<1x128xi32, #tpu.memory_space<vmem>> -> memref<128xi32, #tpu.memory_space<vmem>>
      %dma_start3A_128 = arith.constant 0 : i32
      %dma_start3A_129 = arith.constant 0 : i32
      %dma_start3A_130 = tpu.memref_slice %arg11[%dma_start3A_128, %dma_start3A_129] : memref<10240x16xf32, #tpu.memory_space<vmem_shared>> -> memref<10240x16xf32, #tpu.memory_space<vmem_shared>>
      tpu.enqueue_indirect_dma source(%arg10 : memref<128x16xf32, #tpu.memory_space<vmem>>) target(%dma_start3A_130 : memref<10240x16xf32, #tpu.memory_space<vmem_shared>>) offsets(%dma_start3A_127 : memref<128xi32, #tpu.memory_space<vmem>>) semaphore(%arg16 : memref<!tpu.dma_semaphore, #tpu.memory_space<semaphore_mem>>) {add = true}
      %dma_wait3A_131 = arith.constant 0 : i32
      %dma_wait3A_132 = arith.constant 0 : i32
      %dma_wait3A_133 = tpu.memref_slice %arg2[%dma_wait3A_131, %dma_wait3A_132] : memref<10000x16xf32, #tpu.memory_space<hbm>> -> memref<128x16xf32, #tpu.memory_space<hbm>>
      %dma_wait3A_134 = arith.constant 0 : i32
      %dma_wait3A_135 = arith.constant 0 : i32
      %dma_wait3A_136 = tpu.memref_slice %arg2[%dma_wait3A_134, %dma_wait3A_135] : memref<10000x16xf32, #tpu.memory_space<hbm>> -> memref<128x16xf32, #tpu.memory_space<hbm>>
      tpu.wait_dma2 semaphore(%arg16 : memref<!tpu.dma_semaphore, #tpu.memory_space<semaphore_mem>>) src(%dma_wait3A_136 : memref<128x16xf32, #tpu.memory_space<hbm>>) dst(%arg10 : memref<128x16xf32, #tpu.memory_space<vmem>>)
      %add3A_137 = arith.constant 1 : i32
      %add3A_138 = arith.addi %add3A_104, %add3A_137 : i32
      %lt3A = arith.constant 79 : i32
      %lt3A_139 = arith.cmpi slt, %add3A_138, %lt3A : i32
      %convert_element_type3A = arith.extui %lt3A_139 : i1 to i32
      %cond3A = arith.constant 0 : i32
      %cond3A_140 = arith.cmpi ne, %convert_element_type3A, %cond3A : i32
      scf.if %cond3A_140 {
        %add3A_153 = arith.constant 1 : i32
        %add3A_154 = arith.addi %add3A_104, %add3A_153 : i32
        %dma_start3A_155 = arith.constant 0 : i32
        %dma_start3A_156 = tpu.memref_slice %arg7[%add3A_154, %dma_start3A_155] : memref<79x128xi32, #tpu.memory_space<vmem>> -> memref<1x128xi32, #tpu.memory_space<vmem>>
        %dma_start3A_157 = tpu.memref_squeeze %dma_start3A_156 : memref<1x128xi32, #tpu.memory_space<vmem>> -> memref<128xi32, #tpu.memory_space<vmem>>
        %dma_start3A_158 = arith.constant 0 : i32
        %dma_start3A_159 = arith.constant 0 : i32
        %dma_start3A_160 = tpu.memref_slice %arg12[%dma_start3A_158, %dma_start3A_159] : memref<10000x16xf32, #tpu.memory_space<vmem_shared>> -> memref<10000x16xf32, #tpu.memory_space<vmem_shared>>
        tpu.enqueue_indirect_dma source(%dma_start3A_160 : memref<10000x16xf32, #tpu.memory_space<vmem_shared>>) target(%arg10 : memref<128x16xf32, #tpu.memory_space<vmem>>) offsets(%dma_start3A_157 : memref<128xi32, #tpu.memory_space<vmem>>) semaphore(%arg14 : memref<!tpu.dma_semaphore, #tpu.memory_space<semaphore_mem>>)
      } else {
      }
      %dma_wait3A_141 = arith.constant 0 : i32
      %dma_wait3A_142 = arith.constant 0 : i32
      %dma_wait3A_143 = tpu.memref_slice %arg2[%dma_wait3A_141, %dma_wait3A_142] : memref<10000x16xf32, #tpu.memory_space<hbm>> -> memref<128x16xf32, #tpu.memory_space<hbm>>
      %dma_wait3A_144 = arith.constant 0 : i32
      %dma_wait3A_145 = arith.constant 0 : i32
      %dma_wait3A_146 = tpu.memref_slice %arg2[%dma_wait3A_144, %dma_wait3A_145] : memref<10000x16xf32, #tpu.memory_space<hbm>> -> memref<128x16xf32, #tpu.memory_space<hbm>>
      tpu.wait_dma2 semaphore(%arg13 : memref<!tpu.dma_semaphore, #tpu.memory_space<semaphore_mem>>) src(%dma_wait3A_146 : memref<128x16xf32, #tpu.memory_space<hbm>>) dst(%arg9 : memref<128x16xf32, #tpu.memory_space<vmem>>)
      %dma_start3A_147 = arith.constant 0 : i32
      %dma_start3A_148 = tpu.memref_slice %arg8[%add3A_104, %dma_start3A_147] : memref<79x128xi32, #tpu.memory_space<vmem>> -> memref<1x128xi32, #tpu.memory_space<vmem>>
      %dma_start3A_149 = tpu.memref_squeeze %dma_start3A_148 : memref<1x128xi32, #tpu.memory_space<vmem>> -> memref<128xi32, #tpu.memory_space<vmem>>
      %dma_start3A_150 = arith.constant 0 : i32
      %dma_start3A_151 = arith.constant 0 : i32
      %dma_start3A_152 = tpu.memref_slice %arg11[%dma_start3A_150, %dma_start3A_151] : memref<10240x16xf32, #tpu.memory_space<vmem_shared>> -> memref<10240x16xf32, #tpu.memory_space<vmem_shared>>
      tpu.enqueue_indirect_dma source(%arg9 : memref<128x16xf32, #tpu.memory_space<vmem>>) target(%dma_start3A_152 : memref<10240x16xf32, #tpu.memory_space<vmem_shared>>) offsets(%dma_start3A_149 : memref<128xi32, #tpu.memory_space<vmem>>) semaphore(%arg15 : memref<!tpu.dma_semaphore, #tpu.memory_space<semaphore_mem>>) {add = true}
    }
    %scan3A_86 = arith.constant 39 : i32
    %dma_wait3A_87 = arith.constant 0 : i32
    %dma_wait3A_88 = arith.constant 0 : i32
    %dma_wait3A_89 = tpu.memref_slice %arg2[%dma_wait3A_87, %dma_wait3A_88] : memref<10000x16xf32, #tpu.memory_space<hbm>> -> memref<128x16xf32, #tpu.memory_space<hbm>>
    %dma_wait3A_90 = arith.constant 0 : i32
    %dma_wait3A_91 = arith.constant 0 : i32
    %dma_wait3A_92 = tpu.memref_slice %arg2[%dma_wait3A_90, %dma_wait3A_91] : memref<10000x16xf32, #tpu.memory_space<hbm>> -> memref<128x16xf32, #tpu.memory_space<hbm>>
    tpu.wait_dma2 semaphore(%arg15 : memref<!tpu.dma_semaphore, #tpu.memory_space<semaphore_mem>>) src(%dma_wait3A_92 : memref<128x16xf32, #tpu.memory_space<hbm>>) dst(%arg9 : memref<128x16xf32, #tpu.memory_space<vmem>>)
    %barrier3A_93 = arith.constant 0 : index
    tpu.barrier barrier_id(%barrier3A_93)
    %mul3A_94 = arith.constant 640 : i32
    %mul3A_95 = arith.muli %arg1, %mul3A_94 : i32
    %mul3A_96 = arith.constant 640 : i32
    %mul3A_97 = arith.muli %arg1, %mul3A_96 : i32
    "tpu.region"() ({
      %run_scoped3A = tpu.sem_alloc : memref<!tpu.dma_semaphore, #tpu.memory_space<semaphore_mem>>
      %dma_start3A_98 = arith.constant 0 : i32
      %dma_start3A_99 = tpu.memref_slice %arg6[%arg0, %mul3A_97, %dma_start3A_98] : memref<2x10240x16xf32, #tpu.memory_space<hbm>> -> memref<1x640x16xf32, #tpu.memory_space<hbm>>
      %dma_start3A_100 = tpu.memref_squeeze %dma_start3A_99 : memref<1x640x16xf32, #tpu.memory_space<hbm>> -> memref<640x16xf32, #tpu.memory_space<hbm>>
      %dma_start3A_101 = arith.constant 0 : i32
      %dma_start3A_102 = tpu.memref_slice %arg11[%mul3A_95, %dma_start3A_101] : memref<10240x16xf32, #tpu.memory_space<vmem_shared>> -> memref<640x16xf32, #tpu.memory_space<vmem_shared>>
      tpu.enqueue_dma source(%dma_start3A_102 : memref<640x16xf32, #tpu.memory_space<vmem_shared>>) target(%dma_start3A_100 : memref<640x16xf32, #tpu.memory_space<hbm>>) target_semaphore(%run_scoped3A : memref<!tpu.dma_semaphore, #tpu.memory_space<semaphore_mem>>)
      %dma_wait3A_103 = arith.constant 0 : i32
      %dma_wait3A_104 = tpu.memref_slice %arg6[%arg0, %mul3A_97, %dma_wait3A_103] : memref<2x10240x16xf32, #tpu.memory_space<hbm>> -> memref<1x640x16xf32, #tpu.memory_space<hbm>>
      %dma_wait3A_105 = tpu.memref_squeeze %dma_wait3A_104 : memref<1x640x16xf32, #tpu.memory_space<hbm>> -> memref<640x16xf32, #tpu.memory_space<hbm>>
      %dma_wait3A_106 = arith.constant 0 : i32
      %dma_wait3A_107 = tpu.memref_slice %arg11[%mul3A_95, %dma_wait3A_106] : memref<10240x16xf32, #tpu.memory_space<vmem_shared>> -> memref<640x16xf32, #tpu.memory_space<vmem_shared>>
      tpu.wait_dma2 semaphore(%run_scoped3A : memref<!tpu.dma_semaphore, #tpu.memory_space<semaphore_mem>>) src(%dma_wait3A_107 : memref<640x16xf32, #tpu.memory_space<vmem_shared>>) dst(%dma_wait3A_105 : memref<640x16xf32, #tpu.memory_space<hbm>>)
      tpu.yield
    }) : () -> ()
    return
  }
}

module attributes {stable_mosaic.version = 14 : i64} {
  func.func @_stage1(%arg0: memref<2x1280x128xf32, #tpu.memory_space<vmem>>, %arg1: memref<1250x1024xf32, #tpu.memory_space<vmem>>, %arg2: memref<1024x128xf32, #tpu.memory_space<vmem>>, %arg3: memref<1024x128xf32, #tpu.memory_space<vmem>>, %arg4: memref<1024x128xf32, #tpu.memory_space<vmem>>, %arg5: memref<8x128xf32, #tpu.memory_space<vmem>>, %arg6: memref<1250x128xf32, #tpu.memory_space<vmem>>, %arg7: memref<1250x128xf32, #tpu.memory_space<vmem>>, %arg8: memref<1250x128xf32, #tpu.memory_space<vmem>>, %arg9: memref<1250x128xf32, #tpu.memory_space<vmem>>) attributes {dimension_semantics = [], scalar_prefetch = 0 : i64, scratch_operands = 0 : i64, tpu.core_type = #tpu.core_type<tc>} {
    %get3A = arith.constant 0 : index
    %get3A_0 = arith.constant 0 : index
    %get3A_1 = arith.constant 0 : index
    %get3A_2 = vector.load %arg0[%get3A, %get3A_0, %get3A_1] : memref<2x1280x128xf32, #tpu.memory_space<vmem>>, vector<1x1250x128xf32>
    %get3A_3 = vector.shape_cast %get3A_2 : vector<1x1250x128xf32> to vector<1250x128xf32>
    %get3A_4 = arith.constant 1 : index
    %get3A_5 = arith.constant 0 : index
    %get3A_6 = arith.constant 0 : index
    %get3A_7 = vector.load %arg0[%get3A_4, %get3A_5, %get3A_6] : memref<2x1280x128xf32, #tpu.memory_space<vmem>>, vector<1x1250x128xf32>
    %get3A_8 = vector.shape_cast %get3A_7 : vector<1x1250x128xf32> to vector<1250x128xf32>
    %add3A = arith.addf %get3A_3, %get3A_8 : vector<1250x128xf32>
    %gt3A = arith.constant 0.000000e+00 : f32
    %gt3A_9 = vector.broadcast %gt3A : f32 to vector<1250x128xf32>
    %gt3A_10 = arith.cmpf ogt, %add3A, %gt3A_9 : vector<1250x128xf32>
    %gt3A_11 = arith.constant 0.000000e+00 : f32
    %gt3A_12 = vector.broadcast %gt3A_11 : f32 to vector<1250x128xf32>
    %gt3A_13 = arith.cmpf ogt, %add3A, %gt3A_12 : vector<1250x128xf32>
    %jit3A = arith.constant 1.000000e+00 : f32
    %broadcast_in_dim3A = vector.broadcast %jit3A : f32 to vector<1250x128xf32>
    %select_n3A = arith.select %gt3A_13, %add3A, %broadcast_in_dim3A : vector<1250x128xi1>, vector<1250x128xf32>
    %rsqrt3A = math.rsqrt %select_n3A : vector<1250x128xf32>
    %jit3A_14 = arith.constant 0.000000e+00 : f32
    %broadcast_in_dim3A_15 = vector.broadcast %jit3A_14 : f32 to vector<1250x128xf32>
    %select_n3A_16 = arith.select %gt3A_10, %rsqrt3A, %broadcast_in_dim3A_15 : vector<1250x128xi1>, vector<1250x128xf32>
    %swap3A = arith.constant 0 : index
    %swap3A_17 = arith.constant 0 : index
    %swap3A_18 = vector.load %arg6[%swap3A, %swap3A_17] : memref<1250x128xf32, #tpu.memory_space<vmem>>, vector<1250x128xf32>
    tpu.vector_store %arg6[%swap3A, %swap3A_17], %select_n3A_16 {strides = array<i32>} : memref<1250x128xf32, #tpu.memory_space<vmem>>, vector<1250x128xf32>,
    %get3A_19 = arith.constant 0 : index
    %get3A_20 = arith.constant 0 : index
    %get3A_21 = vector.load %arg1[%get3A_19, %get3A_20] : memref<1250x1024xf32, #tpu.memory_space<vmem>>, vector<1250x1024xf32>
    %get3A_22 = arith.constant 0 : index
    %get3A_23 = arith.constant 0 : index
    %get3A_24 = vector.load %arg4[%get3A_22, %get3A_23] : memref<1024x128xf32, #tpu.memory_space<vmem>>, vector<1024x128xf32>
    %dot_general3A = arith.constant dense<0.000000e+00> : vector<1250x128xf32>
    %dot_general3A_25 = tpu.matmul %get3A_21, %get3A_24, %dot_general3A {dimension_numbers = #tpu.dot_dimension_numbers<[1], [0], [0], [1], [0, 0, 1, 1], [], []>, transpose_lhs_hint = false} : vector<1250x1024xf32>, vector<1024x128xf32>, vector<1250x128xf32> -> vector<1250x128xf32>
    %mul3A = arith.mulf %select_n3A_16, %dot_general3A_25 : vector<1250x128xf32>
    %swap3A_26 = arith.constant 0 : index
    %swap3A_27 = arith.constant 0 : index
    %swap3A_28 = vector.load %arg7[%swap3A_26, %swap3A_27] : memref<1250x128xf32, #tpu.memory_space<vmem>>, vector<1250x128xf32>
    tpu.vector_store %arg7[%swap3A_26, %swap3A_27], %mul3A {strides = array<i32>} : memref<1250x128xf32, #tpu.memory_space<vmem>>, vector<1250x128xf32>,
    %get3A_29 = arith.constant 0 : index
    %get3A_30 = arith.constant 0 : index
    %get3A_31 = vector.load %arg3[%get3A_29, %get3A_30] : memref<1024x128xf32, #tpu.memory_space<vmem>>, vector<1024x128xf32>
    %dot_general3A_32 = arith.constant dense<0.000000e+00> : vector<1250x128xf32>
    %dot_general3A_33 = tpu.matmul %get3A_21, %get3A_31, %dot_general3A_32 {dimension_numbers = #tpu.dot_dimension_numbers<[1], [0], [0], [1], [0, 0, 1, 1], [], []>, transpose_lhs_hint = false} : vector<1250x1024xf32>, vector<1024x128xf32>, vector<1250x128xf32> -> vector<1250x128xf32>
    %swap3A_34 = arith.constant 0 : index
    %swap3A_35 = arith.constant 0 : index
    %swap3A_36 = vector.load %arg8[%swap3A_34, %swap3A_35] : memref<1250x128xf32, #tpu.memory_space<vmem>>, vector<1250x128xf32>
    tpu.vector_store %arg8[%swap3A_34, %swap3A_35], %dot_general3A_33 {strides = array<i32>} : memref<1250x128xf32, #tpu.memory_space<vmem>>, vector<1250x128xf32>,
    %get3A_37 = arith.constant 0 : index
    %get3A_38 = arith.constant 0 : index
    %get3A_39 = vector.load %arg2[%get3A_37, %get3A_38] : memref<1024x128xf32, #tpu.memory_space<vmem>>, vector<1024x128xf32>
    %dot_general3A_40 = arith.constant dense<0.000000e+00> : vector<1250x128xf32>
    %dot_general3A_41 = tpu.matmul %get3A_21, %get3A_39, %dot_general3A_40 {dimension_numbers = #tpu.dot_dimension_numbers<[1], [0], [0], [1], [0, 0, 1, 1], [], []>, transpose_lhs_hint = false} : vector<1250x1024xf32>, vector<1024x128xf32>, vector<1250x128xf32> -> vector<1250x128xf32>
    %get3A_42 = arith.constant 0 : index
    %get3A_43 = arith.constant 0 : index
    %get3A_44 = vector.load %arg5[%get3A_42, %get3A_43] : memref<8x128xf32, #tpu.memory_space<vmem>>, vector<1x128xf32>
    %add3A_45 = vector.broadcast %get3A_44 : vector<1x128xf32> to vector<1250x128xf32>
    %add3A_46 = arith.addf %dot_general3A_41, %add3A_45 : vector<1250x128xf32>
    %swap3A_47 = arith.constant 0 : index
    %swap3A_48 = arith.constant 0 : index
    %swap3A_49 = vector.load %arg9[%swap3A_47, %swap3A_48] : memref<1250x128xf32, #tpu.memory_space<vmem>>, vector<1250x128xf32>
    tpu.vector_store %arg9[%swap3A_47, %swap3A_48], %add3A_46 {strides = array<i32>} : memref<1250x128xf32, #tpu.memory_space<vmem>>, vector<1250x128xf32>,
    return
  }
}

module attributes {stable_mosaic.version = 14 : i64} {
  func.func @_stage2(%arg0: memref<1250x128xf32, #tpu.memory_space<vmem>>, %arg1: memref<2x1280x128xf32, #tpu.memory_space<vmem>>, %arg2: memref<1250x128xf32, #tpu.memory_space<vmem>>, %arg3: memref<1250x128xf32, #tpu.memory_space<vmem>>) attributes {dimension_semantics = [], scalar_prefetch = 0 : i64, scratch_operands = 0 : i64, tpu.core_type = #tpu.core_type<tc>} {
    %get3A = arith.constant 0 : index
    %get3A_0 = arith.constant 0 : index
    %get3A_1 = vector.load %arg2[%get3A, %get3A_0] : memref<1250x128xf32, #tpu.memory_space<vmem>>, vector<1250x128xf32>
    %get3A_2 = arith.constant 0 : index
    %get3A_3 = arith.constant 0 : index
    %get3A_4 = arith.constant 0 : index
    %get3A_5 = vector.load %arg1[%get3A_2, %get3A_3, %get3A_4] : memref<2x1280x128xf32, #tpu.memory_space<vmem>>, vector<1x1250x128xf32>
    %get3A_6 = vector.shape_cast %get3A_5 : vector<1x1250x128xf32> to vector<1250x128xf32>
    %get3A_7 = arith.constant 1 : index
    %get3A_8 = arith.constant 0 : index
    %get3A_9 = arith.constant 0 : index
    %get3A_10 = vector.load %arg1[%get3A_7, %get3A_8, %get3A_9] : memref<2x1280x128xf32, #tpu.memory_space<vmem>>, vector<1x1250x128xf32>
    %get3A_11 = vector.shape_cast %get3A_10 : vector<1x1250x128xf32> to vector<1250x128xf32>
    %add3A = arith.addf %get3A_6, %get3A_11 : vector<1250x128xf32>
    %get3A_12 = arith.constant 0 : index
    %get3A_13 = arith.constant 0 : index
    %get3A_14 = vector.load %arg0[%get3A_12, %get3A_13] : memref<1250x128xf32, #tpu.memory_space<vmem>>, vector<1250x128xf32>
    %mul3A = arith.mulf %get3A_1, %get3A_14 : vector<1250x128xf32>
    %mul3A_15 = arith.constant 2.000000e+00 : f32
    %mul3A_16 = vector.broadcast %mul3A_15 : f32 to vector<1250x128xf32>
    %mul3A_17 = arith.mulf %mul3A_16, %get3A_1 : vector<1250x128xf32>
    %mul3A_18 = arith.mulf %mul3A_17, %get3A_1 : vector<1250x128xf32>
    %mul3A_19 = arith.mulf %mul3A_18, %add3A : vector<1250x128xf32>
    %sub3A = arith.subf %mul3A, %mul3A_19 : vector<1250x128xf32>
    %swap3A = arith.constant 0 : index
    %swap3A_20 = arith.constant 0 : index
    %swap3A_21 = vector.load %arg3[%swap3A, %swap3A_20] : memref<1250x128xf32, #tpu.memory_space<vmem>>, vector<1250x128xf32>
    tpu.vector_store %arg3[%swap3A, %swap3A_20], %sub3A {strides = array<i32>} : memref<1250x128xf32, #tpu.memory_space<vmem>>, vector<1250x128xf32>,
    return
  }
}

module attributes {stable_mosaic.version = 14 : i64} {
  func.func @_stage3(%arg0: memref<1250x128xf32, #tpu.memory_space<vmem>>, %arg1: memref<2x1280x128xf32, #tpu.memory_space<vmem>>, %arg2: memref<1250x128xf32, #tpu.memory_space<vmem>>, %arg3: memref<1250x128xf32, #tpu.memory_space<vmem>>, %arg4: memref<1250x128xf32, #tpu.memory_space<vmem>>) attributes {dimension_semantics = [], scalar_prefetch = 0 : i64, scratch_operands = 0 : i64, tpu.core_type = #tpu.core_type<tc>} {
    %get3A = arith.constant 0 : index
    %get3A_0 = arith.constant 0 : index
    %get3A_1 = vector.load %arg2[%get3A, %get3A_0] : memref<1250x128xf32, #tpu.memory_space<vmem>>, vector<1250x128xf32>
    %get3A_2 = arith.constant 0 : index
    %get3A_3 = arith.constant 0 : index
    %get3A_4 = arith.constant 0 : index
    %get3A_5 = vector.load %arg1[%get3A_2, %get3A_3, %get3A_4] : memref<2x1280x128xf32, #tpu.memory_space<vmem>>, vector<1x1250x128xf32>
    %get3A_6 = vector.shape_cast %get3A_5 : vector<1x1250x128xf32> to vector<1250x128xf32>
    %get3A_7 = arith.constant 1 : index
    %get3A_8 = arith.constant 0 : index
    %get3A_9 = arith.constant 0 : index
    %get3A_10 = vector.load %arg1[%get3A_7, %get3A_8, %get3A_9] : memref<2x1280x128xf32, #tpu.memory_space<vmem>>, vector<1x1250x128xf32>
    %get3A_11 = vector.shape_cast %get3A_10 : vector<1x1250x128xf32> to vector<1250x128xf32>
    %add3A = arith.addf %get3A_6, %get3A_11 : vector<1250x128xf32>
    %get3A_12 = arith.constant 0 : index
    %get3A_13 = arith.constant 0 : index
    %get3A_14 = vector.load %arg0[%get3A_12, %get3A_13] : memref<1250x128xf32, #tpu.memory_space<vmem>>, vector<1250x128xf32>
    %mul3A = arith.mulf %get3A_1, %add3A : vector<1250x128xf32>
    %sub3A = arith.subf %get3A_14, %mul3A : vector<1250x128xf32>
    %max3A = arith.constant 0.000000e+00 : f32
    %max3A_15 = vector.broadcast %max3A : f32 to vector<1250x128xf32>
    %max3A_16 = arith.maximumf %sub3A, %max3A_15 : vector<1250x128xf32>
    %swap3A = arith.constant 0 : index
    %swap3A_17 = arith.constant 0 : index
    %swap3A_18 = vector.load %arg3[%swap3A, %swap3A_17] : memref<1250x128xf32, #tpu.memory_space<vmem>>, vector<1250x128xf32>
    tpu.vector_store %arg3[%swap3A, %swap3A_17], %max3A_16 {strides = array<i32>} : memref<1250x128xf32, #tpu.memory_space<vmem>>, vector<1250x128xf32>,
    %mul3A_19 = arith.mulf %get3A_1, %max3A_16 : vector<1250x128xf32>
    %swap3A_20 = arith.constant 0 : index
    %swap3A_21 = arith.constant 0 : index
    %swap3A_22 = vector.load %arg4[%swap3A_20, %swap3A_21] : memref<1250x128xf32, #tpu.memory_space<vmem>>, vector<1250x128xf32>
    tpu.vector_store %arg4[%swap3A_20, %swap3A_21], %mul3A_19 {strides = array<i32>} : memref<1250x128xf32, #tpu.memory_space<vmem>>, vector<1250x128xf32>,
    return
  }
}

module attributes {stable_mosaic.version = 14 : i64} {
  func.func @_stage4(%arg0: memref<2x1280x128xf32, #tpu.memory_space<vmem>>, %arg1: memref<1250x128xf32, #tpu.memory_space<vmem>>, %arg2: memref<1250x128xf32, #tpu.memory_space<vmem>>, %arg3: memref<1250x128xf32, #tpu.memory_space<vmem>>) attributes {dimension_semantics = [], scalar_prefetch = 0 : i64, scratch_operands = 0 : i64, tpu.core_type = #tpu.core_type<tc>} {
    %get3A = arith.constant 0 : index
    %get3A_0 = arith.constant 0 : index
    %get3A_1 = vector.load %arg1[%get3A, %get3A_0] : memref<1250x128xf32, #tpu.memory_space<vmem>>, vector<1250x128xf32>
    %get3A_2 = arith.constant 0 : index
    %get3A_3 = arith.constant 0 : index
    %get3A_4 = arith.constant 0 : index
    %get3A_5 = vector.load %arg0[%get3A_2, %get3A_3, %get3A_4] : memref<2x1280x128xf32, #tpu.memory_space<vmem>>, vector<1x1250x128xf32>
    %get3A_6 = vector.shape_cast %get3A_5 : vector<1x1250x128xf32> to vector<1250x128xf32>
    %get3A_7 = arith.constant 1 : index
    %get3A_8 = arith.constant 0 : index
    %get3A_9 = arith.constant 0 : index
    %get3A_10 = vector.load %arg0[%get3A_7, %get3A_8, %get3A_9] : memref<2x1280x128xf32, #tpu.memory_space<vmem>>, vector<1x1250x128xf32>
    %get3A_11 = vector.shape_cast %get3A_10 : vector<1x1250x128xf32> to vector<1250x128xf32>
    %add3A = arith.addf %get3A_6, %get3A_11 : vector<1250x128xf32>
    %neg3A = arith.constant 0.000000e+00 : f32
    %neg3A_12 = vector.broadcast %neg3A : f32 to vector<1250x128xf32>
    %neg3A_13 = arith.subf %neg3A_12, %get3A_1 : vector<1250x128xf32>
    %mul3A = arith.mulf %neg3A_13, %add3A : vector<1250x128xf32>
    %swap3A = arith.constant 0 : index
    %swap3A_14 = arith.constant 0 : index
    %swap3A_15 = vector.load %arg2[%swap3A, %swap3A_14] : memref<1250x128xf32, #tpu.memory_space<vmem>>, vector<1250x128xf32>
    tpu.vector_store %arg2[%swap3A, %swap3A_14], %mul3A {strides = array<i32>} : memref<1250x128xf32, #tpu.memory_space<vmem>>, vector<1250x128xf32>,
    %mul3A_16 = arith.mulf %get3A_1, %get3A_1 : vector<1250x128xf32>
    %mul3A_17 = arith.mulf %mul3A_16, %add3A : vector<1250x128xf32>
    %swap3A_18 = arith.constant 0 : index
    %swap3A_19 = arith.constant 0 : index
    %swap3A_20 = vector.load %arg3[%swap3A_18, %swap3A_19] : memref<1250x128xf32, #tpu.memory_space<vmem>>, vector<1250x128xf32>
    tpu.vector_store %arg3[%swap3A_18, %swap3A_19], %mul3A_17 {strides = array<i32>} : memref<1250x128xf32, #tpu.memory_space<vmem>>, vector<1250x128xf32>,
    return
  }
}

module attributes {stable_mosaic.version = 14 : i64} {
  func.func @_stage5(%arg0: memref<2x1280x128xf32, #tpu.memory_space<vmem>>, %arg1: memref<1250x128xf32, #tpu.memory_space<vmem>>, %arg2: memref<1250x128xf32, #tpu.memory_space<vmem>>, %arg3: memref<1250x128xf32, #tpu.memory_space<vmem>>, %arg4: memref<128x1024xf32, #tpu.memory_space<vmem>>, %arg5: memref<128x1024xf32, #tpu.memory_space<vmem>>, %arg6: memref<128x1024xf32, #tpu.memory_space<vmem>>, %arg7: memref<8x1024xf32, #tpu.memory_space<vmem>>, %arg8: memref<1250x1024xf32, #tpu.memory_space<vmem>>) attributes {dimension_semantics = [], scalar_prefetch = 0 : i64, scratch_operands = 0 : i64, tpu.core_type = #tpu.core_type<tc>} {
    %get3A = arith.constant 0 : index
    %get3A_0 = arith.constant 0 : index
    %get3A_1 = vector.load %arg1[%get3A, %get3A_0] : memref<1250x128xf32, #tpu.memory_space<vmem>>, vector<1250x128xf32>
    %get3A_2 = arith.constant 0 : index
    %get3A_3 = arith.constant 0 : index
    %get3A_4 = arith.constant 0 : index
    %get3A_5 = vector.load %arg0[%get3A_2, %get3A_3, %get3A_4] : memref<2x1280x128xf32, #tpu.memory_space<vmem>>, vector<1x1250x128xf32>
    %get3A_6 = vector.shape_cast %get3A_5 : vector<1x1250x128xf32> to vector<1250x128xf32>
    %get3A_7 = arith.constant 1 : index
    %get3A_8 = arith.constant 0 : index
    %get3A_9 = arith.constant 0 : index
    %get3A_10 = vector.load %arg0[%get3A_7, %get3A_8, %get3A_9] : memref<2x1280x128xf32, #tpu.memory_space<vmem>>, vector<1x1250x128xf32>
    %get3A_11 = vector.shape_cast %get3A_10 : vector<1x1250x128xf32> to vector<1250x128xf32>
    %add3A = arith.addf %get3A_6, %get3A_11 : vector<1250x128xf32>
    %mul3A = arith.mulf %get3A_1, %add3A : vector<1250x128xf32>
    %get3A_12 = arith.constant 0 : index
    %get3A_13 = arith.constant 0 : index
    %get3A_14 = vector.load %arg2[%get3A_12, %get3A_13] : memref<1250x128xf32, #tpu.memory_space<vmem>>, vector<1250x128xf32>
    %get3A_15 = arith.constant 0 : index
    %get3A_16 = arith.constant 0 : index
    %get3A_17 = vector.load %arg4[%get3A_15, %get3A_16] : memref<128x1024xf32, #tpu.memory_space<vmem>>, vector<128x1024xf32>
    %dot_general3A = arith.constant dense<0.000000e+00> : vector<1250x1024xf32>
    %dot_general3A_18 = tpu.matmul %get3A_14, %get3A_17, %dot_general3A {dimension_numbers = #tpu.dot_dimension_numbers<[1], [0], [0], [1], [0, 0, 1, 1], [], []>, transpose_lhs_hint = false} : vector<1250x128xf32>, vector<128x1024xf32>, vector<1250x1024xf32> -> vector<1250x1024xf32>
    %get3A_19 = arith.constant 0 : index
    %get3A_20 = arith.constant 0 : index
    %get3A_21 = vector.load %arg3[%get3A_19, %get3A_20] : memref<1250x128xf32, #tpu.memory_space<vmem>>, vector<1250x128xf32>
    %get3A_22 = arith.constant 0 : index
    %get3A_23 = arith.constant 0 : index
    %get3A_24 = vector.load %arg5[%get3A_22, %get3A_23] : memref<128x1024xf32, #tpu.memory_space<vmem>>, vector<128x1024xf32>
    %dot_general3A_25 = arith.constant dense<0.000000e+00> : vector<1250x1024xf32>
    %dot_general3A_26 = tpu.matmul %get3A_21, %get3A_24, %dot_general3A_25 {dimension_numbers = #tpu.dot_dimension_numbers<[1], [0], [0], [1], [0, 0, 1, 1], [], []>, transpose_lhs_hint = false} : vector<1250x128xf32>, vector<128x1024xf32>, vector<1250x1024xf32> -> vector<1250x1024xf32>
    %add3A_27 = arith.addf %dot_general3A_18, %dot_general3A_26 : vector<1250x1024xf32>
    %get3A_28 = arith.constant 0 : index
    %get3A_29 = arith.constant 0 : index
    %get3A_30 = vector.load %arg6[%get3A_28, %get3A_29] : memref<128x1024xf32, #tpu.memory_space<vmem>>, vector<128x1024xf32>
    %dot_general3A_31 = arith.constant dense<0.000000e+00> : vector<1250x1024xf32>
    %dot_general3A_32 = tpu.matmul %mul3A, %get3A_30, %dot_general3A_31 {dimension_numbers = #tpu.dot_dimension_numbers<[1], [0], [0], [1], [0, 0, 1, 1], [], []>, transpose_lhs_hint = false} : vector<1250x128xf32>, vector<128x1024xf32>, vector<1250x1024xf32> -> vector<1250x1024xf32>
    %mul3A_33 = arith.constant 2.000000e+00 : f32
    %mul3A_34 = vector.broadcast %mul3A_33 : f32 to vector<1250x1024xf32>
    %mul3A_35 = arith.mulf %mul3A_34, %dot_general3A_32 : vector<1250x1024xf32>
    %add3A_36 = arith.addf %add3A_27, %mul3A_35 : vector<1250x1024xf32>
    %get3A_37 = arith.constant 0 : index
    %get3A_38 = arith.constant 0 : index
    %get3A_39 = vector.load %arg7[%get3A_37, %get3A_38] : memref<8x1024xf32, #tpu.memory_space<vmem>>, vector<1x1024xf32>
    %add3A_40 = vector.broadcast %get3A_39 : vector<1x1024xf32> to vector<1250x1024xf32>
    %add3A_41 = arith.addf %add3A_36, %add3A_40 : vector<1250x1024xf32>
    %slice3A = vector.extract_strided_slice %add3A_41 {offsets = [0, 0], sizes = [1250, 128], strides = [1, 1]} : vector<1250x1024xf32> to vector<1250x128xf32>
    %reduce_max3A = arith.constant dense<0xFF800000> : vector<1250xf32>
    %reduce_max3A_42 = vector.multi_reduction <maximumf>, %slice3A, %reduce_max3A [1] : vector<1250x128xf32> to vector<1250xf32>
    %broadcast_in_dim3A = vector.shape_cast %reduce_max3A_42 : vector<1250xf32> to vector<1250x1xf32>
    %sub3A = vector.broadcast %broadcast_in_dim3A : vector<1250x1xf32> to vector<1250x128xf32>
    %sub3A_43 = arith.subf %slice3A, %sub3A : vector<1250x128xf32>
    %exp3A = math.exp %sub3A_43 : vector<1250x128xf32>
    %reduce_sum3A = arith.constant dense<0.000000e+00> : vector<1250xf32>
    %reduce_sum3A_44 = vector.multi_reduction <add>, %exp3A, %reduce_sum3A [1] : vector<1250x128xf32> to vector<1250xf32>
    %broadcast_in_dim3A_45 = vector.shape_cast %reduce_sum3A_44 : vector<1250xf32> to vector<1250x1xf32>
    %log3A = math.log %broadcast_in_dim3A_45 : vector<1250x1xf32>
    %sub3A_46 = vector.broadcast %broadcast_in_dim3A : vector<1250x1xf32> to vector<1250x128xf32>
    %sub3A_47 = arith.subf %slice3A, %sub3A_46 : vector<1250x128xf32>
    %sub3A_48 = vector.broadcast %log3A : vector<1250x1xf32> to vector<1250x128xf32>
    %sub3A_49 = arith.subf %sub3A_47, %sub3A_48 : vector<1250x128xf32>
    %swap3A = arith.constant 0 : index
    %swap3A_50 = arith.constant 0 : index
    %swap3A_51 = vector.load %arg8[%swap3A, %swap3A_50] : memref<1250x1024xf32, #tpu.memory_space<vmem>>, vector<1250x128xf32>
    tpu.vector_store %arg8[%swap3A, %swap3A_50], %sub3A_49 {strides = array<i32>} : memref<1250x1024xf32, #tpu.memory_space<vmem>>, vector<1250x128xf32>,
    %slice3A_52 = vector.extract_strided_slice %add3A_41 {offsets = [0, 128], sizes = [1250, 128], strides = [1, 1]} : vector<1250x1024xf32> to vector<1250x128xf32>
    %reduce_max3A_53 = arith.constant dense<0xFF800000> : vector<1250xf32>
    %reduce_max3A_54 = vector.multi_reduction <maximumf>, %slice3A_52, %reduce_max3A_53 [1] : vector<1250x128xf32> to vector<1250xf32>
    %broadcast_in_dim3A_55 = vector.shape_cast %reduce_max3A_54 : vector<1250xf32> to vector<1250x1xf32>
    %sub3A_56 = vector.broadcast %broadcast_in_dim3A_55 : vector<1250x1xf32> to vector<1250x128xf32>
    %sub3A_57 = arith.subf %slice3A_52, %sub3A_56 : vector<1250x128xf32>
    %exp3A_58 = math.exp %sub3A_57 : vector<1250x128xf32>
    %reduce_sum3A_59 = arith.constant dense<0.000000e+00> : vector<1250xf32>
    %reduce_sum3A_60 = vector.multi_reduction <add>, %exp3A_58, %reduce_sum3A_59 [1] : vector<1250x128xf32> to vector<1250xf32>
    %broadcast_in_dim3A_61 = vector.shape_cast %reduce_sum3A_60 : vector<1250xf32> to vector<1250x1xf32>
    %log3A_62 = math.log %broadcast_in_dim3A_61 : vector<1250x1xf32>
    %sub3A_63 = vector.broadcast %broadcast_in_dim3A_55 : vector<1250x1xf32> to vector<1250x128xf32>
    %sub3A_64 = arith.subf %slice3A_52, %sub3A_63 : vector<1250x128xf32>
    %sub3A_65 = vector.broadcast %log3A_62 : vector<1250x1xf32> to vector<1250x128xf32>
    %sub3A_66 = arith.subf %sub3A_64, %sub3A_65 : vector<1250x128xf32>
    %swap3A_67 = arith.constant 0 : index
    %swap3A_68 = arith.constant 128 : index
    %swap3A_69 = vector.load %arg8[%swap3A_67, %swap3A_68] : memref<1250x1024xf32, #tpu.memory_space<vmem>>, vector<1250x128xf32>
    tpu.vector_store %arg8[%swap3A_67, %swap3A_68], %sub3A_66 {strides = array<i32>} : memref<1250x1024xf32, #tpu.memory_space<vmem>>, vector<1250x128xf32>,
    %slice3A_70 = vector.extract_strided_slice %add3A_41 {offsets = [0, 256], sizes = [1250, 128], strides = [1, 1]} : vector<1250x1024xf32> to vector<1250x128xf32>
    %reduce_max3A_71 = arith.constant dense<0xFF800000> : vector<1250xf32>
    %reduce_max3A_72 = vector.multi_reduction <maximumf>, %slice3A_70, %reduce_max3A_71 [1] : vector<1250x128xf32> to vector<1250xf32>
    %broadcast_in_dim3A_73 = vector.shape_cast %reduce_max3A_72 : vector<1250xf32> to vector<1250x1xf32>
    %sub3A_74 = vector.broadcast %broadcast_in_dim3A_73 : vector<1250x1xf32> to vector<1250x128xf32>
    %sub3A_75 = arith.subf %slice3A_70, %sub3A_74 : vector<1250x128xf32>
    %exp3A_76 = math.exp %sub3A_75 : vector<1250x128xf32>
    %reduce_sum3A_77 = arith.constant dense<0.000000e+00> : vector<1250xf32>
    %reduce_sum3A_78 = vector.multi_reduction <add>, %exp3A_76, %reduce_sum3A_77 [1] : vector<1250x128xf32> to vector<1250xf32>
    %broadcast_in_dim3A_79 = vector.shape_cast %reduce_sum3A_78 : vector<1250xf32> to vector<1250x1xf32>
    %log3A_80 = math.log %broadcast_in_dim3A_79 : vector<1250x1xf32>
    %sub3A_81 = vector.broadcast %broadcast_in_dim3A_73 : vector<1250x1xf32> to vector<1250x128xf32>
    %sub3A_82 = arith.subf %slice3A_70, %sub3A_81 : vector<1250x128xf32>
    %sub3A_83 = vector.broadcast %log3A_80 : vector<1250x1xf32> to vector<1250x128xf32>
    %sub3A_84 = arith.subf %sub3A_82, %sub3A_83 : vector<1250x128xf32>
    %swap3A_85 = arith.constant 0 : index
    %swap3A_86 = arith.constant 256 : index
    %swap3A_87 = vector.load %arg8[%swap3A_85, %swap3A_86] : memref<1250x1024xf32, #tpu.memory_space<vmem>>, vector<1250x128xf32>
    tpu.vector_store %arg8[%swap3A_85, %swap3A_86], %sub3A_84 {strides = array<i32>} : memref<1250x1024xf32, #tpu.memory_space<vmem>>, vector<1250x128xf32>,
    %slice3A_88 = vector.extract_strided_slice %add3A_41 {offsets = [0, 384], sizes = [1250, 128], strides = [1, 1]} : vector<1250x1024xf32> to vector<1250x128xf32>
    %reduce_max3A_89 = arith.constant dense<0xFF800000> : vector<1250xf32>
    %reduce_max3A_90 = vector.multi_reduction <maximumf>, %slice3A_88, %reduce_max3A_89 [1] : vector<1250x128xf32> to vector<1250xf32>
    %broadcast_in_dim3A_91 = vector.shape_cast %reduce_max3A_90 : vector<1250xf32> to vector<1250x1xf32>
    %sub3A_92 = vector.broadcast %broadcast_in_dim3A_91 : vector<1250x1xf32> to vector<1250x128xf32>
    %sub3A_93 = arith.subf %slice3A_88, %sub3A_92 : vector<1250x128xf32>
    %exp3A_94 = math.exp %sub3A_93 : vector<1250x128xf32>
    %reduce_sum3A_95 = arith.constant dense<0.000000e+00> : vector<1250xf32>
    %reduce_sum3A_96 = vector.multi_reduction <add>, %exp3A_94, %reduce_sum3A_95 [1] : vector<1250x128xf32> to vector<1250xf32>
    %broadcast_in_dim3A_97 = vector.shape_cast %reduce_sum3A_96 : vector<1250xf32> to vector<1250x1xf32>
    %log3A_98 = math.log %broadcast_in_dim3A_97 : vector<1250x1xf32>
    %sub3A_99 = vector.broadcast %broadcast_in_dim3A_91 : vector<1250x1xf32> to vector<1250x128xf32>
    %sub3A_100 = arith.subf %slice3A_88, %sub3A_99 : vector<1250x128xf32>
    %sub3A_101 = vector.broadcast %log3A_98 : vector<1250x1xf32> to vector<1250x128xf32>
    %sub3A_102 = arith.subf %sub3A_100, %sub3A_101 : vector<1250x128xf32>
    %swap3A_103 = arith.constant 0 : index
    %swap3A_104 = arith.constant 384 : index
    %swap3A_105 = vector.load %arg8[%swap3A_103, %swap3A_104] : memref<1250x1024xf32, #tpu.memory_space<vmem>>, vector<1250x128xf32>
    tpu.vector_store %arg8[%swap3A_103, %swap3A_104], %sub3A_102 {strides = array<i32>} : memref<1250x1024xf32, #tpu.memory_space<vmem>>, vector<1250x128xf32>,
    %slice3A_106 = vector.extract_strided_slice %add3A_41 {offsets = [0, 512], sizes = [1250, 128], strides = [1, 1]} : vector<1250x1024xf32> to vector<1250x128xf32>
    %reduce_max3A_107 = arith.constant dense<0xFF800000> : vector<1250xf32>
    %reduce_max3A_108 = vector.multi_reduction <maximumf>, %slice3A_106, %reduce_max3A_107 [1] : vector<1250x128xf32> to vector<1250xf32>
    %broadcast_in_dim3A_109 = vector.shape_cast %reduce_max3A_108 : vector<1250xf32> to vector<1250x1xf32>
    %sub3A_110 = vector.broadcast %broadcast_in_dim3A_109 : vector<1250x1xf32> to vector<1250x128xf32>
    %sub3A_111 = arith.subf %slice3A_106, %sub3A_110 : vector<1250x128xf32>
    %exp3A_112 = math.exp %sub3A_111 : vector<1250x128xf32>
    %reduce_sum3A_113 = arith.constant dense<0.000000e+00> : vector<1250xf32>
    %reduce_sum3A_114 = vector.multi_reduction <add>, %exp3A_112, %reduce_sum3A_113 [1] : vector<1250x128xf32> to vector<1250xf32>
    %broadcast_in_dim3A_115 = vector.shape_cast %reduce_sum3A_114 : vector<1250xf32> to vector<1250x1xf32>
    %log3A_116 = math.log %broadcast_in_dim3A_115 : vector<1250x1xf32>
    %sub3A_117 = vector.broadcast %broadcast_in_dim3A_109 : vector<1250x1xf32> to vector<1250x128xf32>
    %sub3A_118 = arith.subf %slice3A_106, %sub3A_117 : vector<1250x128xf32>
    %sub3A_119 = vector.broadcast %log3A_116 : vector<1250x1xf32> to vector<1250x128xf32>
    %sub3A_120 = arith.subf %sub3A_118, %sub3A_119 : vector<1250x128xf32>
    %swap3A_121 = arith.constant 0 : index
    %swap3A_122 = arith.constant 512 : index
    %swap3A_123 = vector.load %arg8[%swap3A_121, %swap3A_122] : memref<1250x1024xf32, #tpu.memory_space<vmem>>, vector<1250x128xf32>
    tpu.vector_store %arg8[%swap3A_121, %swap3A_122], %sub3A_120 {strides = array<i32>} : memref<1250x1024xf32, #tpu.memory_space<vmem>>, vector<1250x128xf32>,
    %slice3A_124 = vector.extract_strided_slice %add3A_41 {offsets = [0, 640], sizes = [1250, 128], strides = [1, 1]} : vector<1250x1024xf32> to vector<1250x128xf32>
    %reduce_max3A_125 = arith.constant dense<0xFF800000> : vector<1250xf32>
    %reduce_max3A_126 = vector.multi_reduction <maximumf>, %slice3A_124, %reduce_max3A_125 [1] : vector<1250x128xf32> to vector<1250xf32>
    %broadcast_in_dim3A_127 = vector.shape_cast %reduce_max3A_126 : vector<1250xf32> to vector<1250x1xf32>
    %sub3A_128 = vector.broadcast %broadcast_in_dim3A_127 : vector<1250x1xf32> to vector<1250x128xf32>
    %sub3A_129 = arith.subf %slice3A_124, %sub3A_128 : vector<1250x128xf32>
    %exp3A_130 = math.exp %sub3A_129 : vector<1250x128xf32>
    %reduce_sum3A_131 = arith.constant dense<0.000000e+00> : vector<1250xf32>
    %reduce_sum3A_132 = vector.multi_reduction <add>, %exp3A_130, %reduce_sum3A_131 [1] : vector<1250x128xf32> to vector<1250xf32>
    %broadcast_in_dim3A_133 = vector.shape_cast %reduce_sum3A_132 : vector<1250xf32> to vector<1250x1xf32>
    %log3A_134 = math.log %broadcast_in_dim3A_133 : vector<1250x1xf32>
    %sub3A_135 = vector.broadcast %broadcast_in_dim3A_127 : vector<1250x1xf32> to vector<1250x128xf32>
    %sub3A_136 = arith.subf %slice3A_124, %sub3A_135 : vector<1250x128xf32>
    %sub3A_137 = vector.broadcast %log3A_134 : vector<1250x1xf32> to vector<1250x128xf32>
    %sub3A_138 = arith.subf %sub3A_136, %sub3A_137 : vector<1250x128xf32>
    %swap3A_139 = arith.constant 0 : index
    %swap3A_140 = arith.constant 640 : index
    %swap3A_141 = vector.load %arg8[%swap3A_139, %swap3A_140] : memref<1250x1024xf32, #tpu.memory_space<vmem>>, vector<1250x128xf32>
    tpu.vector_store %arg8[%swap3A_139, %swap3A_140], %sub3A_138 {strides = array<i32>} : memref<1250x1024xf32, #tpu.memory_space<vmem>>, vector<1250x128xf32>,
    %slice3A_142 = vector.extract_strided_slice %add3A_41 {offsets = [0, 768], sizes = [1250, 128], strides = [1, 1]} : vector<1250x1024xf32> to vector<1250x128xf32>
    %reduce_max3A_143 = arith.constant dense<0xFF800000> : vector<1250xf32>
    %reduce_max3A_144 = vector.multi_reduction <maximumf>, %slice3A_142, %reduce_max3A_143 [1] : vector<1250x128xf32> to vector<1250xf32>
    %broadcast_in_dim3A_145 = vector.shape_cast %reduce_max3A_144 : vector<1250xf32> to vector<1250x1xf32>
    %sub3A_146 = vector.broadcast %broadcast_in_dim3A_145 : vector<1250x1xf32> to vector<1250x128xf32>
    %sub3A_147 = arith.subf %slice3A_142, %sub3A_146 : vector<1250x128xf32>
    %exp3A_148 = math.exp %sub3A_147 : vector<1250x128xf32>
    %reduce_sum3A_149 = arith.constant dense<0.000000e+00> : vector<1250xf32>
    %reduce_sum3A_150 = vector.multi_reduction <add>, %exp3A_148, %reduce_sum3A_149 [1] : vector<1250x128xf32> to vector<1250xf32>
    %broadcast_in_dim3A_151 = vector.shape_cast %reduce_sum3A_150 : vector<1250xf32> to vector<1250x1xf32>
    %log3A_152 = math.log %broadcast_in_dim3A_151 : vector<1250x1xf32>
    %sub3A_153 = vector.broadcast %broadcast_in_dim3A_145 : vector<1250x1xf32> to vector<1250x128xf32>
    %sub3A_154 = arith.subf %slice3A_142, %sub3A_153 : vector<1250x128xf32>
    %sub3A_155 = vector.broadcast %log3A_152 : vector<1250x1xf32> to vector<1250x128xf32>
    %sub3A_156 = arith.subf %sub3A_154, %sub3A_155 : vector<1250x128xf32>
    %swap3A_157 = arith.constant 0 : index
    %swap3A_158 = arith.constant 768 : index
    %swap3A_159 = vector.load %arg8[%swap3A_157, %swap3A_158] : memref<1250x1024xf32, #tpu.memory_space<vmem>>, vector<1250x128xf32>
    tpu.vector_store %arg8[%swap3A_157, %swap3A_158], %sub3A_156 {strides = array<i32>} : memref<1250x1024xf32, #tpu.memory_space<vmem>>, vector<1250x128xf32>,
    %slice3A_160 = vector.extract_strided_slice %add3A_41 {offsets = [0, 896], sizes = [1250, 128], strides = [1, 1]} : vector<1250x1024xf32> to vector<1250x128xf32>
    %reduce_max3A_161 = arith.constant dense<0xFF800000> : vector<1250xf32>
    %reduce_max3A_162 = vector.multi_reduction <maximumf>, %slice3A_160, %reduce_max3A_161 [1] : vector<1250x128xf32> to vector<1250xf32>
    %broadcast_in_dim3A_163 = vector.shape_cast %reduce_max3A_162 : vector<1250xf32> to vector<1250x1xf32>
    %sub3A_164 = vector.broadcast %broadcast_in_dim3A_163 : vector<1250x1xf32> to vector<1250x128xf32>
    %sub3A_165 = arith.subf %slice3A_160, %sub3A_164 : vector<1250x128xf32>
    %exp3A_166 = math.exp %sub3A_165 : vector<1250x128xf32>
    %reduce_sum3A_167 = arith.constant dense<0.000000e+00> : vector<1250xf32>
    %reduce_sum3A_168 = vector.multi_reduction <add>, %exp3A_166, %reduce_sum3A_167 [1] : vector<1250x128xf32> to vector<1250xf32>
    %broadcast_in_dim3A_169 = vector.shape_cast %reduce_sum3A_168 : vector<1250xf32> to vector<1250x1xf32>
    %log3A_170 = math.log %broadcast_in_dim3A_169 : vector<1250x1xf32>
    %sub3A_171 = vector.broadcast %broadcast_in_dim3A_163 : vector<1250x1xf32> to vector<1250x128xf32>
    %sub3A_172 = arith.subf %slice3A_160, %sub3A_171 : vector<1250x128xf32>
    %sub3A_173 = vector.broadcast %log3A_170 : vector<1250x1xf32> to vector<1250x128xf32>
    %sub3A_174 = arith.subf %sub3A_172, %sub3A_173 : vector<1250x128xf32>
    %swap3A_175 = arith.constant 0 : index
    %swap3A_176 = arith.constant 896 : index
    %swap3A_177 = vector.load %arg8[%swap3A_175, %swap3A_176] : memref<1250x1024xf32, #tpu.memory_space<vmem>>, vector<1250x128xf32>
    tpu.vector_store %arg8[%swap3A_175, %swap3A_176], %sub3A_174 {strides = array<i32>} : memref<1250x1024xf32, #tpu.memory_space<vmem>>, vector<1250x128xf32>,
    return
  }
}

</mosaic_0001>

<sc_bundles>
// kernel: kernel.12.cloned.1.call-start
scs
__scs_entry_jumppad:
0x0: {  	(pc) =	sbr.rel $0x88, $3  }
0x1: {  	(tag) =	ssettag $0x0;
	lr =	simm.s32 $0x1  }
0x2: {  	[smem:$0x3F9B] =	sst lr;
	_ =	strace $0xD0000000  }
0x3: {  	_ = 	snop  }
0x4: {  	_ = 	snop  }
0x5: {  	_ = 	snop  }
0x6: {  	_ = 	snop  }
0x7: {  	_ = 	snop  }
__scs_overlays_trampoline_lowered:
0x8: {  	[smem:$0x3FAA] =	sst s0  }
0x9: {  	[smem:$0x3FAB] =	sst s1  }
0xa: {  	[smem:$0x3FAC] =	sst s2  }
0xb: {  	[smem:$0x3FAD] =	sst s3  }
0xc: {  	[smem:$0x3FAE] =	sst s4  }
0xd: {  	[smem:$0x3FAF] =	sst s5  }
0xe: {  	[smem:$0x3FB0] =	sst s6  }
0xf: {  	[smem:$0x3FB1] =	sst s7  }
0x10: {  	[smem:$0x3FB2] =	sst s8  }
0x11: {  	[smem:$0x3FB3] =	sst s9;
	s0 =	simm.s32 @!p0 $0x0  }
0x12: {  	s1 =	sld [smem:$0x3F99];
	s0 =	simm.s32 @p0 $0x1  }
0x13: {  	[smem:$0x3FB4] =	sst s0;
	s0 =	simm.s32 @!p1 $0x0  }
0x14: {  	s2 =	sld [smem:$0x3F98];
	s0 =	simm.s32 @p1 $0x1  }
0x15: {  	[smem:$0x3FB5] =	sst s0;
	s0 =	simm.s32 @!p2 $0x0  }
0x16: {  	s3 =	sld [smem:$0x3FDB];
	s0 =	simm.s32 @p2 $0x1  }
0x17: {  	s4 =	simm.s32 $0x1BF5;
	[smem:$0x3FB7] =	sst s0  }
0x18: {  	s0 =	sld [smem:$0x3F9A];
	_ =	swait.ge [sflag:s4], $0x0  }
0x19: {  	s7 =	sld [smem:$0x3F9B]  }
0x1a: {  	s8 =	sadd.s32 $0xFFFFE003, lr  }
0x1b: {  	s9 =	sadd.s32 $0xFFFFFEF7, lr;
	s5 =	simm.s32 $0xFFFFFFFF;
	p2 =	slt.u32 s8, $0xFFFFF086  }
0x1c: {  	p1 =	slt.u32 s9, $0xF7A;
	s5 =	simm.s32 @!p2 $0x0  }
0x1d: {  	s5 =	simm.s32 @p1 $0x1;
	p0 =	seq.s32 s7, s2  }
0x1e: {  	s7 =	smul.u32 @!p0 $0xF7A, s2;
	p2 =	seq.s32 @!p0 s5, $0x0  }
0x1f: {  	s9 =	smul.u32 $0xF7A, s1;
	s8 =	simm.s32 @!p0 $0x1BF5;
	p2 =	por !p2, p0  }
0x20: {  	[sflag:s8] =	ssyncset.s32 @!p0 $0xFFFFF086;
	s6 =	sadd.s32 @!p0 s3, s7;
	s7 =	simm.s32 @!p0 $0x108  }
0x21: {  	s3 =	sadd.s32 s3, s9;
	s6 =	sadd.s32 @!p0 $0x88, s6;
	s7 =	simm.s32 @p2 $0x1082  }
0x22: {  	[simem:s7], [sflag:s8] =	dma.local @!p0 [hbm:s6], $0xF7A  }
0x23: {  	s9 =	sor.u32 $0xD0000000, s2;
	s6 =	simm.s32 $0x108;
	_ =	swait.ge @!p0 [sflag:s8], $0x0  }
0x24: {  	s3 =	sadd.s32 $0x88, s3;
	s6 =	simm.s32 @!p1 $0x1082;
	[sflag:s4] =	ssyncset.s32 $0xFFFFF086  }
0x25: {  	[simem:s6], [sflag:s4] =	dma.local [hbm:s3], $0xF7A  }
0x26: {  	[smem:$0x3F9B] =	sst s1;
	(tag) =	ssettag s2;
	_ =	strace s9  }
0x27: {  	s1 =	sld [smem:$0x3FAB]  }
0x28: {  	s2 =	sld [smem:$0x3FAC]  }
0x29: {  	s4 =	sld [smem:$0x3FAE]  }
0x2a: {  	p0 =	seq.s32 s5, $0x0;
	s5 =	sld [smem:$0x3FAF]  }
0x2b: {  	s6 =	sld [smem:$0x3FB0]  }
0x2c: {  	s7 =	sld [smem:$0x3FB1]  }
0x2d: {  	s3 =	simm.s32 $0x108;
	s8 =	sld [smem:$0x3FB2]  }
0x2e: {  	s3 =	simm.s32 @!p0 $0x1082;
	s9 =	sld [smem:$0x3FB3]  }
0x2f: {  	lr =	sadd.s32 s0, s3;
	s0 =	sld [smem:$0x3FAA]  }
0x30: {  	s3 =	sld [smem:$0x3FAD]  }
0x31: {  	[smem:$0x3FB6] =	sst s10  }
0x32: {  	s10 =	sld [smem:$0x3FB4];
	_ =	sdelay $0x3  }
0x33: {  	p0 =	seq.s32 s10, $0x1;
	s10 =	sld [smem:$0x3FB6];
	_ =	sdelay $0x3  }
0x34: {  	[smem:$0x3FB6] =	sst s10  }
0x35: {  	s10 =	sld [smem:$0x3FB5];
	_ =	sdelay $0x3  }
0x36: {  	p1 =	seq.s32 s10, $0x1;
	s10 =	sld [smem:$0x3FB6];
	_ =	sdelay $0x3  }
0x37: {  	[smem:$0x3FB6] =	sst s10  }
0x38: {  	s10 =	sld [smem:$0x3FB7]  }
0x39: {  	_ = 	snop;
	(pc) =	sbr.ind lr, $3  }
0x3a: {  	_ = 	snop  }
0x3b: {  	_ = 	snop  }
0x3c: {  	p2 =	seq.s32 s10, $0x1;
	s10 =	sld [smem:$0x3FB6]  }
0x3d: {  	_ =	shalt  }
0x3e: {  	_ =	shalt  }
0x3f: {  	_ =	shalt  }
0x40: {  	_ =	shalt  }
0x41: {  	_ =	shalt  }
0x42: {  	_ =	shalt  }
0x43: {  	_ =	shalt  }
0x44: {  	_ =	shalt  }
0x45: {  	_ =	shalt  }
0x46: {  	_ =	shalt  }
0x47: {  	_ =	shalt  }
0x48: {  	_ =	shalt  }
0x49: {  	_ =	shalt  }
0x4a: {  	_ =	shalt  }
0x4b: {  	_ =	shalt  }
0x4c: {  	_ =	shalt  }
0x4d: {  	_ =	shalt  }
0x4e: {  	_ =	shalt  }
0x4f: {  	_ =	shalt  }
0x50: {  	_ =	shalt  }
0x51: {  	_ =	shalt  }
0x52: {  	_ =	shalt  }
0x53: {  	_ =	shalt  }
0x54: {  	_ =	shalt  }
0x55: {  	_ =	shalt  }
0x56: {  	_ =	shalt  }
0x57: {  	_ =	shalt  }
0x58: {  	_ =	shalt  }
0x59: {  	_ =	shalt  }
0x5a: {  	_ =	shalt  }
0x5b: {  	_ =	shalt  }
0x5c: {  	_ =	shalt  }
0x5d: {  	_ =	shalt  }
0x5e: {  	_ =	shalt  }
0x5f: {  	_ =	shalt  }
0x60: {  	_ =	shalt  }
0x61: {  	_ =	shalt  }
0x62: {  	_ =	shalt  }
0x63: {  	_ =	shalt  }
0x64: {  	_ =	shalt  }
0x65: {  	_ =	shalt  }
0x66: {  	_ =	shalt  }
0x67: {  	_ =	shalt  }
0x68: {  	_ =	shalt  }
0x69: {  	_ =	shalt  }
0x6a: {  	_ =	shalt  }
0x6b: {  	_ =	shalt  }
0x6c: {  	_ =	shalt  }
0x6d: {  	_ =	shalt  }
0x6e: {  	_ =	shalt  }
0x6f: {  	_ =	shalt  }
0x70: {  	_ =	shalt  }
0x71: {  	_ =	shalt  }
0x72: {  	_ =	shalt  }
0x73: {  	_ =	shalt  }
0x74: {  	_ =	shalt  }
0x75: {  	_ =	shalt  }
0x76: {  	_ =	shalt  }
0x77: {  	_ =	shalt  }
0x78: {  	_ =	shalt  }
0x79: {  	_ =	shalt  }
0x7a: {  	_ =	shalt  }
0x7b: {  	_ =	shalt  }
0x7c: {  	_ =	shalt  }
0x7d: {  	_ =	shalt  }
0x7e: {  	_ =	shalt  }
0x7f: {  	_ =	shalt  }
0x80: {  	_ =	shalt  }
0x81: {  	_ =	shalt  }
0x82: {  	_ =	shalt  }
0x83: {  	_ =	shalt  }
0x84: {  	_ =	shalt  }
0x85: {  	_ =	shalt  }
0x86: {  	_ =	shalt  }
0x87: {  	_ =	shalt  }
.Lfunc_end0:
.L_simem_size_0:
called_computation_lowered:
.L_overlay_start_0:
0x88: {  	s2 =	sld [smem:$0x3FD9]  }
0x89: {  	s3 =	sld [smem:$0x3FFE];
	_ =	sdelay $0x1  }
0x8a: {  	s1 =	srdreg.scid  }
0x8b: {  	s0 =	sand.u32 $0x1, s1  }
0x8c: {  	s17 =	sshll.u32 s0, $0xA;
	s2 =	sadd.s32 s3, s2  }
0x8d: {  	s2 =	sadd.s32 s2, s17  }
0x8e: {  	[smem:$0x3FC2] =	sst s2  }
0x8f: {  	_ = 	snop  }
0x90: {  	s2 =	sld [smem:$0x3FD0];
	(tm) =	ssettm $0x1  }
0x91: {  	s18 =	sld [smem:$0x3FFB];
	_ =	sdelay $0x3  }
0x92: {  	_ =	strace s18  }
0x93: {  	s3 =	sld [smem:$0x3FFC];
	_ =	sdelay $0x3  }
0x94: {  	_ =	strace s3  }
0x95: {  	s3 =	sld [smem:$0x3FFD];
	_ =	sdelay $0x3  }
0x96: {  	_ =	strace s3  }
0x97: {  	_ =	strace $0x8FFFFFFF  }
0x98: {  	s19 =	sld [smem:$0x3FDB];
	_ =	sdelay $0x1  }
0x99: {  	s4 =	simm.s32 $_scs_section_size  }
0x9a: {  	s5 =	simm.s32 $_size__tile_overlayer_lowered;
	s6 =	simm.s32 $_tile_overlayer_lowered  }
0x9b: {  	s22 =	simm.s32 $0x1BFF;
	s21 =	sshll.u32 s6, $0x1;
	s3 =	sadd.s32 s4, s19  }
0x9c: {  	s7 =	simm.s32 $0x0;
	s20 =	sshll.u32 s5, $0x1;
	s5 =	sadd.s32 s21, s3  }
0x9d: {  	[timem:s7], [sflag:s22] =	dma.local [hbm:s5], s20  }
0x9e: {  	_ =	swait.ge [sflag:s22], s20  }
0x9f: {  	s4 =	ssub.s32 $0x0, s20;
	[sflag:s22] =	ssyncset.done $0x0  }
0xa0: {  	[sflag:s22] =	ssyncadd.s32 s4;
	_ =	sdelay $0x1  }
0xa1: {  	s23 =	simm.s32 $0x1B8B  }
0xa2: {  	_ =	swait.ge [sflag:s23], $0x1  }
0xa3: {  	[sflag:s23] =	ssyncset.done $0x0  }
0xa4: {  	s25 =	simm.s32 $0x1B8E;
	s24 =	sld [smem:$0x3FFE];
	[sflag:s23] =	ssyncadd.s32 $0xFFFFFFFF  }
0xa5: {  	s26 =	simm.s32 $execute0_lowered;
	[smem:$0x3FD2] =	sst s25  }
0xa6: {  	s5 =	sshll.u32 s26, $0x1;
	_ =	strace $0x80000046;
	[dreg:$0x1] =	wrdreg $0xFFFFFFFF  }
0xa7: {  	s28 =	simm.s32 $_size_execute0_lowered;
	s3 =	sadd.s32 s3, s5;
	[dreg:$0x0] =	wrdreg $0x0  }
0xa8: {  	s5 =	sshll.u32 s28, $0x1;
	[dreg:$0x2] =	wrdreg s3  }
0xa9: {  	[dreg:$0x3] =	wrdreg s5  }
0xaa: {  	[dreg:$0x4] =	wrdreg $0xC0  }
0xab: {  	_ =	task [dreg:s7], $0x5FFFF  }
0xac: {  	[dreg:$0x1] =	wrdreg $0xFFFFFFFF  }
0xad: {  	[dreg:$0x0] =	wrdreg $0x60  }
0xae: {  	[dreg:$0x2] =	wrdreg s24  }
0xaf: {  	[dreg:$0x3] =	wrdreg s2  }
0xb0: {  	[dreg:$0x4] =	wrdreg $0x2F800  }
0xb1: {  	[dreg:$0x5] =	wrdreg $0x9  }
0xb2: {  	_ =	task.clear_ibuf [dreg:s7], $0x6FFFF;
	_ =	strace $0x90000046  }
0xb3: {  	s29 =	simm.s32 $0x9;
	_ =	strace $0x80000048  }
0xb4: {  	_ =	swait.ge [sflag:s29], $0x1  }
0xb5: {  	[sflag:s29] =	ssyncadd.s32 $0xFFFFFFFF  }
0xb6: {  	_ =	strace $0x90000048  }
0xb7: {  	_ =	sfence  }
0xb8: {  	s30 =	sld [smem:$0x0];
	_ =	sdelay $0x2  }
0xb9: {  	s31 =	sshll.u32 s1, $0xD;
	s1 =	sshrl.u32 s1, $0x2  }
0xba: {  	s3 =	sand.u32 $0x4000, s31;
	s1 =	sadd.s32 s1, s30  }
0xbb: {  	s0 =	sor.u32 s3, s0;
	s1 =	sshll.u32 s1, $0x11  }
0xbc: {  	s0 =	sor.u32 s1, s0  }
0xbd: {  	s0 =	sadd.s32 $0x8F2B, s0  }
0xbe: {  	[sflag:s0] =	ssyncadd.remote.s32 $0x1  }
0xbf: {  	_ =	sfence.sel $0xFFFF  }
0xc0: {  	[dreg:$0x0] =	wrdreg $0xFFFFFFFF;
	(pc) =	sbr.abs _section_cstart, $3  }
0xc1: {  	[dreg:$0x1] =	wrdreg $0xFFFFFFFF  }
0xc2: {  	_ =	task.clear_ibuf [dreg:s7], $0x2FFFF;
	_ =	strace $0x9FFFFFFF  }
0xc3: {  	(tm) =	ssettm $0x7FFFFFFF  }
tec
execute0_lowered:
.L_overlay_start_1:
0x0: {  	(tag) =	ssettag $0x1  }
0x1: {  	s4 =	rddreg [dreg:$0x0]  }
0x2: {  	s7 =	rddreg [dreg:$0x1]  }
0x3: {  	s1 =	rddreg [dreg:$0x2]  }
0x4: {  	s2 =	srdreg.scid;
	s0 =	rddreg [dreg:$0x3];
	s3 =	simm.s32 $0x0  }
0x5: {  	s12 =	simm.s32 $0x80;
	s13 =	simm.s32 $0x2780;
	s14 =	simm.s32 $0x100  }
0x6: {  	s16 =	simm.s32 $0x3;
	s17 =	simm.s32 $0x0;
	s5 =	sand.u32 $0x1, s2  }
0x7: {  	s2 =	stileid.u32;
	[smem:$0x7FF] =	sst s3;
	s6 =	sshll.u32 s5, $0x4  }
0x8: {  	s8 =	smul.u32 $0x2800, s2;
	_ =	strace $0x80000047;
	s9 =	ssub.s32 $0x2, s5  }
0x9: {  	s5 =	smul.u32 $0x28000, s5;
	s15 =	sshll.u32 s2, $0x6;
	s6 =	sor.u32 s2, s6  }
0xa: {  	s11 =	sshrl.u32 s9, $0x1;
	s6 =	smul.u32 $0x4F0, s6;
	s10 =	sshrl.u32 s8, $0x3  }
0xb: {  	s9 =	ssub.s32 s9, s11;
	s31 =	sadd.s32 s8, s1;
	s8 =	sadd.s32 s8, s5  }
0xc: {  	s5 =	sor.u32 $0x1C01, s15;
	s11 =	simm.s32 $0x2;
	s15 =	sor.u32 $0x1C03, s15  }
0xd: {  	s8 =	sshrl.u32 s8, $0x3;
	s6 =	sadd.s32 s6, s4;
	s4 =	sadd.s32 s10, s4  }
0xe: {  	s7 =	sadd.s32 s7, s8;
	s8 =	smax.u32 s9, $0x1;
	s9 =	sshrl.u32 s31, $0x3  }
0xf: {  	v0 =	vimm.f32 $1.000000000e+00;
	s10 =	simm.s32 $0x1;
	s4 =	sadd.s32 $0xDE00, s4;
	s6 =	sadd.s32 $0x4000, s6  }
.LBB2_1:
0x10: {  	[spmem:s9], [sflag:s5] =	dma.local [hbm:s4], $0x500  }
0x11: {  	s18 =	simm.s32 $0x40;
	s19 =	simm.s32 $0x0  }
0x12: {  	[tilespmem:s3], [sflag:$0x2] =	stream.linear.gather [hbm4b:s6+s3], $0x2780, $0x38;
	[tilespmem:$0x5780] =	vst v63  }
.LBB2_2:
0x13: {  	p0 =	sne.s32 s18, $0x1FC0;
	[tilespmem:s19+$0x2780] =	vst v0;
	s19 =	smov.u32 s18;
	s18 =	sadd.s32 $0x40, s18  }
.Ltmp0:
0x14: {  	(pc) =	sbr.rel @p0 .LBB2_2-.Ltmp0, $2  }
0x15: {  	_ =	sdelay $0x2  }
0x16: {  	s19 =	sshra.s32 s19, $0x2  }
0x17: {  	[tilespmem:s19+$0x2780] =	vst v0  }
0x18: {  	_ =	swait.ge [sflag:s10], $0x500  }
0x19: {  	[sflag:s10] =	ssyncset.done $0x0  }
0x1a: {  	[sflag:s10] =	ssyncadd.s32 $0xFFFFFB00  }
0x1b: {  	_ =	swait.ge [sflag:s11], $0x2780  }
0x1c: {  	[sflag:s11] =	ssyncset.done $0x0  }
0x1d: {  	[sflag:s11] =	ssyncadd.s32 $0xFFFFD880  }
0x1e: {  	[bflag:$0x0] =	sbarrier.arrive $0xFFFF  }
0x1f: {  	[spmem:s1] =	stream.indirect.scatter.add.f32 [tilespmem:s13], [sflag:$0x1], $0x10, s3, s12, $0xb8;
	[tilespmem:$0x5780] =	vst v63  }
0x20: {  	_ = 	snop  }
0x21: {  	[spmem:s1] =	stream.indirect.scatter.add.f32 [tilespmem:s13], [sflag:$0x2], $0x10, s12, s12, $0xb8;
	[tilespmem:$0x5780] =	vst v63  }
0x22: {  	_ =	swait.ge [sflag:s10], $0x800  }
0x23: {  	[sflag:s10] =	ssyncset.done $0x0  }
0x24: {  	[sflag:s10] =	ssyncadd.s32 $0xFFFFF800  }
0x25: {  	[spmem:s1] =	stream.indirect.scatter.add.f32 [tilespmem:s13], [sflag:$0x1], $0x10, s14, s12, $0xb8;
	[tilespmem:$0x5780] =	vst v63  }
0x26: {  	_ =	swait.ge [sflag:s11], $0x800  }
0x27: {  	[sflag:s11] =	ssyncset.done $0x0  }
0x28: {  	s18 =	simm.s32 $0x180;
	[sflag:s11] =	ssyncadd.s32 $0xFFFFF800  }
0x29: {  	[spmem:s1] =	stream.indirect.scatter.add.f32 [tilespmem:s13], [sflag:$0x2], $0x10, s18, s12, $0xb8;
	[tilespmem:$0x5780] =	vst v63  }
0x2a: {  	_ =	swait.ge [sflag:s10], $0x800  }
0x2b: {  	[sflag:s10] =	ssyncset.done $0x0  }
0x2c: {  	s19 =	simm.s32 $0x200;
	s18 =	simm.s32 $0xFFFF6C00;
	[sflag:s10] =	ssyncadd.s32 $0xFFFFF800  }
.LBB2_4:
0x2d: {  	[spmem:s1] =	stream.indirect.scatter.add.f32 [tilespmem:s13], [sflag:$0x1], $0x10, s19, s12, $0xb8;
	[tilespmem:$0x5780] =	vst v63  }
0x2e: {  	s19 =	smov.u32 s18  }
0x2f: {  	p0 =	sne.s32 s18, $0xFFFFFC00;
	s18 =	sadd.s32 $0x400, s18;
	_ =	swait.ge [sflag:s11], $0x800  }
0x30: {  	s19 =	sshra.s32 s19, $0x2;
	[sflag:s11] =	ssyncset.done $0x0  }
.Ltmp1:
0x31: {  	s20 =	sadd.s32 $0x2780, s19;
	[sflag:s11] =	ssyncadd.s32 $0xFFFFF800;
	(pc) =	sbr.rel @p0 .LBB2_4-.Ltmp1, $4  }
0x32: {  	[spmem:s1] =	stream.indirect.scatter.add.f32 [tilespmem:s13], [sflag:$0x2], $0x10, s20, s12, $0xb8;
	[tilespmem:$0x5780] =	vst v63  }
0x33: {  	_ =	swait.ge [sflag:s10], $0x800  }
0x34: {  	[sflag:s10] =	ssyncset.done $0x0  }
0x35: {  	s19 =	sadd.s32 $0x2800, s19;
	[sflag:s10] =	ssyncadd.s32 $0xFFFFF800  }
0x36: {  	[spmem:s1] =	stream.indirect.scatter.add.f32 [tilespmem:s13], [sflag:$0x1], $0x10, s19, s12, $0xb8;
	[tilespmem:$0x5780] =	vst v63  }
0x37: {  	_ =	swait.ge [sflag:s10], $0x800  }
0x38: {  	[sflag:s10] =	ssyncset.done $0x0  }
0x39: {  	[sflag:s10] =	ssyncadd.s32 $0xFFFFF800  }
0x3a: {  	_ =	swait.ge [sflag:s11], $0x800  }
0x3b: {  	s17 =	sadd.s32 $0x1, s17;
	[sflag:s11] =	ssyncset.done $0x0  }
0x3c: {  	p0 =	sne.s32 s17, s8;
	[sflag:s11] =	ssyncadd.s32 $0xFFFFF800  }
.Ltmp2:
0x3d: {  	[bflag:$0x0] =	sbarrier.arrive $0xFFFF;
	(pc) =	sbr.rel @p0 .LBB2_1-.Ltmp2, $4  }
0x3e: {  	[hbm:s7], [sflag:s15] =	dma.local [spmem:s9], $0x500  }
0x3f: {  	_ =	swait.ge [sflag:s16], $0x500  }
0x40: {  	[sflag:s16] =	ssyncset.done $0x0  }
0x41: {  	[sflag:s16] =	ssyncadd.s32 $0xFFFFFB00  }
0x42: {  	_ =	sfence.sel $0x180000  }
0x43: {  	[bflag:$0x0] =	sbarrier.arrive $0xFFFF  }
0x44: {  	p0 =	sne.s32 s2, $0x0;
	_ =	strace $0x90000047  }
0x45: {  	s0 =	sadd.s32 @!p0 $0x100000, s0;
	[bflag:$0x2] =	sbarrier.arrive $0xFFFF  }
0x46: {  	[sflag:s0] =	ssyncadd.tile.s32 @!p0 $0x1;
	_ =	shalt  }
.Lfunc_end2:
_tile_overlayer_lowered:
.L_overlay_start_2:
0x47: {  	(tag) =	ssettag $0x2  }
0x48: {  	s0 =	rddreg [dreg:$0x0];
	s2 =	stileid.u32  }
0x49: {  	s1 =	rddreg [dreg:$0x1];
	p0 =	sne.s32 s2, $0x0  }
0x4a: {  	s3 =	rddreg [dreg:$0x2];
	[bflag:$0x3] =	sbarrier.arrive $0xFFFF;
	s2 =	simm.s32 @!p0 $0x1C03  }
0x4b: {  	[timem:s3], [sflag:s2] =	dma.local @!p0 [hbm:s0], s1  }
0x4c: {  	s0 =	simm.s32 @!p0 $0x3  }
0x4d: {  	_ =	swait.ge @!p0 [sflag:s0], s1  }
0x4e: {  	s1 =	ssub.s32 @!p0 $0x0, s1;
	[sflag:s0] =	ssyncset.done @!p0 $0x0  }
0x4f: {  	[sflag:s0] =	ssyncadd.s32 @!p0 s1  }
0x50: {  	[bflag:$0x3] =	sbarrier.arrive $0xFFFF  }
0x51: {  	_ =	shalt  }

// kernel: kernel.15.cloned.1.call-start
scs
__scs_entry_jumppad:
0x0: {  	(pc) =	sbr.rel $0x88, $3  }
0x1: {  	(tag) =	ssettag $0x0;
	lr =	simm.s32 $0x1  }
0x2: {  	[smem:$0x3F9B] =	sst lr;
	_ =	strace $0xD0000000  }
0x3: {  	_ = 	snop  }
0x4: {  	_ = 	snop  }
0x5: {  	_ = 	snop  }
0x6: {  	_ = 	snop  }
0x7: {  	_ = 	snop  }
__scs_overlays_trampoline_lowered:
0x8: {  	[smem:$0x3FAA] =	sst s0  }
0x9: {  	[smem:$0x3FAB] =	sst s1  }
0xa: {  	[smem:$0x3FAC] =	sst s2  }
0xb: {  	[smem:$0x3FAD] =	sst s3  }
0xc: {  	[smem:$0x3FAE] =	sst s4  }
0xd: {  	[smem:$0x3FAF] =	sst s5  }
0xe: {  	[smem:$0x3FB0] =	sst s6  }
0xf: {  	[smem:$0x3FB1] =	sst s7  }
0x10: {  	[smem:$0x3FB2] =	sst s8  }
0x11: {  	[smem:$0x3FB3] =	sst s9;
	s0 =	simm.s32 @!p0 $0x0  }
0x12: {  	s1 =	sld [smem:$0x3F99];
	s0 =	simm.s32 @p0 $0x1  }
0x13: {  	[smem:$0x3FB4] =	sst s0;
	s0 =	simm.s32 @!p1 $0x0  }
0x14: {  	s2 =	sld [smem:$0x3F98];
	s0 =	simm.s32 @p1 $0x1  }
0x15: {  	[smem:$0x3FB5] =	sst s0;
	s0 =	simm.s32 @!p2 $0x0  }
0x16: {  	s3 =	sld [smem:$0x3FDB];
	s0 =	simm.s32 @p2 $0x1  }
0x17: {  	s4 =	simm.s32 $0x1BF5;
	[smem:$0x3FB7] =	sst s0  }
0x18: {  	s0 =	sld [smem:$0x3F9A];
	_ =	swait.ge [sflag:s4], $0x0  }
0x19: {  	s7 =	sld [smem:$0x3F9B]  }
0x1a: {  	s8 =	sadd.s32 $0xFFFFE003, lr  }
0x1b: {  	s9 =	sadd.s32 $0xFFFFFEF7, lr;
	s5 =	simm.s32 $0xFFFFFFFF;
	p2 =	slt.u32 s8, $0xFFFFF086  }
0x1c: {  	p1 =	slt.u32 s9, $0xF7A;
	s5 =	simm.s32 @!p2 $0x0  }
0x1d: {  	s5 =	simm.s32 @p1 $0x1;
	p0 =	seq.s32 s7, s2  }
0x1e: {  	s7 =	smul.u32 @!p0 $0xF7A, s2;
	p2 =	seq.s32 @!p0 s5, $0x0  }
0x1f: {  	s9 =	smul.u32 $0xF7A, s1;
	s8 =	simm.s32 @!p0 $0x1BF5;
	p2 =	por !p2, p0  }
0x20: {  	[sflag:s8] =	ssyncset.s32 @!p0 $0xFFFFF086;
	s6 =	sadd.s32 @!p0 s3, s7;
	s7 =	simm.s32 @!p0 $0x108  }
0x21: {  	s3 =	sadd.s32 s3, s9;
	s6 =	sadd.s32 @!p0 $0x88, s6;
	s7 =	simm.s32 @p2 $0x1082  }
0x22: {  	[simem:s7], [sflag:s8] =	dma.local @!p0 [hbm:s6], $0xF7A  }
0x23: {  	s9 =	sor.u32 $0xD0000000, s2;
	s6 =	simm.s32 $0x108;
	_ =	swait.ge @!p0 [sflag:s8], $0x0  }
0x24: {  	s3 =	sadd.s32 $0x88, s3;
	s6 =	simm.s32 @!p1 $0x1082;
	[sflag:s4] =	ssyncset.s32 $0xFFFFF086  }
0x25: {  	[simem:s6], [sflag:s4] =	dma.local [hbm:s3], $0xF7A  }
0x26: {  	[smem:$0x3F9B] =	sst s1;
	(tag) =	ssettag s2;
	_ =	strace s9  }
0x27: {  	s1 =	sld [smem:$0x3FAB]  }
0x28: {  	s2 =	sld [smem:$0x3FAC]  }
0x29: {  	s4 =	sld [smem:$0x3FAE]  }
0x2a: {  	p0 =	seq.s32 s5, $0x0;
	s5 =	sld [smem:$0x3FAF]  }
0x2b: {  	s6 =	sld [smem:$0x3FB0]  }
0x2c: {  	s7 =	sld [smem:$0x3FB1]  }
0x2d: {  	s3 =	simm.s32 $0x108;
	s8 =	sld [smem:$0x3FB2]  }
0x2e: {  	s3 =	simm.s32 @!p0 $0x1082;
	s9 =	sld [smem:$0x3FB3]  }
0x2f: {  	lr =	sadd.s32 s0, s3;
	s0 =	sld [smem:$0x3FAA]  }
0x30: {  	s3 =	sld [smem:$0x3FAD]  }
0x31: {  	[smem:$0x3FB6] =	sst s10  }
0x32: {  	s10 =	sld [smem:$0x3FB4];
	_ =	sdelay $0x3  }
0x33: {  	p0 =	seq.s32 s10, $0x1;
	s10 =	sld [smem:$0x3FB6];
	_ =	sdelay $0x3  }
0x34: {  	[smem:$0x3FB6] =	sst s10  }
0x35: {  	s10 =	sld [smem:$0x3FB5];
	_ =	sdelay $0x3  }
0x36: {  	p1 =	seq.s32 s10, $0x1;
	s10 =	sld [smem:$0x3FB6];
	_ =	sdelay $0x3  }
0x37: {  	[smem:$0x3FB6] =	sst s10  }
0x38: {  	s10 =	sld [smem:$0x3FB7]  }
0x39: {  	_ = 	snop;
	(pc) =	sbr.ind lr, $3  }
0x3a: {  	_ = 	snop  }
0x3b: {  	_ = 	snop  }
0x3c: {  	p2 =	seq.s32 s10, $0x1;
	s10 =	sld [smem:$0x3FB6]  }
0x3d: {  	_ =	shalt  }
0x3e: {  	_ =	shalt  }
0x3f: {  	_ =	shalt  }
0x40: {  	_ =	shalt  }
0x41: {  	_ =	shalt  }
0x42: {  	_ =	shalt  }
0x43: {  	_ =	shalt  }
0x44: {  	_ =	shalt  }
0x45: {  	_ =	shalt  }
0x46: {  	_ =	shalt  }
0x47: {  	_ =	shalt  }
0x48: {  	_ =	shalt  }
0x49: {  	_ =	shalt  }
0x4a: {  	_ =	shalt  }
0x4b: {  	_ =	shalt  }
0x4c: {  	_ =	shalt  }
0x4d: {  	_ =	shalt  }
0x4e: {  	_ =	shalt  }
0x4f: {  	_ =	shalt  }
0x50: {  	_ =	shalt  }
0x51: {  	_ =	shalt  }
0x52: {  	_ =	shalt  }
0x53: {  	_ =	shalt  }
0x54: {  	_ =	shalt  }
0x55: {  	_ =	shalt  }
0x56: {  	_ =	shalt  }
0x57: {  	_ =	shalt  }
0x58: {  	_ =	shalt  }
0x59: {  	_ =	shalt  }
0x5a: {  	_ =	shalt  }
0x5b: {  	_ =	shalt  }
0x5c: {  	_ =	shalt  }
0x5d: {  	_ =	shalt  }
0x5e: {  	_ =	shalt  }
0x5f: {  	_ =	shalt  }
0x60: {  	_ =	shalt  }
0x61: {  	_ =	shalt  }
0x62: {  	_ =	shalt  }
0x63: {  	_ =	shalt  }
0x64: {  	_ =	shalt  }
0x65: {  	_ =	shalt  }
0x66: {  	_ =	shalt  }
0x67: {  	_ =	shalt  }
0x68: {  	_ =	shalt  }
0x69: {  	_ =	shalt  }
0x6a: {  	_ =	shalt  }
0x6b: {  	_ =	shalt  }
0x6c: {  	_ =	shalt  }
0x6d: {  	_ =	shalt  }
0x6e: {  	_ =	shalt  }
0x6f: {  	_ =	shalt  }
0x70: {  	_ =	shalt  }
0x71: {  	_ =	shalt  }
0x72: {  	_ =	shalt  }
0x73: {  	_ =	shalt  }
0x74: {  	_ =	shalt  }
0x75: {  	_ =	shalt  }
0x76: {  	_ =	shalt  }
0x77: {  	_ =	shalt  }
0x78: {  	_ =	shalt  }
0x79: {  	_ =	shalt  }
0x7a: {  	_ =	shalt  }
0x7b: {  	_ =	shalt  }
0x7c: {  	_ =	shalt  }
0x7d: {  	_ =	shalt  }
0x7e: {  	_ =	shalt  }
0x7f: {  	_ =	shalt  }
0x80: {  	_ =	shalt  }
0x81: {  	_ =	shalt  }
0x82: {  	_ =	shalt  }
0x83: {  	_ =	shalt  }
0x84: {  	_ =	shalt  }
0x85: {  	_ =	shalt  }
0x86: {  	_ =	shalt  }
0x87: {  	_ =	shalt  }
.Lfunc_end0:
.L_simem_size_0:
called_computation.1_lowered:
.L_overlay_start_0:
0x88: {  	s2 =	sld [smem:$0x3FD9]  }
0x89: {  	s3 =	sld [smem:$0x3FFE];
	_ =	sdelay $0x1  }
0x8a: {  	s1 =	srdreg.scid  }
0x8b: {  	s0 =	sand.u32 $0x1, s1  }
0x8c: {  	s17 =	sshll.u32 s0, $0xA;
	s2 =	sadd.s32 s3, s2  }
0x8d: {  	s2 =	sadd.s32 s2, s17  }
0x8e: {  	[smem:$0x3FC2] =	sst s2  }
0x8f: {  	_ = 	snop  }
0x90: {  	s2 =	sld [smem:$0x3FD0];
	(tm) =	ssettm $0x1  }
0x91: {  	s18 =	sld [smem:$0x3FFB];
	_ =	sdelay $0x3  }
0x92: {  	_ =	strace s18  }
0x93: {  	s3 =	sld [smem:$0x3FFC];
	_ =	sdelay $0x3  }
0x94: {  	_ =	strace s3  }
0x95: {  	s3 =	sld [smem:$0x3FFD];
	_ =	sdelay $0x3  }
0x96: {  	_ =	strace s3  }
0x97: {  	_ =	strace $0x8FFFFFFF  }
0x98: {  	s19 =	sld [smem:$0x3FDB];
	_ =	sdelay $0x1  }
0x99: {  	s4 =	simm.s32 $_scs_section_size  }
0x9a: {  	s5 =	simm.s32 $_size__tile_overlayer_lowered;
	s6 =	simm.s32 $_tile_overlayer_lowered  }
0x9b: {  	s22 =	simm.s32 $0x1BFF;
	s21 =	sshll.u32 s6, $0x1;
	s3 =	sadd.s32 s4, s19  }
0x9c: {  	s7 =	simm.s32 $0x0;
	s20 =	sshll.u32 s5, $0x1;
	s5 =	sadd.s32 s21, s3  }
0x9d: {  	[timem:s7], [sflag:s22] =	dma.local [hbm:s5], s20  }
0x9e: {  	_ =	swait.ge [sflag:s22], s20  }
0x9f: {  	s4 =	ssub.s32 $0x0, s20;
	[sflag:s22] =	ssyncset.done $0x0  }
0xa0: {  	[sflag:s22] =	ssyncadd.s32 s4;
	_ =	sdelay $0x1  }
0xa1: {  	s23 =	simm.s32 $0x1B8B  }
0xa2: {  	_ =	swait.ge [sflag:s23], $0x1  }
0xa3: {  	[sflag:s23] =	ssyncset.done $0x0  }
0xa4: {  	s25 =	simm.s32 $0x1B8E;
	s24 =	sld [smem:$0x3FFE];
	[sflag:s23] =	ssyncadd.s32 $0xFFFFFFFF  }
0xa5: {  	s26 =	simm.s32 $execute0_lowered;
	[smem:$0x3FD2] =	sst s25  }
0xa6: {  	s5 =	sshll.u32 s26, $0x1;
	_ =	strace $0x80000049;
	[dreg:$0x1] =	wrdreg $0xFFFFFFFF  }
0xa7: {  	s28 =	simm.s32 $_size_execute0_lowered;
	s3 =	sadd.s32 s3, s5;
	[dreg:$0x0] =	wrdreg $0x0  }
0xa8: {  	s5 =	sshll.u32 s28, $0x1;
	[dreg:$0x2] =	wrdreg s3  }
0xa9: {  	[dreg:$0x3] =	wrdreg s5  }
0xaa: {  	[dreg:$0x4] =	wrdreg $0xC0  }
0xab: {  	_ =	task [dreg:s7], $0x5FFFF  }
0xac: {  	[dreg:$0x1] =	wrdreg $0xFFFFFFFF  }
0xad: {  	[dreg:$0x0] =	wrdreg $0x60  }
0xae: {  	[dreg:$0x2] =	wrdreg s24  }
0xaf: {  	[dreg:$0x3] =	wrdreg s2  }
0xb0: {  	[dreg:$0x4] =	wrdreg $0x5F000  }
0xb1: {  	[dreg:$0x5] =	wrdreg $0x87000  }
0xb2: {  	[dreg:$0x6] =	wrdreg $0x9  }
0xb3: {  	_ =	task.clear_ibuf [dreg:s7], $0x7FFFF;
	_ =	strace $0x90000049  }
0xb4: {  	s29 =	simm.s32 $0x9;
	_ =	strace $0x8000004B  }
0xb5: {  	_ =	swait.ge [sflag:s29], $0x1  }
0xb6: {  	[sflag:s29] =	ssyncadd.s32 $0xFFFFFFFF  }
0xb7: {  	_ =	strace $0x9000004B  }
0xb8: {  	_ =	sfence  }
0xb9: {  	s30 =	sld [smem:$0x0];
	_ =	sdelay $0x2  }
0xba: {  	s31 =	sshll.u32 s1, $0xD;
	s1 =	sshrl.u32 s1, $0x2  }
0xbb: {  	s3 =	sand.u32 $0x4000, s31;
	s1 =	sadd.s32 s1, s30  }
0xbc: {  	s0 =	sor.u32 s3, s0;
	s1 =	sshll.u32 s1, $0x11  }
0xbd: {  	s0 =	sor.u32 s1, s0  }
0xbe: {  	s0 =	sadd.s32 $0x8F2B, s0  }
0xbf: {  	[sflag:s0] =	ssyncadd.remote.s32 $0x1  }
0xc0: {  	_ =	sfence.sel $0xFFFF  }
0xc1: {  	[dreg:$0x0] =	wrdreg $0xFFFFFFFF;
	(pc) =	sbr.abs _section_cstart, $3  }
0xc2: {  	[dreg:$0x1] =	wrdreg $0xFFFFFFFF  }
0xc3: {  	_ =	task.clear_ibuf [dreg:s7], $0x2FFFF;
	_ =	strace $0x9FFFFFFF  }
0xc4: {  	(tm) =	ssettm $0x7FFFFFFF  }
0xc5: {  	_ =	shalt  }
tec
execute0_lowered:
.L_overlay_start_1:
0x0: {  	(tag) =	ssettag $0x1  }
0x1: {  	s5 =	rddreg [dreg:$0x0]  }
0x2: {  	s11 =	rddreg [dreg:$0x1]  }
0x3: {  	s2 =	rddreg [dreg:$0x2]  }
0x4: {  	s3 =	rddreg [dreg:$0x3]  }
0x5: {  	s4 =	srdreg.scid;
	s1 =	stileid.u32;
	s17 =	simm.s32 $0x1  }
0x6: {  	s18 =	simm.s32 $0x2;
	s19 =	simm.s32 $0x3;
	s20 =	simm.s32 $0x4  }
0x7: {  	s21 =	simm.s32 $0x80;
	s22 =	simm.s32 $0x4F00;
	s23 =	simm.s32 $0x5700  }
0x8: {  	s24 =	simm.s32 $0x2700;
	s28 =	simm.s32 $0x5;
	s29 =	simm.s32 $0x0  }
0x9: {  	s6 =	sand.u32 $0x1, s4;
	s4 =	simm.s32 $0x0;
	s8 =	smul.u32 $0x2710, s1  }
0xa: {  	s9 =	smul.u32 $0x2800, s1;
	s7 =	sshll.u32 s6, $0x4;
	[smem:$0x7FF] =	sst s4  }
0xb: {  	s13 =	ssub.s32 $0x2, s6;
	s31 =	smul.u32 $0x28000, s6;
	s7 =	sor.u32 s1, s7  }
0xc: {  	_ =	strace $0x8000004A;
	s10 =	sshrl.u32 s8, $0x3;
	s12 =	sshrl.u32 s9, $0x3  }
0xd: {  	s26 =	sshrl.u32 s13, $0x1;
	s15 =	sadd.s32 s9, s2;
	s16 =	sadd.s32 s8, s3  }
0xe: {  	s7 =	smul.u32 $0x4F0, s7;
	s10 =	sadd.s32 s10, s5;
	s25 =	sadd.s32 s12, s5  }
0xf: {  	s30 =	ssub.s32 s13, s26;
	s13 =	sadd.s32 s9, s31;
	s26 =	simm.s32 $0x4E80  }
0x10: {  	s6 =	sadd.s32 $0xDE00, s25;
	s8 =	sadd.s32 $0x4000, s10;
	s13 =	sshrl.u32 s13, $0x3  }
0x11: {  	s12 =	smax.u32 s30, $0x1;
	s25 =	simm.s32 $0x4E00;
	s14 =	sadd.s32 s7, s5  }
0x12: {  	s5 =	sshll.u32 s1, $0x6;
	s11 =	sadd.s32 s11, s13;
	s13 =	sshrl.u32 s15, $0x3  }
0x13: {  	s15 =	sshrl.u32 s16, $0x3;
	s16 =	simm.s32 $0x2780;
	s7 =	sor.u32 $0x1C01, s5  }
0x14: {  	s9 =	sadd.s32 $0x12E00, s14;
	s10 =	sadd.s32 $0x1CC00, s14;
	s14 =	sor.u32 $0x1C02, s5  }
.LBB2_1:
0x15: {  	[spmem:s13], [sflag:s7] =	dma.local [hbm:s6], $0x500  }
0x16: {  	[spmem:s15], [sflag:s14] =	dma.local [hbm:s8], $0x4E2  }
0x17: {  	[tilespmem:s4], [sflag:$0x3] =	stream.linear.gather [hbm4b:s9+s4], $0x2780, $0x38;
	[tilespmem:$0xAE10] =	vst v63  }
0x18: {  	_ = 	snop  }
0x19: {  	[tilespmem:s16], [sflag:$0x4] =	stream.linear.gather [hbm4b:s10+s4], $0x2780, $0x38;
	[tilespmem:$0xAE10] =	vst v63  }
0x1a: {  	_ =	swait.ge [sflag:s17], $0x500  }
0x1b: {  	[sflag:s17] =	ssyncset.done $0x0  }
0x1c: {  	[sflag:s17] =	ssyncadd.s32 $0xFFFFFB00  }
0x1d: {  	_ =	swait.ge [sflag:s18], $0x4E2  }
0x1e: {  	[sflag:s18] =	ssyncset.done $0x0  }
0x1f: {  	[sflag:s18] =	ssyncadd.s32 $0xFFFFFB1E  }
0x20: {  	_ =	swait.ge [sflag:s19], $0x2780  }
0x21: {  	[sflag:s19] =	ssyncset.done $0x0  }
0x22: {  	[sflag:s19] =	ssyncadd.s32 $0xFFFFD880  }
0x23: {  	_ =	swait.ge [sflag:s20], $0x2780  }
0x24: {  	[sflag:s20] =	ssyncset.done $0x0  }
0x25: {  	[sflag:s20] =	ssyncadd.s32 $0xFFFFD880  }
0x26: {  	[bflag:$0x0] =	sbarrier.arrive $0xFFFF  }
0x27: {  	[tilespmem:s22], [sflag:$0x1] =	stream.indirect.gather [spmem:s3], $0x10, s4, s21, $0xb8;
	[tilespmem:$0xAE10] =	vst v63  }
0x28: {  	_ = 	snop  }
0x29: {  	[tilespmem:s23], [sflag:$0x2] =	stream.indirect.gather [spmem:s3], $0x10, s21, s21, $0xb8;
	[tilespmem:$0xAE10] =	vst v63  }
0x2a: {  	_ =	swait.ge [sflag:s17], $0x800  }
0x2b: {  	[sflag:s17] =	ssyncset.done $0x0  }
0x2c: {  	[sflag:s17] =	ssyncadd.s32 $0xFFFFF800  }
0x2d: {  	[spmem:s2] =	stream.indirect.scatter.add.f32 [tilespmem:s22], [sflag:$0x3], $0x10, s16, s21, $0xb8;
	[tilespmem:$0xAE10] =	vst v63  }
0x2e: {  	_ =	swait.ge [sflag:s19], $0x800  }
0x2f: {  	[sflag:s19] =	ssyncset.done $0x0  }
0x30: {  	s30 =	simm.s32 $0x100;
	[sflag:s19] =	ssyncadd.s32 $0xFFFFF800  }
0x31: {  	[tilespmem:s22], [sflag:$0x1] =	stream.indirect.gather [spmem:s3], $0x10, s30, s21, $0xb8;
	[tilespmem:$0xAE10] =	vst v63  }
0x32: {  	_ =	swait.ge [sflag:s18], $0x800  }
0x33: {  	[sflag:s18] =	ssyncset.done $0x0  }
0x34: {  	s30 =	simm.s32 $0x2800;
	[sflag:s18] =	ssyncadd.s32 $0xFFFFF800  }
0x35: {  	[spmem:s2] =	stream.indirect.scatter.add.f32 [tilespmem:s23], [sflag:$0x4], $0x10, s30, s21, $0xb8;
	[tilespmem:$0xAE10] =	vst v63  }
0x36: {  	_ =	swait.ge [sflag:s20], $0x800  }
0x37: {  	[sflag:s20] =	ssyncset.done $0x0  }
0x38: {  	s30 =	simm.s32 $0x180;
	[sflag:s20] =	ssyncadd.s32 $0xFFFFF800  }
0x39: {  	[tilespmem:s23], [sflag:$0x2] =	stream.indirect.gather [spmem:s3], $0x10, s30, s21, $0xb8;
	[tilespmem:$0xAE10] =	vst v63  }
0x3a: {  	_ =	swait.ge [sflag:s17], $0x800  }
0x3b: {  	[sflag:s17] =	ssyncset.done $0x0  }
0x3c: {  	s31 =	simm.s32 $0x2880;
	s30 =	simm.s32 $0xFFFF6C00;
	[sflag:s17] =	ssyncadd.s32 $0xFFFFF800  }
.LBB2_2:
0x3d: {  	[spmem:s2] =	stream.indirect.scatter.add.f32 [tilespmem:s22], [sflag:$0x3], $0x10, s31, s21, $0xb8;
	[tilespmem:$0xAE10] =	vst v63  }
0x3e: {  	s31 =	smov.u32 s30  }
0x3f: {  	p0 =	sne.s32 s30, $0xFFFFFC00;
	s30 =	sadd.s32 $0x400, s30;
	_ =	swait.ge [sflag:s19], $0x800  }
0x40: {  	s31 =	sshra.s32 s31, $0x2;
	[sflag:s19] =	ssyncset.done $0x0  }
0x41: {  	s0 =	sadd.s32 $0x2700, s31;
	[sflag:s19] =	ssyncadd.s32 $0xFFFFF800  }
0x42: {  	[tilespmem:s22], [sflag:$0x1] =	stream.indirect.gather [spmem:s3], $0x10, s0, s21, $0xb8;
	[tilespmem:$0xAE10] =	vst v63  }
0x43: {  	_ =	swait.ge [sflag:s18], $0x800  }
0x44: {  	[sflag:s18] =	ssyncset.done $0x0  }
0x45: {  	s0 =	sadd.s32 $0x4E00, s31;
	[sflag:s18] =	ssyncadd.s32 $0xFFFFF800  }
0x46: {  	[spmem:s2] =	stream.indirect.scatter.add.f32 [tilespmem:s23], [sflag:$0x4], $0x10, s0, s21, $0xb8;
	[tilespmem:$0xAE10] =	vst v63  }
0x47: {  	_ =	swait.ge [sflag:s20], $0x800  }
0x48: {  	[sflag:s20] =	ssyncset.done $0x0  }
.Ltmp0:
0x49: {  	s0 =	sadd.s32 $0x2780, s31;
	[sflag:s20] =	ssyncadd.s32 $0xFFFFF800;
	(pc) =	sbr.rel @p0 .LBB2_2-.Ltmp0, $4  }
0x4a: {  	[tilespmem:s23], [sflag:$0x2] =	stream.indirect.gather [spmem:s3], $0x10, s0, s21, $0xb8;
	[tilespmem:$0xAE10] =	vst v63  }
0x4b: {  	_ =	swait.ge [sflag:s17], $0x800  }
0x4c: {  	[sflag:s17] =	ssyncset.done $0x0  }
0x4d: {  	s31 =	sadd.s32 $0x4E80, s31;
	[sflag:s17] =	ssyncadd.s32 $0xFFFFF800  }
0x4e: {  	[spmem:s2] =	stream.indirect.scatter.add.f32 [tilespmem:s22], [sflag:$0x3], $0x10, s31, s21, $0xb8;
	[tilespmem:$0xAE10] =	vst v63  }
0x4f: {  	_ =	swait.ge [sflag:s19], $0x800  }
0x50: {  	[sflag:s19] =	ssyncset.done $0x0  }
0x51: {  	[sflag:s19] =	ssyncadd.s32 $0xFFFFF800  }
0x52: {  	[tilespmem:s22], [sflag:$0x1] =	stream.indirect.gather [spmem:s3], $0x10, s24, s21, $0xb8;
	[tilespmem:$0xAE10] =	vst v63  }
0x53: {  	_ =	swait.ge [sflag:s18], $0x800  }
0x54: {  	[sflag:s18] =	ssyncset.done $0x0  }
0x55: {  	[sflag:s18] =	ssyncadd.s32 $0xFFFFF800  }
0x56: {  	[spmem:s2] =	stream.indirect.scatter.add.f32 [tilespmem:s23], [sflag:$0x4], $0x10, s25, s21, $0xb8;
	[tilespmem:$0xAE10] =	vst v63  }
0x57: {  	_ =	swait.ge [sflag:s20], $0x800  }
0x58: {  	[sflag:s20] =	ssyncset.done $0x0  }
0x59: {  	[sflag:s20] =	ssyncadd.s32 $0xFFFFF800  }
0x5a: {  	_ =	swait.ge [sflag:s17], $0x800  }
0x5b: {  	[sflag:s17] =	ssyncset.done $0x0  }
0x5c: {  	[sflag:s17] =	ssyncadd.s32 $0xFFFFF800  }
0x5d: {  	[spmem:s2] =	stream.indirect.scatter.add.f32 [tilespmem:s22], [sflag:$0x3], $0x10, s26, s21, $0xb8;
	[tilespmem:$0xAE10] =	vst v63  }
0x5e: {  	_ =	swait.ge [sflag:s19], $0x800  }
0x5f: {  	s29 =	sadd.s32 $0x1, s29;
	[sflag:s19] =	ssyncset.done $0x0  }
0x60: {  	p0 =	sne.s32 s29, s12;
	[sflag:s19] =	ssyncadd.s32 $0xFFFFF800  }
.Ltmp1:
0x61: {  	s0 =	sor.u32 $0x1C05, s5;
	[bflag:$0x0] =	sbarrier.arrive $0xFFFF;
	(pc) =	sbr.rel @p0 .LBB2_1-.Ltmp1, $4  }
0x62: {  	[hbm:s11], [sflag:s0] =	dma.local [spmem:s13], $0x500  }
0x63: {  	_ =	swait.ge [sflag:s28], $0x500  }
0x64: {  	[sflag:s28] =	ssyncset.done $0x0  }
0x65: {  	[sflag:s28] =	ssyncadd.s32 $0xFFFFFB00  }
0x66: {  	_ =	sfence.sel $0x180000  }
0x67: {  	[bflag:$0x0] =	sbarrier.arrive $0xFFFF  }
0x68: {  	_ =	strace $0x9000004A  }
0x69: {  	[bflag:$0x2] =	sbarrier.arrive $0xFFFF  }
0x6a: {  	p0 =	sne.s32 s1, $0x0;
	s0 =	rddreg [dreg:$0x4]  }
0x6b: {  	s0 =	sadd.s32 @!p0 $0x100000, s0  }
0x6c: {  	[sflag:s0] =	ssyncadd.tile.s32 @!p0 $0x1;
	_ =	shalt  }
.Lfunc_end2:
_tile_overlayer_lowered:
.L_overlay_start_2:
0x6d: {  	(tag) =	ssettag $0x2  }
0x6e: {  	s0 =	rddreg [dreg:$0x0];
	s2 =	stileid.u32  }
0x6f: {  	s1 =	rddreg [dreg:$0x1];
	p0 =	sne.s32 s2, $0x0  }
0x70: {  	s3 =	rddreg [dreg:$0x2];
	[bflag:$0x3] =	sbarrier.arrive $0xFFFF;
	s2 =	simm.s32 @!p0 $0x1C05  }
0x71: {  	[timem:s3], [sflag:s2] =	dma.local @!p0 [hbm:s0], s1  }
0x72: {  	s0 =	simm.s32 @!p0 $0x5  }
0x73: {  	_ =	swait.ge @!p0 [sflag:s0], s1  }
0x74: {  	s1 =	ssub.s32 @!p0 $0x0, s1;
	[sflag:s0] =	ssyncset.done @!p0 $0x0  }
0x75: {  	[sflag:s0] =	ssyncadd.s32 @!p0 s1  }
0x76: {  	[bflag:$0x3] =	sbarrier.arrive $0xFFFF  }
0x77: {  	_ =	shalt  }

// kernel: kernel.18.cloned.1.call-start
scs
__scs_entry_jumppad:
0x0: {  	(pc) =	sbr.rel $0x88, $3  }
0x1: {  	(tag) =	ssettag $0x0;
	lr =	simm.s32 $0x1  }
0x2: {  	[smem:$0x3F9B] =	sst lr;
	_ =	strace $0xD0000000  }
0x3: {  	_ = 	snop  }
0x4: {  	_ = 	snop  }
0x5: {  	_ = 	snop  }
0x6: {  	_ = 	snop  }
0x7: {  	_ = 	snop  }
__scs_overlays_trampoline_lowered:
0x8: {  	[smem:$0x3FAA] =	sst s0  }
0x9: {  	[smem:$0x3FAB] =	sst s1  }
0xa: {  	[smem:$0x3FAC] =	sst s2  }
0xb: {  	[smem:$0x3FAD] =	sst s3  }
0xc: {  	[smem:$0x3FAE] =	sst s4  }
0xd: {  	[smem:$0x3FAF] =	sst s5  }
0xe: {  	[smem:$0x3FB0] =	sst s6  }
0xf: {  	[smem:$0x3FB1] =	sst s7  }
0x10: {  	[smem:$0x3FB2] =	sst s8  }
0x11: {  	[smem:$0x3FB3] =	sst s9;
	s0 =	simm.s32 @!p0 $0x0  }
0x12: {  	s1 =	sld [smem:$0x3F99];
	s0 =	simm.s32 @p0 $0x1  }
0x13: {  	[smem:$0x3FB4] =	sst s0;
	s0 =	simm.s32 @!p1 $0x0  }
0x14: {  	s2 =	sld [smem:$0x3F98];
	s0 =	simm.s32 @p1 $0x1  }
0x15: {  	[smem:$0x3FB5] =	sst s0;
	s0 =	simm.s32 @!p2 $0x0  }
0x16: {  	s3 =	sld [smem:$0x3FDB];
	s0 =	simm.s32 @p2 $0x1  }
0x17: {  	s4 =	simm.s32 $0x1BF5;
	[smem:$0x3FB7] =	sst s0  }
0x18: {  	s0 =	sld [smem:$0x3F9A];
	_ =	swait.ge [sflag:s4], $0x0  }
0x19: {  	s7 =	sld [smem:$0x3F9B]  }
0x1a: {  	s8 =	sadd.s32 $0xFFFFE003, lr  }
0x1b: {  	s9 =	sadd.s32 $0xFFFFFEF7, lr;
	s5 =	simm.s32 $0xFFFFFFFF;
	p2 =	slt.u32 s8, $0xFFFFF086  }
0x1c: {  	p1 =	slt.u32 s9, $0xF7A;
	s5 =	simm.s32 @!p2 $0x0  }
0x1d: {  	s5 =	simm.s32 @p1 $0x1;
	p0 =	seq.s32 s7, s2  }
0x1e: {  	s7 =	smul.u32 @!p0 $0xF7A, s2;
	p2 =	seq.s32 @!p0 s5, $0x0  }
0x1f: {  	s9 =	smul.u32 $0xF7A, s1;
	s8 =	simm.s32 @!p0 $0x1BF5;
	p2 =	por !p2, p0  }
0x20: {  	[sflag:s8] =	ssyncset.s32 @!p0 $0xFFFFF086;
	s6 =	sadd.s32 @!p0 s3, s7;
	s7 =	simm.s32 @!p0 $0x108  }
0x21: {  	s3 =	sadd.s32 s3, s9;
	s6 =	sadd.s32 @!p0 $0x88, s6;
	s7 =	simm.s32 @p2 $0x1082  }
0x22: {  	[simem:s7], [sflag:s8] =	dma.local @!p0 [hbm:s6], $0xF7A  }
0x23: {  	s9 =	sor.u32 $0xD0000000, s2;
	s6 =	simm.s32 $0x108;
	_ =	swait.ge @!p0 [sflag:s8], $0x0  }
0x24: {  	s3 =	sadd.s32 $0x88, s3;
	s6 =	simm.s32 @!p1 $0x1082;
	[sflag:s4] =	ssyncset.s32 $0xFFFFF086  }
0x25: {  	[simem:s6], [sflag:s4] =	dma.local [hbm:s3], $0xF7A  }
0x26: {  	[smem:$0x3F9B] =	sst s1;
	(tag) =	ssettag s2;
	_ =	strace s9  }
0x27: {  	s1 =	sld [smem:$0x3FAB]  }
0x28: {  	s2 =	sld [smem:$0x3FAC]  }
0x29: {  	s4 =	sld [smem:$0x3FAE]  }
0x2a: {  	p0 =	seq.s32 s5, $0x0;
	s5 =	sld [smem:$0x3FAF]  }
0x2b: {  	s6 =	sld [smem:$0x3FB0]  }
0x2c: {  	s7 =	sld [smem:$0x3FB1]  }
0x2d: {  	s3 =	simm.s32 $0x108;
	s8 =	sld [smem:$0x3FB2]  }
0x2e: {  	s3 =	simm.s32 @!p0 $0x1082;
	s9 =	sld [smem:$0x3FB3]  }
0x2f: {  	lr =	sadd.s32 s0, s3;
	s0 =	sld [smem:$0x3FAA]  }
0x30: {  	s3 =	sld [smem:$0x3FAD]  }
0x31: {  	[smem:$0x3FB6] =	sst s10  }
0x32: {  	s10 =	sld [smem:$0x3FB4];
	_ =	sdelay $0x3  }
0x33: {  	p0 =	seq.s32 s10, $0x1;
	s10 =	sld [smem:$0x3FB6];
	_ =	sdelay $0x3  }
0x34: {  	[smem:$0x3FB6] =	sst s10  }
0x35: {  	s10 =	sld [smem:$0x3FB5];
	_ =	sdelay $0x3  }
0x36: {  	p1 =	seq.s32 s10, $0x1;
	s10 =	sld [smem:$0x3FB6];
	_ =	sdelay $0x3  }
0x37: {  	[smem:$0x3FB6] =	sst s10  }
0x38: {  	s10 =	sld [smem:$0x3FB7]  }
0x39: {  	_ = 	snop;
	(pc) =	sbr.ind lr, $3  }
0x3a: {  	_ = 	snop  }
0x3b: {  	_ = 	snop  }
0x3c: {  	p2 =	seq.s32 s10, $0x1;
	s10 =	sld [smem:$0x3FB6]  }
0x3d: {  	_ =	shalt  }
0x3e: {  	_ =	shalt  }
0x3f: {  	_ =	shalt  }
0x40: {  	_ =	shalt  }
0x41: {  	_ =	shalt  }
0x42: {  	_ =	shalt  }
0x43: {  	_ =	shalt  }
0x44: {  	_ =	shalt  }
0x45: {  	_ =	shalt  }
0x46: {  	_ =	shalt  }
0x47: {  	_ =	shalt  }
0x48: {  	_ =	shalt  }
0x49: {  	_ =	shalt  }
0x4a: {  	_ =	shalt  }
0x4b: {  	_ =	shalt  }
0x4c: {  	_ =	shalt  }
0x4d: {  	_ =	shalt  }
0x4e: {  	_ =	shalt  }
0x4f: {  	_ =	shalt  }
0x50: {  	_ =	shalt  }
0x51: {  	_ =	shalt  }
0x52: {  	_ =	shalt  }
0x53: {  	_ =	shalt  }
0x54: {  	_ =	shalt  }
0x55: {  	_ =	shalt  }
0x56: {  	_ =	shalt  }
0x57: {  	_ =	shalt  }
0x58: {  	_ =	shalt  }
0x59: {  	_ =	shalt  }
0x5a: {  	_ =	shalt  }
0x5b: {  	_ =	shalt  }
0x5c: {  	_ =	shalt  }
0x5d: {  	_ =	shalt  }
0x5e: {  	_ =	shalt  }
0x5f: {  	_ =	shalt  }
0x60: {  	_ =	shalt  }
0x61: {  	_ =	shalt  }
0x62: {  	_ =	shalt  }
0x63: {  	_ =	shalt  }
0x64: {  	_ =	shalt  }
0x65: {  	_ =	shalt  }
0x66: {  	_ =	shalt  }
0x67: {  	_ =	shalt  }
0x68: {  	_ =	shalt  }
0x69: {  	_ =	shalt  }
0x6a: {  	_ =	shalt  }
0x6b: {  	_ =	shalt  }
0x6c: {  	_ =	shalt  }
0x6d: {  	_ =	shalt  }
0x6e: {  	_ =	shalt  }
0x6f: {  	_ =	shalt  }
0x70: {  	_ =	shalt  }
0x71: {  	_ =	shalt  }
0x72: {  	_ =	shalt  }
0x73: {  	_ =	shalt  }
0x74: {  	_ =	shalt  }
0x75: {  	_ =	shalt  }
0x76: {  	_ =	shalt  }
0x77: {  	_ =	shalt  }
0x78: {  	_ =	shalt  }
0x79: {  	_ =	shalt  }
0x7a: {  	_ =	shalt  }
0x7b: {  	_ =	shalt  }
0x7c: {  	_ =	shalt  }
0x7d: {  	_ =	shalt  }
0x7e: {  	_ =	shalt  }
0x7f: {  	_ =	shalt  }
0x80: {  	_ =	shalt  }
0x81: {  	_ =	shalt  }
0x82: {  	_ =	shalt  }
0x83: {  	_ =	shalt  }
0x84: {  	_ =	shalt  }
0x85: {  	_ =	shalt  }
0x86: {  	_ =	shalt  }
0x87: {  	_ =	shalt  }
.Lfunc_end0:
.L_simem_size_0:
called_computation.2_lowered:
.L_overlay_start_0:
0x88: {  	s2 =	sld [smem:$0x3FD9]  }
0x89: {  	s3 =	sld [smem:$0x3FFE];
	_ =	sdelay $0x1  }
0x8a: {  	s1 =	srdreg.scid  }
0x8b: {  	s0 =	sand.u32 $0x1, s1  }
0x8c: {  	s17 =	sshll.u32 s0, $0xA;
	s2 =	sadd.s32 s3, s2  }
0x8d: {  	s2 =	sadd.s32 s2, s17  }
0x8e: {  	[smem:$0x3FC2] =	sst s2  }
0x8f: {  	_ = 	snop  }
0x90: {  	s2 =	sld [smem:$0x3FD0];
	(tm) =	ssettm $0x1  }
0x91: {  	s18 =	sld [smem:$0x3FFB];
	_ =	sdelay $0x3  }
0x92: {  	_ =	strace s18  }
0x93: {  	s3 =	sld [smem:$0x3FFC];
	_ =	sdelay $0x3  }
0x94: {  	_ =	strace s3  }
0x95: {  	s3 =	sld [smem:$0x3FFD];
	_ =	sdelay $0x3  }
0x96: {  	_ =	strace s3  }
0x97: {  	_ =	strace $0x8FFFFFFF  }
0x98: {  	s19 =	sld [smem:$0x3FDB];
	_ =	sdelay $0x1  }
0x99: {  	s4 =	simm.s32 $_scs_section_size  }
0x9a: {  	s5 =	simm.s32 $_size__tile_overlayer_lowered;
	s6 =	simm.s32 $_tile_overlayer_lowered  }
0x9b: {  	s22 =	simm.s32 $0x1BFF;
	s21 =	sshll.u32 s6, $0x1;
	s3 =	sadd.s32 s4, s19  }
0x9c: {  	s7 =	simm.s32 $0x0;
	s20 =	sshll.u32 s5, $0x1;
	s5 =	sadd.s32 s21, s3  }
0x9d: {  	[timem:s7], [sflag:s22] =	dma.local [hbm:s5], s20  }
0x9e: {  	_ =	swait.ge [sflag:s22], s20  }
0x9f: {  	s4 =	ssub.s32 $0x0, s20;
	[sflag:s22] =	ssyncset.done $0x0  }
0xa0: {  	[sflag:s22] =	ssyncadd.s32 s4;
	_ =	sdelay $0x1  }
0xa1: {  	s23 =	simm.s32 $0x1B8B  }
0xa2: {  	_ =	swait.ge [sflag:s23], $0x1  }
0xa3: {  	[sflag:s23] =	ssyncset.done $0x0  }
0xa4: {  	s25 =	simm.s32 $0x1B8E;
	s24 =	sld [smem:$0x3FFE];
	[sflag:s23] =	ssyncadd.s32 $0xFFFFFFFF  }
0xa5: {  	s26 =	simm.s32 $execute0_lowered;
	[smem:$0x3FD2] =	sst s25  }
0xa6: {  	s5 =	sshll.u32 s26, $0x1;
	_ =	strace $0x8000004C;
	[dreg:$0x1] =	wrdreg $0xFFFFFFFF  }
0xa7: {  	s28 =	simm.s32 $_size_execute0_lowered;
	s3 =	sadd.s32 s3, s5;
	[dreg:$0x0] =	wrdreg $0x0  }
0xa8: {  	s5 =	sshll.u32 s28, $0x1;
	[dreg:$0x2] =	wrdreg s3  }
0xa9: {  	[dreg:$0x3] =	wrdreg s5  }
0xaa: {  	[dreg:$0x4] =	wrdreg $0xC0  }
0xab: {  	_ =	task [dreg:s7], $0x5FFFF  }
0xac: {  	[dreg:$0x1] =	wrdreg $0xFFFFFFFF  }
0xad: {  	[dreg:$0x0] =	wrdreg $0x60  }
0xae: {  	[dreg:$0x2] =	wrdreg s24  }
0xaf: {  	[dreg:$0x3] =	wrdreg s2  }
0xb0: {  	[dreg:$0x4] =	wrdreg $0x5F000  }
0xb1: {  	[dreg:$0x5] =	wrdreg $0x87000  }
0xb2: {  	[dreg:$0x6] =	wrdreg $0x9  }
0xb3: {  	_ =	task.clear_ibuf [dreg:s7], $0x7FFFF;
	_ =	strace $0x9000004C  }
0xb4: {  	s29 =	simm.s32 $0x9;
	_ =	strace $0x8000004E  }
0xb5: {  	_ =	swait.ge [sflag:s29], $0x1  }
0xb6: {  	[sflag:s29] =	ssyncadd.s32 $0xFFFFFFFF  }
0xb7: {  	_ =	strace $0x9000004E  }
0xb8: {  	_ =	sfence  }
0xb9: {  	s30 =	sld [smem:$0x0];
	_ =	sdelay $0x2  }
0xba: {  	s31 =	sshll.u32 s1, $0xD;
	s1 =	sshrl.u32 s1, $0x2  }
0xbb: {  	s3 =	sand.u32 $0x4000, s31;
	s1 =	sadd.s32 s1, s30  }
0xbc: {  	s0 =	sor.u32 s3, s0;
	s1 =	sshll.u32 s1, $0x11  }
0xbd: {  	s0 =	sor.u32 s1, s0  }
0xbe: {  	s0 =	sadd.s32 $0x8F2B, s0  }
0xbf: {  	[sflag:s0] =	ssyncadd.remote.s32 $0x1  }
0xc0: {  	_ =	sfence.sel $0xFFFF  }
0xc1: {  	[dreg:$0x0] =	wrdreg $0xFFFFFFFF;
	(pc) =	sbr.abs _section_cstart, $3  }
0xc2: {  	[dreg:$0x1] =	wrdreg $0xFFFFFFFF  }
0xc3: {  	_ =	task.clear_ibuf [dreg:s7], $0x2FFFF;
	_ =	strace $0x9FFFFFFF  }
0xc4: {  	(tm) =	ssettm $0x7FFFFFFF  }
0xc5: {  	_ =	shalt  }
tec
execute0_lowered:
.L_overlay_start_1:
0x0: {  	(tag) =	ssettag $0x1  }
0x1: {  	s5 =	rddreg [dreg:$0x0]  }
0x2: {  	s11 =	rddreg [dreg:$0x1]  }
0x3: {  	s2 =	rddreg [dreg:$0x2]  }
0x4: {  	s3 =	rddreg [dreg:$0x3]  }
0x5: {  	s4 =	srdreg.scid;
	s1 =	stileid.u32;
	s17 =	simm.s32 $0x1  }
0x6: {  	s18 =	simm.s32 $0x2;
	s19 =	simm.s32 $0x3;
	s20 =	simm.s32 $0x4  }
0x7: {  	s21 =	simm.s32 $0x80;
	s22 =	simm.s32 $0x4F00;
	s23 =	simm.s32 $0x5700  }
0x8: {  	s24 =	simm.s32 $0x2700;
	s28 =	simm.s32 $0x5;
	s29 =	simm.s32 $0x0  }
0x9: {  	s6 =	sand.u32 $0x1, s4;
	s4 =	simm.s32 $0x0;
	s8 =	smul.u32 $0x2710, s1  }
0xa: {  	s9 =	smul.u32 $0x2800, s1;
	s7 =	sshll.u32 s6, $0x4;
	[smem:$0x7FF] =	sst s4  }
0xb: {  	s13 =	ssub.s32 $0x2, s6;
	s31 =	smul.u32 $0x28000, s6;
	s7 =	sor.u32 s1, s7  }
0xc: {  	_ =	strace $0x8000004D;
	s10 =	sshrl.u32 s8, $0x3;
	s12 =	sshrl.u32 s9, $0x3  }
0xd: {  	s26 =	sshrl.u32 s13, $0x1;
	s15 =	sadd.s32 s9, s2;
	s16 =	sadd.s32 s8, s3  }
0xe: {  	s7 =	smul.u32 $0x4F0, s7;
	s10 =	sadd.s32 s10, s5;
	s25 =	sadd.s32 s12, s5  }
0xf: {  	s30 =	ssub.s32 s13, s26;
	s13 =	sadd.s32 s9, s31;
	s26 =	simm.s32 $0x4E80  }
0x10: {  	s6 =	sadd.s32 $0xDE00, s25;
	s8 =	sadd.s32 $0x4000, s10;
	s13 =	sshrl.u32 s13, $0x3  }
0x11: {  	s12 =	smax.u32 s30, $0x1;
	s25 =	simm.s32 $0x4E00;
	s14 =	sadd.s32 s7, s5  }
0x12: {  	s5 =	sshll.u32 s1, $0x6;
	s11 =	sadd.s32 s11, s13;
	s13 =	sshrl.u32 s15, $0x3  }
0x13: {  	s15 =	sshrl.u32 s16, $0x3;
	s16 =	simm.s32 $0x2780;
	s7 =	sor.u32 $0x1C01, s5  }
0x14: {  	s9 =	sadd.s32 $0x12E00, s14;
	s10 =	sadd.s32 $0x1CC00, s14;
	s14 =	sor.u32 $0x1C02, s5  }
.LBB2_1:
0x15: {  	[spmem:s13], [sflag:s7] =	dma.local [hbm:s6], $0x500  }
0x16: {  	[spmem:s15], [sflag:s14] =	dma.local [hbm:s8], $0x4E2  }
0x17: {  	[tilespmem:s4], [sflag:$0x3] =	stream.linear.gather [hbm4b:s9+s4], $0x2780, $0x38;
	[tilespmem:$0xAE10] =	vst v63  }
0x18: {  	_ = 	snop  }
0x19: {  	[tilespmem:s16], [sflag:$0x4] =	stream.linear.gather [hbm4b:s10+s4], $0x2780, $0x38;
	[tilespmem:$0xAE10] =	vst v63  }
0x1a: {  	_ =	swait.ge [sflag:s17], $0x500  }
0x1b: {  	[sflag:s17] =	ssyncset.done $0x0  }
0x1c: {  	[sflag:s17] =	ssyncadd.s32 $0xFFFFFB00  }
0x1d: {  	_ =	swait.ge [sflag:s18], $0x4E2  }
0x1e: {  	[sflag:s18] =	ssyncset.done $0x0  }
0x1f: {  	[sflag:s18] =	ssyncadd.s32 $0xFFFFFB1E  }
0x20: {  	_ =	swait.ge [sflag:s19], $0x2780  }
0x21: {  	[sflag:s19] =	ssyncset.done $0x0  }
0x22: {  	[sflag:s19] =	ssyncadd.s32 $0xFFFFD880  }
0x23: {  	_ =	swait.ge [sflag:s20], $0x2780  }
0x24: {  	[sflag:s20] =	ssyncset.done $0x0  }
0x25: {  	[sflag:s20] =	ssyncadd.s32 $0xFFFFD880  }
0x26: {  	[bflag:$0x0] =	sbarrier.arrive $0xFFFF  }
0x27: {  	[tilespmem:s22], [sflag:$0x1] =	stream.indirect.gather [spmem:s3], $0x10, s4, s21, $0xb8;
	[tilespmem:$0xAE10] =	vst v63  }
0x28: {  	_ = 	snop  }
0x29: {  	[tilespmem:s23], [sflag:$0x2] =	stream.indirect.gather [spmem:s3], $0x10, s21, s21, $0xb8;
	[tilespmem:$0xAE10] =	vst v63  }
0x2a: {  	_ =	swait.ge [sflag:s17], $0x800  }
0x2b: {  	[sflag:s17] =	ssyncset.done $0x0  }
0x2c: {  	[sflag:s17] =	ssyncadd.s32 $0xFFFFF800  }
0x2d: {  	[spmem:s2] =	stream.indirect.scatter.add.f32 [tilespmem:s22], [sflag:$0x3], $0x10, s16, s21, $0xb8;
	[tilespmem:$0xAE10] =	vst v63  }
0x2e: {  	_ =	swait.ge [sflag:s19], $0x800  }
0x2f: {  	[sflag:s19] =	ssyncset.done $0x0  }
0x30: {  	s30 =	simm.s32 $0x100;
	[sflag:s19] =	ssyncadd.s32 $0xFFFFF800  }
0x31: {  	[tilespmem:s22], [sflag:$0x1] =	stream.indirect.gather [spmem:s3], $0x10, s30, s21, $0xb8;
	[tilespmem:$0xAE10] =	vst v63  }
0x32: {  	_ =	swait.ge [sflag:s18], $0x800  }
0x33: {  	[sflag:s18] =	ssyncset.done $0x0  }
0x34: {  	s30 =	simm.s32 $0x2800;
	[sflag:s18] =	ssyncadd.s32 $0xFFFFF800  }
0x35: {  	[spmem:s2] =	stream.indirect.scatter.add.f32 [tilespmem:s23], [sflag:$0x4], $0x10, s30, s21, $0xb8;
	[tilespmem:$0xAE10] =	vst v63  }
0x36: {  	_ =	swait.ge [sflag:s20], $0x800  }
0x37: {  	[sflag:s20] =	ssyncset.done $0x0  }
0x38: {  	s30 =	simm.s32 $0x180;
	[sflag:s20] =	ssyncadd.s32 $0xFFFFF800  }
0x39: {  	[tilespmem:s23], [sflag:$0x2] =	stream.indirect.gather [spmem:s3], $0x10, s30, s21, $0xb8;
	[tilespmem:$0xAE10] =	vst v63  }
0x3a: {  	_ =	swait.ge [sflag:s17], $0x800  }
0x3b: {  	[sflag:s17] =	ssyncset.done $0x0  }
0x3c: {  	s31 =	simm.s32 $0x2880;
	s30 =	simm.s32 $0xFFFF6C00;
	[sflag:s17] =	ssyncadd.s32 $0xFFFFF800  }
.LBB2_2:
0x3d: {  	[spmem:s2] =	stream.indirect.scatter.add.f32 [tilespmem:s22], [sflag:$0x3], $0x10, s31, s21, $0xb8;
	[tilespmem:$0xAE10] =	vst v63  }
0x3e: {  	s31 =	smov.u32 s30  }
0x3f: {  	p0 =	sne.s32 s30, $0xFFFFFC00;
	s30 =	sadd.s32 $0x400, s30;
	_ =	swait.ge [sflag:s19], $0x800  }
0x40: {  	s31 =	sshra.s32 s31, $0x2;
	[sflag:s19] =	ssyncset.done $0x0  }
0x41: {  	s0 =	sadd.s32 $0x2700, s31;
	[sflag:s19] =	ssyncadd.s32 $0xFFFFF800  }
0x42: {  	[tilespmem:s22], [sflag:$0x1] =	stream.indirect.gather [spmem:s3], $0x10, s0, s21, $0xb8;
	[tilespmem:$0xAE10] =	vst v63  }
0x43: {  	_ =	swait.ge [sflag:s18], $0x800  }
0x44: {  	[sflag:s18] =	ssyncset.done $0x0  }
0x45: {  	s0 =	sadd.s32 $0x4E00, s31;
	[sflag:s18] =	ssyncadd.s32 $0xFFFFF800  }
0x46: {  	[spmem:s2] =	stream.indirect.scatter.add.f32 [tilespmem:s23], [sflag:$0x4], $0x10, s0, s21, $0xb8;
	[tilespmem:$0xAE10] =	vst v63  }
0x47: {  	_ =	swait.ge [sflag:s20], $0x800  }
0x48: {  	[sflag:s20] =	ssyncset.done $0x0  }
.Ltmp0:
0x49: {  	s0 =	sadd.s32 $0x2780, s31;
	[sflag:s20] =	ssyncadd.s32 $0xFFFFF800;
	(pc) =	sbr.rel @p0 .LBB2_2-.Ltmp0, $4  }
0x4a: {  	[tilespmem:s23], [sflag:$0x2] =	stream.indirect.gather [spmem:s3], $0x10, s0, s21, $0xb8;
	[tilespmem:$0xAE10] =	vst v63  }
0x4b: {  	_ =	swait.ge [sflag:s17], $0x800  }
0x4c: {  	[sflag:s17] =	ssyncset.done $0x0  }
0x4d: {  	s31 =	sadd.s32 $0x4E80, s31;
	[sflag:s17] =	ssyncadd.s32 $0xFFFFF800  }
0x4e: {  	[spmem:s2] =	stream.indirect.scatter.add.f32 [tilespmem:s22], [sflag:$0x3], $0x10, s31, s21, $0xb8;
	[tilespmem:$0xAE10] =	vst v63  }
0x4f: {  	_ =	swait.ge [sflag:s19], $0x800  }
0x50: {  	[sflag:s19] =	ssyncset.done $0x0  }
0x51: {  	[sflag:s19] =	ssyncadd.s32 $0xFFFFF800  }
0x52: {  	[tilespmem:s22], [sflag:$0x1] =	stream.indirect.gather [spmem:s3], $0x10, s24, s21, $0xb8;
	[tilespmem:$0xAE10] =	vst v63  }
0x53: {  	_ =	swait.ge [sflag:s18], $0x800  }
0x54: {  	[sflag:s18] =	ssyncset.done $0x0  }
0x55: {  	[sflag:s18] =	ssyncadd.s32 $0xFFFFF800  }
0x56: {  	[spmem:s2] =	stream.indirect.scatter.add.f32 [tilespmem:s23], [sflag:$0x4], $0x10, s25, s21, $0xb8;
	[tilespmem:$0xAE10] =	vst v63  }
0x57: {  	_ =	swait.ge [sflag:s20], $0x800  }
0x58: {  	[sflag:s20] =	ssyncset.done $0x0  }
0x59: {  	[sflag:s20] =	ssyncadd.s32 $0xFFFFF800  }
0x5a: {  	_ =	swait.ge [sflag:s17], $0x800  }
0x5b: {  	[sflag:s17] =	ssyncset.done $0x0  }
0x5c: {  	[sflag:s17] =	ssyncadd.s32 $0xFFFFF800  }
0x5d: {  	[spmem:s2] =	stream.indirect.scatter.add.f32 [tilespmem:s22], [sflag:$0x3], $0x10, s26, s21, $0xb8;
	[tilespmem:$0xAE10] =	vst v63  }
0x5e: {  	_ =	swait.ge [sflag:s19], $0x800  }
0x5f: {  	s29 =	sadd.s32 $0x1, s29;
	[sflag:s19] =	ssyncset.done $0x0  }
0x60: {  	p0 =	sne.s32 s29, s12;
	[sflag:s19] =	ssyncadd.s32 $0xFFFFF800  }
.Ltmp1:
0x61: {  	s0 =	sor.u32 $0x1C05, s5;
	[bflag:$0x0] =	sbarrier.arrive $0xFFFF;
	(pc) =	sbr.rel @p0 .LBB2_1-.Ltmp1, $4  }
0x62: {  	[hbm:s11], [sflag:s0] =	dma.local [spmem:s13], $0x500  }
0x63: {  	_ =	swait.ge [sflag:s28], $0x500  }
0x64: {  	[sflag:s28] =	ssyncset.done $0x0  }
0x65: {  	[sflag:s28] =	ssyncadd.s32 $0xFFFFFB00  }
0x66: {  	_ =	sfence.sel $0x180000  }
0x67: {  	[bflag:$0x0] =	sbarrier.arrive $0xFFFF  }
0x68: {  	_ =	strace $0x9000004D  }
0x69: {  	[bflag:$0x2] =	sbarrier.arrive $0xFFFF  }
0x6a: {  	p0 =	sne.s32 s1, $0x0;
	s0 =	rddreg [dreg:$0x4]  }
0x6b: {  	s0 =	sadd.s32 @!p0 $0x100000, s0  }
0x6c: {  	[sflag:s0] =	ssyncadd.tile.s32 @!p0 $0x1;
	_ =	shalt  }
.Lfunc_end2:
_tile_overlayer_lowered:
.L_overlay_start_2:
0x6d: {  	(tag) =	ssettag $0x2  }
0x6e: {  	s0 =	rddreg [dreg:$0x0];
	s2 =	stileid.u32  }
0x6f: {  	s1 =	rddreg [dreg:$0x1];
	p0 =	sne.s32 s2, $0x0  }
0x70: {  	s3 =	rddreg [dreg:$0x2];
	[bflag:$0x3] =	sbarrier.arrive $0xFFFF;
	s2 =	simm.s32 @!p0 $0x1C05  }
0x71: {  	[timem:s3], [sflag:s2] =	dma.local @!p0 [hbm:s0], s1  }
0x72: {  	s0 =	simm.s32 @!p0 $0x5  }
0x73: {  	_ =	swait.ge @!p0 [sflag:s0], s1  }
0x74: {  	s1 =	ssub.s32 @!p0 $0x0, s1;
	[sflag:s0] =	ssyncset.done @!p0 $0x0  }
0x75: {  	[sflag:s0] =	ssyncadd.s32 @!p0 s1  }
0x76: {  	[bflag:$0x3] =	sbarrier.arrive $0xFFFF  }
0x77: {  	_ =	shalt  }

// kernel: kernel.21.cloned.1.call-start
scs
__scs_entry_jumppad:
0x0: {  	(pc) =	sbr.rel $0x88, $3  }
0x1: {  	(tag) =	ssettag $0x0;
	lr =	simm.s32 $0x1  }
0x2: {  	[smem:$0x3F9B] =	sst lr;
	_ =	strace $0xD0000000  }
0x3: {  	_ = 	snop  }
0x4: {  	_ = 	snop  }
0x5: {  	_ = 	snop  }
0x6: {  	_ = 	snop  }
0x7: {  	_ = 	snop  }
__scs_overlays_trampoline_lowered:
0x8: {  	[smem:$0x3FAA] =	sst s0  }
0x9: {  	[smem:$0x3FAB] =	sst s1  }
0xa: {  	[smem:$0x3FAC] =	sst s2  }
0xb: {  	[smem:$0x3FAD] =	sst s3  }
0xc: {  	[smem:$0x3FAE] =	sst s4  }
0xd: {  	[smem:$0x3FAF] =	sst s5  }
0xe: {  	[smem:$0x3FB0] =	sst s6  }
0xf: {  	[smem:$0x3FB1] =	sst s7  }
0x10: {  	[smem:$0x3FB2] =	sst s8  }
0x11: {  	[smem:$0x3FB3] =	sst s9;
	s0 =	simm.s32 @!p0 $0x0  }
0x12: {  	s1 =	sld [smem:$0x3F99];
	s0 =	simm.s32 @p0 $0x1  }
0x13: {  	[smem:$0x3FB4] =	sst s0;
	s0 =	simm.s32 @!p1 $0x0  }
0x14: {  	s2 =	sld [smem:$0x3F98];
	s0 =	simm.s32 @p1 $0x1  }
0x15: {  	[smem:$0x3FB5] =	sst s0;
	s0 =	simm.s32 @!p2 $0x0  }
0x16: {  	s3 =	sld [smem:$0x3FDB];
	s0 =	simm.s32 @p2 $0x1  }
0x17: {  	s4 =	simm.s32 $0x1BF5;
	[smem:$0x3FB7] =	sst s0  }
0x18: {  	s0 =	sld [smem:$0x3F9A];
	_ =	swait.ge [sflag:s4], $0x0  }
0x19: {  	s7 =	sld [smem:$0x3F9B]  }
0x1a: {  	s8 =	sadd.s32 $0xFFFFE003, lr  }
0x1b: {  	s9 =	sadd.s32 $0xFFFFFEF7, lr;
	s5 =	simm.s32 $0xFFFFFFFF;
	p2 =	slt.u32 s8, $0xFFFFF086  }
0x1c: {  	p1 =	slt.u32 s9, $0xF7A;
	s5 =	simm.s32 @!p2 $0x0  }
0x1d: {  	s5 =	simm.s32 @p1 $0x1;
	p0 =	seq.s32 s7, s2  }
0x1e: {  	s7 =	smul.u32 @!p0 $0xF7A, s2;
	p2 =	seq.s32 @!p0 s5, $0x0  }
0x1f: {  	s9 =	smul.u32 $0xF7A, s1;
	s8 =	simm.s32 @!p0 $0x1BF5;
	p2 =	por !p2, p0  }
0x20: {  	[sflag:s8] =	ssyncset.s32 @!p0 $0xFFFFF086;
	s6 =	sadd.s32 @!p0 s3, s7;
	s7 =	simm.s32 @!p0 $0x108  }
0x21: {  	s3 =	sadd.s32 s3, s9;
	s6 =	sadd.s32 @!p0 $0x88, s6;
	s7 =	simm.s32 @p2 $0x1082  }
0x22: {  	[simem:s7], [sflag:s8] =	dma.local @!p0 [hbm:s6], $0xF7A  }
0x23: {  	s9 =	sor.u32 $0xD0000000, s2;
	s6 =	simm.s32 $0x108;
	_ =	swait.ge @!p0 [sflag:s8], $0x0  }
0x24: {  	s3 =	sadd.s32 $0x88, s3;
	s6 =	simm.s32 @!p1 $0x1082;
	[sflag:s4] =	ssyncset.s32 $0xFFFFF086  }
0x25: {  	[simem:s6], [sflag:s4] =	dma.local [hbm:s3], $0xF7A  }
0x26: {  	[smem:$0x3F9B] =	sst s1;
	(tag) =	ssettag s2;
	_ =	strace s9  }
0x27: {  	s1 =	sld [smem:$0x3FAB]  }
0x28: {  	s2 =	sld [smem:$0x3FAC]  }
0x29: {  	s4 =	sld [smem:$0x3FAE]  }
0x2a: {  	p0 =	seq.s32 s5, $0x0;
	s5 =	sld [smem:$0x3FAF]  }
0x2b: {  	s6 =	sld [smem:$0x3FB0]  }
0x2c: {  	s7 =	sld [smem:$0x3FB1]  }
0x2d: {  	s3 =	simm.s32 $0x108;
	s8 =	sld [smem:$0x3FB2]  }
0x2e: {  	s3 =	simm.s32 @!p0 $0x1082;
	s9 =	sld [smem:$0x3FB3]  }
0x2f: {  	lr =	sadd.s32 s0, s3;
	s0 =	sld [smem:$0x3FAA]  }
0x30: {  	s3 =	sld [smem:$0x3FAD]  }
0x31: {  	[smem:$0x3FB6] =	sst s10  }
0x32: {  	s10 =	sld [smem:$0x3FB4];
	_ =	sdelay $0x3  }
0x33: {  	p0 =	seq.s32 s10, $0x1;
	s10 =	sld [smem:$0x3FB6];
	_ =	sdelay $0x3  }
0x34: {  	[smem:$0x3FB6] =	sst s10  }
0x35: {  	s10 =	sld [smem:$0x3FB5];
	_ =	sdelay $0x3  }
0x36: {  	p1 =	seq.s32 s10, $0x1;
	s10 =	sld [smem:$0x3FB6];
	_ =	sdelay $0x3  }
0x37: {  	[smem:$0x3FB6] =	sst s10  }
0x38: {  	s10 =	sld [smem:$0x3FB7]  }
0x39: {  	_ = 	snop;
	(pc) =	sbr.ind lr, $3  }
0x3a: {  	_ = 	snop  }
0x3b: {  	_ = 	snop  }
0x3c: {  	p2 =	seq.s32 s10, $0x1;
	s10 =	sld [smem:$0x3FB6]  }
0x3d: {  	_ =	shalt  }
0x3e: {  	_ =	shalt  }
0x3f: {  	_ =	shalt  }
0x40: {  	_ =	shalt  }
0x41: {  	_ =	shalt  }
0x42: {  	_ =	shalt  }
0x43: {  	_ =	shalt  }
0x44: {  	_ =	shalt  }
0x45: {  	_ =	shalt  }
0x46: {  	_ =	shalt  }
0x47: {  	_ =	shalt  }
0x48: {  	_ =	shalt  }
0x49: {  	_ =	shalt  }
0x4a: {  	_ =	shalt  }
0x4b: {  	_ =	shalt  }
0x4c: {  	_ =	shalt  }
0x4d: {  	_ =	shalt  }
0x4e: {  	_ =	shalt  }
0x4f: {  	_ =	shalt  }
0x50: {  	_ =	shalt  }
0x51: {  	_ =	shalt  }
0x52: {  	_ =	shalt  }
0x53: {  	_ =	shalt  }
0x54: {  	_ =	shalt  }
0x55: {  	_ =	shalt  }
0x56: {  	_ =	shalt  }
0x57: {  	_ =	shalt  }
0x58: {  	_ =	shalt  }
0x59: {  	_ =	shalt  }
0x5a: {  	_ =	shalt  }
0x5b: {  	_ =	shalt  }
0x5c: {  	_ =	shalt  }
0x5d: {  	_ =	shalt  }
0x5e: {  	_ =	shalt  }
0x5f: {  	_ =	shalt  }
0x60: {  	_ =	shalt  }
0x61: {  	_ =	shalt  }
0x62: {  	_ =	shalt  }
0x63: {  	_ =	shalt  }
0x64: {  	_ =	shalt  }
0x65: {  	_ =	shalt  }
0x66: {  	_ =	shalt  }
0x67: {  	_ =	shalt  }
0x68: {  	_ =	shalt  }
0x69: {  	_ =	shalt  }
0x6a: {  	_ =	shalt  }
0x6b: {  	_ =	shalt  }
0x6c: {  	_ =	shalt  }
0x6d: {  	_ =	shalt  }
0x6e: {  	_ =	shalt  }
0x6f: {  	_ =	shalt  }
0x70: {  	_ =	shalt  }
0x71: {  	_ =	shalt  }
0x72: {  	_ =	shalt  }
0x73: {  	_ =	shalt  }
0x74: {  	_ =	shalt  }
0x75: {  	_ =	shalt  }
0x76: {  	_ =	shalt  }
0x77: {  	_ =	shalt  }
0x78: {  	_ =	shalt  }
0x79: {  	_ =	shalt  }
0x7a: {  	_ =	shalt  }
0x7b: {  	_ =	shalt  }
0x7c: {  	_ =	shalt  }
0x7d: {  	_ =	shalt  }
0x7e: {  	_ =	shalt  }
0x7f: {  	_ =	shalt  }
0x80: {  	_ =	shalt  }
0x81: {  	_ =	shalt  }
0x82: {  	_ =	shalt  }
0x83: {  	_ =	shalt  }
0x84: {  	_ =	shalt  }
0x85: {  	_ =	shalt  }
0x86: {  	_ =	shalt  }
0x87: {  	_ =	shalt  }
.Lfunc_end0:
.L_simem_size_0:
called_computation.3_lowered:
.L_overlay_start_0:
0x88: {  	s2 =	sld [smem:$0x3FD9]  }
0x89: {  	s3 =	sld [smem:$0x3FFE];
	_ =	sdelay $0x1  }
0x8a: {  	s1 =	srdreg.scid  }
0x8b: {  	s0 =	sand.u32 $0x1, s1  }
0x8c: {  	s17 =	sshll.u32 s0, $0xA;
	s2 =	sadd.s32 s3, s2  }
0x8d: {  	s2 =	sadd.s32 s2, s17  }
0x8e: {  	[smem:$0x3FC2] =	sst s2  }
0x8f: {  	_ = 	snop  }
0x90: {  	s2 =	sld [smem:$0x3FD0];
	(tm) =	ssettm $0x1  }
0x91: {  	s18 =	sld [smem:$0x3FFB];
	_ =	sdelay $0x3  }
0x92: {  	_ =	strace s18  }
0x93: {  	s3 =	sld [smem:$0x3FFC];
	_ =	sdelay $0x3  }
0x94: {  	_ =	strace s3  }
0x95: {  	s3 =	sld [smem:$0x3FFD];
	_ =	sdelay $0x3  }
0x96: {  	_ =	strace s3  }
0x97: {  	_ =	strace $0x8FFFFFFF  }
0x98: {  	s19 =	sld [smem:$0x3FDB];
	_ =	sdelay $0x1  }
0x99: {  	s4 =	simm.s32 $_scs_section_size  }
0x9a: {  	s5 =	simm.s32 $_size__tile_overlayer_lowered;
	s6 =	simm.s32 $_tile_overlayer_lowered  }
0x9b: {  	s22 =	simm.s32 $0x1BFF;
	s21 =	sshll.u32 s6, $0x1;
	s3 =	sadd.s32 s4, s19  }
0x9c: {  	s7 =	simm.s32 $0x0;
	s20 =	sshll.u32 s5, $0x1;
	s5 =	sadd.s32 s21, s3  }
0x9d: {  	[timem:s7], [sflag:s22] =	dma.local [hbm:s5], s20  }
0x9e: {  	_ =	swait.ge [sflag:s22], s20  }
0x9f: {  	s4 =	ssub.s32 $0x0, s20;
	[sflag:s22] =	ssyncset.done $0x0  }
0xa0: {  	[sflag:s22] =	ssyncadd.s32 s4;
	_ =	sdelay $0x1  }
0xa1: {  	s23 =	simm.s32 $0x1B8B  }
0xa2: {  	_ =	swait.ge [sflag:s23], $0x1  }
0xa3: {  	[sflag:s23] =	ssyncset.done $0x0  }
0xa4: {  	s25 =	simm.s32 $0x1B8E;
	s24 =	sld [smem:$0x3FFE];
	[sflag:s23] =	ssyncadd.s32 $0xFFFFFFFF  }
0xa5: {  	s26 =	simm.s32 $execute0_lowered;
	[smem:$0x3FD2] =	sst s25  }
0xa6: {  	s5 =	sshll.u32 s26, $0x1;
	_ =	strace $0x8000004F;
	[dreg:$0x1] =	wrdreg $0xFFFFFFFF  }
0xa7: {  	s28 =	simm.s32 $_size_execute0_lowered;
	s3 =	sadd.s32 s3, s5;
	[dreg:$0x0] =	wrdreg $0x0  }
0xa8: {  	s5 =	sshll.u32 s28, $0x1;
	[dreg:$0x2] =	wrdreg s3  }
0xa9: {  	[dreg:$0x3] =	wrdreg s5  }
0xaa: {  	[dreg:$0x4] =	wrdreg $0xC0  }
0xab: {  	_ =	task [dreg:s7], $0x5FFFF  }
0xac: {  	[dreg:$0x1] =	wrdreg $0xFFFFFFFF  }
0xad: {  	[dreg:$0x0] =	wrdreg $0x60  }
0xae: {  	[dreg:$0x2] =	wrdreg s24  }
0xaf: {  	[dreg:$0x3] =	wrdreg s2  }
0xb0: {  	[dreg:$0x4] =	wrdreg $0x5F000  }
0xb1: {  	[dreg:$0x5] =	wrdreg $0x87000  }
0xb2: {  	[dreg:$0x6] =	wrdreg $0x9  }
0xb3: {  	_ =	task.clear_ibuf [dreg:s7], $0x7FFFF;
	_ =	strace $0x9000004F  }
0xb4: {  	s29 =	simm.s32 $0x9;
	_ =	strace $0x80000051  }
0xb5: {  	_ =	swait.ge [sflag:s29], $0x1  }
0xb6: {  	[sflag:s29] =	ssyncadd.s32 $0xFFFFFFFF  }
0xb7: {  	_ =	strace $0x90000051  }
0xb8: {  	_ =	sfence  }
0xb9: {  	s30 =	sld [smem:$0x0];
	_ =	sdelay $0x2  }
0xba: {  	s31 =	sshll.u32 s1, $0xD;
	s1 =	sshrl.u32 s1, $0x2  }
0xbb: {  	s3 =	sand.u32 $0x4000, s31;
	s1 =	sadd.s32 s1, s30  }
0xbc: {  	s0 =	sor.u32 s3, s0;
	s1 =	sshll.u32 s1, $0x11  }
0xbd: {  	s0 =	sor.u32 s1, s0  }
0xbe: {  	s0 =	sadd.s32 $0x8F2B, s0  }
0xbf: {  	[sflag:s0] =	ssyncadd.remote.s32 $0x1  }
0xc0: {  	_ =	sfence.sel $0xFFFF  }
0xc1: {  	[dreg:$0x0] =	wrdreg $0xFFFFFFFF;
	(pc) =	sbr.abs _section_cstart, $3  }
0xc2: {  	[dreg:$0x1] =	wrdreg $0xFFFFFFFF  }
0xc3: {  	_ =	task.clear_ibuf [dreg:s7], $0x2FFFF;
	_ =	strace $0x9FFFFFFF  }
0xc4: {  	(tm) =	ssettm $0x7FFFFFFF  }
0xc5: {  	_ =	shalt  }
tec
execute0_lowered:
.L_overlay_start_1:
0x0: {  	(tag) =	ssettag $0x1  }
0x1: {  	s5 =	rddreg [dreg:$0x0]  }
0x2: {  	s11 =	rddreg [dreg:$0x1]  }
0x3: {  	s2 =	rddreg [dreg:$0x2]  }
0x4: {  	s3 =	rddreg [dreg:$0x3]  }
0x5: {  	s4 =	srdreg.scid;
	s1 =	stileid.u32;
	s17 =	simm.s32 $0x1  }
0x6: {  	s18 =	simm.s32 $0x2;
	s19 =	simm.s32 $0x3;
	s20 =	simm.s32 $0x4  }
0x7: {  	s21 =	simm.s32 $0x80;
	s22 =	simm.s32 $0x4F00;
	s23 =	simm.s32 $0x5700  }
0x8: {  	s24 =	simm.s32 $0x2700;
	s28 =	simm.s32 $0x5;
	s29 =	simm.s32 $0x0  }
0x9: {  	s6 =	sand.u32 $0x1, s4;
	s4 =	simm.s32 $0x0;
	s8 =	smul.u32 $0x2710, s1  }
0xa: {  	s9 =	smul.u32 $0x2800, s1;
	s7 =	sshll.u32 s6, $0x4;
	[smem:$0x7FF] =	sst s4  }
0xb: {  	s13 =	ssub.s32 $0x2, s6;
	s31 =	smul.u32 $0x28000, s6;
	s7 =	sor.u32 s1, s7  }
0xc: {  	_ =	strace $0x80000050;
	s10 =	sshrl.u32 s8, $0x3;
	s12 =	sshrl.u32 s9, $0x3  }
0xd: {  	s26 =	sshrl.u32 s13, $0x1;
	s15 =	sadd.s32 s9, s2;
	s16 =	sadd.s32 s8, s3  }
0xe: {  	s7 =	smul.u32 $0x4F0, s7;
	s10 =	sadd.s32 s10, s5;
	s25 =	sadd.s32 s12, s5  }
0xf: {  	s30 =	ssub.s32 s13, s26;
	s13 =	sadd.s32 s9, s31;
	s26 =	simm.s32 $0x4E80  }
0x10: {  	s6 =	sadd.s32 $0xDE00, s25;
	s8 =	sadd.s32 $0x4000, s10;
	s13 =	sshrl.u32 s13, $0x3  }
0x11: {  	s12 =	smax.u32 s30, $0x1;
	s25 =	simm.s32 $0x4E00;
	s14 =	sadd.s32 s7, s5  }
0x12: {  	s5 =	sshll.u32 s1, $0x6;
	s11 =	sadd.s32 s11, s13;
	s13 =	sshrl.u32 s15, $0x3  }
0x13: {  	s15 =	sshrl.u32 s16, $0x3;
	s16 =	simm.s32 $0x2780;
	s7 =	sor.u32 $0x1C01, s5  }
0x14: {  	s9 =	sadd.s32 $0x12E00, s14;
	s10 =	sadd.s32 $0x1CC00, s14;
	s14 =	sor.u32 $0x1C02, s5  }
.LBB2_1:
0x15: {  	[spmem:s13], [sflag:s7] =	dma.local [hbm:s6], $0x500  }
0x16: {  	[spmem:s15], [sflag:s14] =	dma.local [hbm:s8], $0x4E2  }
0x17: {  	[tilespmem:s4], [sflag:$0x3] =	stream.linear.gather [hbm4b:s9+s4], $0x2780, $0x38;
	[tilespmem:$0xAE10] =	vst v63  }
0x18: {  	_ = 	snop  }
0x19: {  	[tilespmem:s16], [sflag:$0x4] =	stream.linear.gather [hbm4b:s10+s4], $0x2780, $0x38;
	[tilespmem:$0xAE10] =	vst v63  }
0x1a: {  	_ =	swait.ge [sflag:s17], $0x500  }
0x1b: {  	[sflag:s17] =	ssyncset.done $0x0  }
0x1c: {  	[sflag:s17] =	ssyncadd.s32 $0xFFFFFB00  }
0x1d: {  	_ =	swait.ge [sflag:s18], $0x4E2  }
0x1e: {  	[sflag:s18] =	ssyncset.done $0x0  }
0x1f: {  	[sflag:s18] =	ssyncadd.s32 $0xFFFFFB1E  }
0x20: {  	_ =	swait.ge [sflag:s19], $0x2780  }
0x21: {  	[sflag:s19] =	ssyncset.done $0x0  }
0x22: {  	[sflag:s19] =	ssyncadd.s32 $0xFFFFD880  }
0x23: {  	_ =	swait.ge [sflag:s20], $0x2780  }
0x24: {  	[sflag:s20] =	ssyncset.done $0x0  }
0x25: {  	[sflag:s20] =	ssyncadd.s32 $0xFFFFD880  }
0x26: {  	[bflag:$0x0] =	sbarrier.arrive $0xFFFF  }
0x27: {  	[tilespmem:s22], [sflag:$0x1] =	stream.indirect.gather [spmem:s3], $0x10, s4, s21, $0xb8;
	[tilespmem:$0xAE10] =	vst v63  }
0x28: {  	_ = 	snop  }
0x29: {  	[tilespmem:s23], [sflag:$0x2] =	stream.indirect.gather [spmem:s3], $0x10, s21, s21, $0xb8;
	[tilespmem:$0xAE10] =	vst v63  }
0x2a: {  	_ =	swait.ge [sflag:s17], $0x800  }
0x2b: {  	[sflag:s17] =	ssyncset.done $0x0  }
0x2c: {  	[sflag:s17] =	ssyncadd.s32 $0xFFFFF800  }
0x2d: {  	[spmem:s2] =	stream.indirect.scatter.add.f32 [tilespmem:s22], [sflag:$0x3], $0x10, s16, s21, $0xb8;
	[tilespmem:$0xAE10] =	vst v63  }
0x2e: {  	_ =	swait.ge [sflag:s19], $0x800  }
0x2f: {  	[sflag:s19] =	ssyncset.done $0x0  }
0x30: {  	s30 =	simm.s32 $0x100;
	[sflag:s19] =	ssyncadd.s32 $0xFFFFF800  }
0x31: {  	[tilespmem:s22], [sflag:$0x1] =	stream.indirect.gather [spmem:s3], $0x10, s30, s21, $0xb8;
	[tilespmem:$0xAE10] =	vst v63  }
0x32: {  	_ =	swait.ge [sflag:s18], $0x800  }
0x33: {  	[sflag:s18] =	ssyncset.done $0x0  }
0x34: {  	s30 =	simm.s32 $0x2800;
	[sflag:s18] =	ssyncadd.s32 $0xFFFFF800  }
0x35: {  	[spmem:s2] =	stream.indirect.scatter.add.f32 [tilespmem:s23], [sflag:$0x4], $0x10, s30, s21, $0xb8;
	[tilespmem:$0xAE10] =	vst v63  }
0x36: {  	_ =	swait.ge [sflag:s20], $0x800  }
0x37: {  	[sflag:s20] =	ssyncset.done $0x0  }
0x38: {  	s30 =	simm.s32 $0x180;
	[sflag:s20] =	ssyncadd.s32 $0xFFFFF800  }
0x39: {  	[tilespmem:s23], [sflag:$0x2] =	stream.indirect.gather [spmem:s3], $0x10, s30, s21, $0xb8;
	[tilespmem:$0xAE10] =	vst v63  }
0x3a: {  	_ =	swait.ge [sflag:s17], $0x800  }
0x3b: {  	[sflag:s17] =	ssyncset.done $0x0  }
0x3c: {  	s31 =	simm.s32 $0x2880;
	s30 =	simm.s32 $0xFFFF6C00;
	[sflag:s17] =	ssyncadd.s32 $0xFFFFF800  }
.LBB2_2:
0x3d: {  	[spmem:s2] =	stream.indirect.scatter.add.f32 [tilespmem:s22], [sflag:$0x3], $0x10, s31, s21, $0xb8;
	[tilespmem:$0xAE10] =	vst v63  }
0x3e: {  	s31 =	smov.u32 s30  }
0x3f: {  	p0 =	sne.s32 s30, $0xFFFFFC00;
	s30 =	sadd.s32 $0x400, s30;
	_ =	swait.ge [sflag:s19], $0x800  }
0x40: {  	s31 =	sshra.s32 s31, $0x2;
	[sflag:s19] =	ssyncset.done $0x0  }
0x41: {  	s0 =	sadd.s32 $0x2700, s31;
	[sflag:s19] =	ssyncadd.s32 $0xFFFFF800  }
0x42: {  	[tilespmem:s22], [sflag:$0x1] =	stream.indirect.gather [spmem:s3], $0x10, s0, s21, $0xb8;
	[tilespmem:$0xAE10] =	vst v63  }
0x43: {  	_ =	swait.ge [sflag:s18], $0x800  }
0x44: {  	[sflag:s18] =	ssyncset.done $0x0  }
0x45: {  	s0 =	sadd.s32 $0x4E00, s31;
	[sflag:s18] =	ssyncadd.s32 $0xFFFFF800  }
0x46: {  	[spmem:s2] =	stream.indirect.scatter.add.f32 [tilespmem:s23], [sflag:$0x4], $0x10, s0, s21, $0xb8;
	[tilespmem:$0xAE10] =	vst v63  }
0x47: {  	_ =	swait.ge [sflag:s20], $0x800  }
0x48: {  	[sflag:s20] =	ssyncset.done $0x0  }
.Ltmp0:
0x49: {  	s0 =	sadd.s32 $0x2780, s31;
	[sflag:s20] =	ssyncadd.s32 $0xFFFFF800;
	(pc) =	sbr.rel @p0 .LBB2_2-.Ltmp0, $4  }
0x4a: {  	[tilespmem:s23], [sflag:$0x2] =	stream.indirect.gather [spmem:s3], $0x10, s0, s21, $0xb8;
	[tilespmem:$0xAE10] =	vst v63  }
0x4b: {  	_ =	swait.ge [sflag:s17], $0x800  }
0x4c: {  	[sflag:s17] =	ssyncset.done $0x0  }
0x4d: {  	s31 =	sadd.s32 $0x4E80, s31;
	[sflag:s17] =	ssyncadd.s32 $0xFFFFF800  }
0x4e: {  	[spmem:s2] =	stream.indirect.scatter.add.f32 [tilespmem:s22], [sflag:$0x3], $0x10, s31, s21, $0xb8;
	[tilespmem:$0xAE10] =	vst v63  }
0x4f: {  	_ =	swait.ge [sflag:s19], $0x800  }
0x50: {  	[sflag:s19] =	ssyncset.done $0x0  }
0x51: {  	[sflag:s19] =	ssyncadd.s32 $0xFFFFF800  }
0x52: {  	[tilespmem:s22], [sflag:$0x1] =	stream.indirect.gather [spmem:s3], $0x10, s24, s21, $0xb8;
	[tilespmem:$0xAE10] =	vst v63  }
0x53: {  	_ =	swait.ge [sflag:s18], $0x800  }
0x54: {  	[sflag:s18] =	ssyncset.done $0x0  }
0x55: {  	[sflag:s18] =	ssyncadd.s32 $0xFFFFF800  }
0x56: {  	[spmem:s2] =	stream.indirect.scatter.add.f32 [tilespmem:s23], [sflag:$0x4], $0x10, s25, s21, $0xb8;
	[tilespmem:$0xAE10] =	vst v63  }
0x57: {  	_ =	swait.ge [sflag:s20], $0x800  }
0x58: {  	[sflag:s20] =	ssyncset.done $0x0  }
0x59: {  	[sflag:s20] =	ssyncadd.s32 $0xFFFFF800  }
0x5a: {  	_ =	swait.ge [sflag:s17], $0x800  }
0x5b: {  	[sflag:s17] =	ssyncset.done $0x0  }
0x5c: {  	[sflag:s17] =	ssyncadd.s32 $0xFFFFF800  }
0x5d: {  	[spmem:s2] =	stream.indirect.scatter.add.f32 [tilespmem:s22], [sflag:$0x3], $0x10, s26, s21, $0xb8;
	[tilespmem:$0xAE10] =	vst v63  }
0x5e: {  	_ =	swait.ge [sflag:s19], $0x800  }
0x5f: {  	s29 =	sadd.s32 $0x1, s29;
	[sflag:s19] =	ssyncset.done $0x0  }
0x60: {  	p0 =	sne.s32 s29, s12;
	[sflag:s19] =	ssyncadd.s32 $0xFFFFF800  }
.Ltmp1:
0x61: {  	s0 =	sor.u32 $0x1C05, s5;
	[bflag:$0x0] =	sbarrier.arrive $0xFFFF;
	(pc) =	sbr.rel @p0 .LBB2_1-.Ltmp1, $4  }
0x62: {  	[hbm:s11], [sflag:s0] =	dma.local [spmem:s13], $0x500  }
0x63: {  	_ =	swait.ge [sflag:s28], $0x500  }
0x64: {  	[sflag:s28] =	ssyncset.done $0x0  }
0x65: {  	[sflag:s28] =	ssyncadd.s32 $0xFFFFFB00  }
0x66: {  	_ =	sfence.sel $0x180000  }
0x67: {  	[bflag:$0x0] =	sbarrier.arrive $0xFFFF  }
0x68: {  	_ =	strace $0x90000050  }
0x69: {  	[bflag:$0x2] =	sbarrier.arrive $0xFFFF  }
0x6a: {  	p0 =	sne.s32 s1, $0x0;
	s0 =	rddreg [dreg:$0x4]  }
0x6b: {  	s0 =	sadd.s32 @!p0 $0x100000, s0  }
0x6c: {  	[sflag:s0] =	ssyncadd.tile.s32 @!p0 $0x1;
	_ =	shalt  }
.Lfunc_end2:
_tile_overlayer_lowered:
.L_overlay_start_2:
0x6d: {  	(tag) =	ssettag $0x2  }
0x6e: {  	s0 =	rddreg [dreg:$0x0];
	s2 =	stileid.u32  }
0x6f: {  	s1 =	rddreg [dreg:$0x1];
	p0 =	sne.s32 s2, $0x0  }
0x70: {  	s3 =	rddreg [dreg:$0x2];
	[bflag:$0x3] =	sbarrier.arrive $0xFFFF;
	s2 =	simm.s32 @!p0 $0x1C05  }
0x71: {  	[timem:s3], [sflag:s2] =	dma.local @!p0 [hbm:s0], s1  }
0x72: {  	s0 =	simm.s32 @!p0 $0x5  }
0x73: {  	_ =	swait.ge @!p0 [sflag:s0], s1  }
0x74: {  	s1 =	ssub.s32 @!p0 $0x0, s1;
	[sflag:s0] =	ssyncset.done @!p0 $0x0  }
0x75: {  	[sflag:s0] =	ssyncadd.s32 @!p0 s1  }
0x76: {  	[bflag:$0x3] =	sbarrier.arrive $0xFFFF  }
0x77: {  	_ =	shalt  }

// kernel: kernel.24.cloned.1.call-start
scs
__scs_entry_jumppad:
0x0: {  	(pc) =	sbr.rel $0x88, $3  }
0x1: {  	(tag) =	ssettag $0x0;
	lr =	simm.s32 $0x1  }
0x2: {  	[smem:$0x3F9B] =	sst lr;
	_ =	strace $0xD0000000  }
0x3: {  	_ = 	snop  }
0x4: {  	_ = 	snop  }
0x5: {  	_ = 	snop  }
0x6: {  	_ = 	snop  }
0x7: {  	_ = 	snop  }
__scs_overlays_trampoline_lowered:
0x8: {  	[smem:$0x3FAA] =	sst s0  }
0x9: {  	[smem:$0x3FAB] =	sst s1  }
0xa: {  	[smem:$0x3FAC] =	sst s2  }
0xb: {  	[smem:$0x3FAD] =	sst s3  }
0xc: {  	[smem:$0x3FAE] =	sst s4  }
0xd: {  	[smem:$0x3FAF] =	sst s5  }
0xe: {  	[smem:$0x3FB0] =	sst s6  }
0xf: {  	[smem:$0x3FB1] =	sst s7  }
0x10: {  	[smem:$0x3FB2] =	sst s8  }
0x11: {  	[smem:$0x3FB3] =	sst s9;
	s0 =	simm.s32 @!p0 $0x0  }
0x12: {  	s1 =	sld [smem:$0x3F99];
	s0 =	simm.s32 @p0 $0x1  }
0x13: {  	[smem:$0x3FB4] =	sst s0;
	s0 =	simm.s32 @!p1 $0x0  }
0x14: {  	s2 =	sld [smem:$0x3F98];
	s0 =	simm.s32 @p1 $0x1  }
0x15: {  	[smem:$0x3FB5] =	sst s0;
	s0 =	simm.s32 @!p2 $0x0  }
0x16: {  	s3 =	sld [smem:$0x3FDB];
	s0 =	simm.s32 @p2 $0x1  }
0x17: {  	s4 =	simm.s32 $0x1BF5;
	[smem:$0x3FB7] =	sst s0  }
0x18: {  	s0 =	sld [smem:$0x3F9A];
	_ =	swait.ge [sflag:s4], $0x0  }
0x19: {  	s7 =	sld [smem:$0x3F9B]  }
0x1a: {  	s8 =	sadd.s32 $0xFFFFE003, lr  }
0x1b: {  	s9 =	sadd.s32 $0xFFFFFEF7, lr;
	s5 =	simm.s32 $0xFFFFFFFF;
	p2 =	slt.u32 s8, $0xFFFFF086  }
0x1c: {  	p1 =	slt.u32 s9, $0xF7A;
	s5 =	simm.s32 @!p2 $0x0  }
0x1d: {  	s5 =	simm.s32 @p1 $0x1;
	p0 =	seq.s32 s7, s2  }
0x1e: {  	s7 =	smul.u32 @!p0 $0xF7A, s2;
	p2 =	seq.s32 @!p0 s5, $0x0  }
0x1f: {  	s9 =	smul.u32 $0xF7A, s1;
	s8 =	simm.s32 @!p0 $0x1BF5;
	p2 =	por !p2, p0  }
0x20: {  	[sflag:s8] =	ssyncset.s32 @!p0 $0xFFFFF086;
	s6 =	sadd.s32 @!p0 s3, s7;
	s7 =	simm.s32 @!p0 $0x108  }
0x21: {  	s3 =	sadd.s32 s3, s9;
	s6 =	sadd.s32 @!p0 $0x88, s6;
	s7 =	simm.s32 @p2 $0x1082  }
0x22: {  	[simem:s7], [sflag:s8] =	dma.local @!p0 [hbm:s6], $0xF7A  }
0x23: {  	s9 =	sor.u32 $0xD0000000, s2;
	s6 =	simm.s32 $0x108;
	_ =	swait.ge @!p0 [sflag:s8], $0x0  }
0x24: {  	s3 =	sadd.s32 $0x88, s3;
	s6 =	simm.s32 @!p1 $0x1082;
	[sflag:s4] =	ssyncset.s32 $0xFFFFF086  }
0x25: {  	[simem:s6], [sflag:s4] =	dma.local [hbm:s3], $0xF7A  }
0x26: {  	[smem:$0x3F9B] =	sst s1;
	(tag) =	ssettag s2;
	_ =	strace s9  }
0x27: {  	s1 =	sld [smem:$0x3FAB]  }
0x28: {  	s2 =	sld [smem:$0x3FAC]  }
0x29: {  	s4 =	sld [smem:$0x3FAE]  }
0x2a: {  	p0 =	seq.s32 s5, $0x0;
	s5 =	sld [smem:$0x3FAF]  }
0x2b: {  	s6 =	sld [smem:$0x3FB0]  }
0x2c: {  	s7 =	sld [smem:$0x3FB1]  }
0x2d: {  	s3 =	simm.s32 $0x108;
	s8 =	sld [smem:$0x3FB2]  }
0x2e: {  	s3 =	simm.s32 @!p0 $0x1082;
	s9 =	sld [smem:$0x3FB3]  }
0x2f: {  	lr =	sadd.s32 s0, s3;
	s0 =	sld [smem:$0x3FAA]  }
0x30: {  	s3 =	sld [smem:$0x3FAD]  }
0x31: {  	[smem:$0x3FB6] =	sst s10  }
0x32: {  	s10 =	sld [smem:$0x3FB4];
	_ =	sdelay $0x3  }
0x33: {  	p0 =	seq.s32 s10, $0x1;
	s10 =	sld [smem:$0x3FB6];
	_ =	sdelay $0x3  }
0x34: {  	[smem:$0x3FB6] =	sst s10  }
0x35: {  	s10 =	sld [smem:$0x3FB5];
	_ =	sdelay $0x3  }
0x36: {  	p1 =	seq.s32 s10, $0x1;
	s10 =	sld [smem:$0x3FB6];
	_ =	sdelay $0x3  }
0x37: {  	[smem:$0x3FB6] =	sst s10  }
0x38: {  	s10 =	sld [smem:$0x3FB7]  }
0x39: {  	_ = 	snop;
	(pc) =	sbr.ind lr, $3  }
0x3a: {  	_ = 	snop  }
0x3b: {  	_ = 	snop  }
0x3c: {  	p2 =	seq.s32 s10, $0x1;
	s10 =	sld [smem:$0x3FB6]  }
0x3d: {  	_ =	shalt  }
0x3e: {  	_ =	shalt  }
0x3f: {  	_ =	shalt  }
0x40: {  	_ =	shalt  }
0x41: {  	_ =	shalt  }
0x42: {  	_ =	shalt  }
0x43: {  	_ =	shalt  }
0x44: {  	_ =	shalt  }
0x45: {  	_ =	shalt  }
0x46: {  	_ =	shalt  }
0x47: {  	_ =	shalt  }
0x48: {  	_ =	shalt  }
0x49: {  	_ =	shalt  }
0x4a: {  	_ =	shalt  }
0x4b: {  	_ =	shalt  }
0x4c: {  	_ =	shalt  }
0x4d: {  	_ =	shalt  }
0x4e: {  	_ =	shalt  }
0x4f: {  	_ =	shalt  }
0x50: {  	_ =	shalt  }
0x51: {  	_ =	shalt  }
0x52: {  	_ =	shalt  }
0x53: {  	_ =	shalt  }
0x54: {  	_ =	shalt  }
0x55: {  	_ =	shalt  }
0x56: {  	_ =	shalt  }
0x57: {  	_ =	shalt  }
0x58: {  	_ =	shalt  }
0x59: {  	_ =	shalt  }
0x5a: {  	_ =	shalt  }
0x5b: {  	_ =	shalt  }
0x5c: {  	_ =	shalt  }
0x5d: {  	_ =	shalt  }
0x5e: {  	_ =	shalt  }
0x5f: {  	_ =	shalt  }
0x60: {  	_ =	shalt  }
0x61: {  	_ =	shalt  }
0x62: {  	_ =	shalt  }
0x63: {  	_ =	shalt  }
0x64: {  	_ =	shalt  }
0x65: {  	_ =	shalt  }
0x66: {  	_ =	shalt  }
0x67: {  	_ =	shalt  }
0x68: {  	_ =	shalt  }
0x69: {  	_ =	shalt  }
0x6a: {  	_ =	shalt  }
0x6b: {  	_ =	shalt  }
0x6c: {  	_ =	shalt  }
0x6d: {  	_ =	shalt  }
0x6e: {  	_ =	shalt  }
0x6f: {  	_ =	shalt  }
0x70: {  	_ =	shalt  }
0x71: {  	_ =	shalt  }
0x72: {  	_ =	shalt  }
0x73: {  	_ =	shalt  }
0x74: {  	_ =	shalt  }
0x75: {  	_ =	shalt  }
0x76: {  	_ =	shalt  }
0x77: {  	_ =	shalt  }
0x78: {  	_ =	shalt  }
0x79: {  	_ =	shalt  }
0x7a: {  	_ =	shalt  }
0x7b: {  	_ =	shalt  }
0x7c: {  	_ =	shalt  }
0x7d: {  	_ =	shalt  }
0x7e: {  	_ =	shalt  }
0x7f: {  	_ =	shalt  }
0x80: {  	_ =	shalt  }
0x81: {  	_ =	shalt  }
0x82: {  	_ =	shalt  }
0x83: {  	_ =	shalt  }
0x84: {  	_ =	shalt  }
0x85: {  	_ =	shalt  }
0x86: {  	_ =	shalt  }
0x87: {  	_ =	shalt  }
.Lfunc_end0:
.L_simem_size_0:
called_computation.4_lowered:
.L_overlay_start_0:
0x88: {  	s2 =	sld [smem:$0x3FD9]  }
0x89: {  	s3 =	sld [smem:$0x3FFE];
	_ =	sdelay $0x1  }
0x8a: {  	s1 =	srdreg.scid  }
0x8b: {  	s0 =	sand.u32 $0x1, s1  }
0x8c: {  	s17 =	sshll.u32 s0, $0xA;
	s2 =	sadd.s32 s3, s2  }
0x8d: {  	s2 =	sadd.s32 s2, s17  }
0x8e: {  	[smem:$0x3FC2] =	sst s2  }
0x8f: {  	_ = 	snop  }
0x90: {  	s2 =	sld [smem:$0x3FD0];
	(tm) =	ssettm $0x1  }
0x91: {  	s18 =	sld [smem:$0x3FFB];
	_ =	sdelay $0x3  }
0x92: {  	_ =	strace s18  }
0x93: {  	s3 =	sld [smem:$0x3FFC];
	_ =	sdelay $0x3  }
0x94: {  	_ =	strace s3  }
0x95: {  	s3 =	sld [smem:$0x3FFD];
	_ =	sdelay $0x3  }
0x96: {  	_ =	strace s3  }
0x97: {  	_ =	strace $0x8FFFFFFF  }
0x98: {  	s19 =	sld [smem:$0x3FDB];
	_ =	sdelay $0x1  }
0x99: {  	s4 =	simm.s32 $_scs_section_size  }
0x9a: {  	s5 =	simm.s32 $_size__tile_overlayer_lowered;
	s6 =	simm.s32 $_tile_overlayer_lowered  }
0x9b: {  	s22 =	simm.s32 $0x1BFF;
	s21 =	sshll.u32 s6, $0x1;
	s3 =	sadd.s32 s4, s19  }
0x9c: {  	s7 =	simm.s32 $0x0;
	s20 =	sshll.u32 s5, $0x1;
	s5 =	sadd.s32 s21, s3  }
0x9d: {  	[timem:s7], [sflag:s22] =	dma.local [hbm:s5], s20  }
0x9e: {  	_ =	swait.ge [sflag:s22], s20  }
0x9f: {  	s4 =	ssub.s32 $0x0, s20;
	[sflag:s22] =	ssyncset.done $0x0  }
0xa0: {  	[sflag:s22] =	ssyncadd.s32 s4;
	_ =	sdelay $0x1  }
0xa1: {  	s23 =	simm.s32 $0x1B8B  }
0xa2: {  	_ =	swait.ge [sflag:s23], $0x1  }
0xa3: {  	[sflag:s23] =	ssyncset.done $0x0  }
0xa4: {  	s25 =	simm.s32 $0x1B8E;
	s24 =	sld [smem:$0x3FFE];
	[sflag:s23] =	ssyncadd.s32 $0xFFFFFFFF  }
0xa5: {  	s26 =	simm.s32 $execute0_lowered;
	[smem:$0x3FD2] =	sst s25  }
0xa6: {  	s5 =	sshll.u32 s26, $0x1;
	_ =	strace $0x80000052;
	[dreg:$0x1] =	wrdreg $0xFFFFFFFF  }
0xa7: {  	s28 =	simm.s32 $_size_execute0_lowered;
	s3 =	sadd.s32 s3, s5;
	[dreg:$0x0] =	wrdreg $0x0  }
0xa8: {  	s5 =	sshll.u32 s28, $0x1;
	[dreg:$0x2] =	wrdreg s3  }
0xa9: {  	[dreg:$0x3] =	wrdreg s5  }
0xaa: {  	[dreg:$0x4] =	wrdreg $0xC0  }
0xab: {  	_ =	task [dreg:s7], $0x5FFFF  }
0xac: {  	[dreg:$0x1] =	wrdreg $0xFFFFFFFF  }
0xad: {  	[dreg:$0x0] =	wrdreg $0x60  }
0xae: {  	[dreg:$0x2] =	wrdreg s24  }
0xaf: {  	[dreg:$0x3] =	wrdreg s2  }
0xb0: {  	[dreg:$0x4] =	wrdreg $0x5F000  }
0xb1: {  	[dreg:$0x5] =	wrdreg $0x87000  }
0xb2: {  	[dreg:$0x6] =	wrdreg $0x9  }
0xb3: {  	_ =	task.clear_ibuf [dreg:s7], $0x7FFFF;
	_ =	strace $0x90000052  }
0xb4: {  	s29 =	simm.s32 $0x9;
	_ =	strace $0x80000054  }
0xb5: {  	_ =	swait.ge [sflag:s29], $0x1  }
0xb6: {  	[sflag:s29] =	ssyncadd.s32 $0xFFFFFFFF  }
0xb7: {  	_ =	strace $0x90000054  }
0xb8: {  	_ =	sfence  }
0xb9: {  	s30 =	sld [smem:$0x0];
	_ =	sdelay $0x2  }
0xba: {  	s31 =	sshll.u32 s1, $0xD;
	s1 =	sshrl.u32 s1, $0x2  }
0xbb: {  	s3 =	sand.u32 $0x4000, s31;
	s1 =	sadd.s32 s1, s30  }
0xbc: {  	s0 =	sor.u32 s3, s0;
	s1 =	sshll.u32 s1, $0x11  }
0xbd: {  	s0 =	sor.u32 s1, s0  }
0xbe: {  	s0 =	sadd.s32 $0x8F2B, s0  }
0xbf: {  	[sflag:s0] =	ssyncadd.remote.s32 $0x1  }
0xc0: {  	_ =	sfence.sel $0xFFFF  }
0xc1: {  	[dreg:$0x0] =	wrdreg $0xFFFFFFFF;
	(pc) =	sbr.abs _section_cstart, $3  }
0xc2: {  	[dreg:$0x1] =	wrdreg $0xFFFFFFFF  }
0xc3: {  	_ =	task.clear_ibuf [dreg:s7], $0x2FFFF;
	_ =	strace $0x9FFFFFFF  }
0xc4: {  	(tm) =	ssettm $0x7FFFFFFF  }
0xc5: {  	_ =	shalt  }
tec
execute0_lowered:
.L_overlay_start_1:
0x0: {  	(tag) =	ssettag $0x1  }
0x1: {  	s5 =	rddreg [dreg:$0x0]  }
0x2: {  	s11 =	rddreg [dreg:$0x1]  }
0x3: {  	s2 =	rddreg [dreg:$0x2]  }
0x4: {  	s3 =	rddreg [dreg:$0x3]  }
0x5: {  	s4 =	srdreg.scid;
	s1 =	stileid.u32;
	s17 =	simm.s32 $0x1  }
0x6: {  	s18 =	simm.s32 $0x2;
	s19 =	simm.s32 $0x3;
	s20 =	simm.s32 $0x4  }
0x7: {  	s21 =	simm.s32 $0x80;
	s22 =	simm.s32 $0x4F00;
	s23 =	simm.s32 $0x5700  }
0x8: {  	s24 =	simm.s32 $0x2700;
	s28 =	simm.s32 $0x5;
	s29 =	simm.s32 $0x0  }
0x9: {  	s6 =	sand.u32 $0x1, s4;
	s4 =	simm.s32 $0x0;
	s8 =	smul.u32 $0x2710, s1  }
0xa: {  	s9 =	smul.u32 $0x2800, s1;
	s7 =	sshll.u32 s6, $0x4;
	[smem:$0x7FF] =	sst s4  }
0xb: {  	s13 =	ssub.s32 $0x2, s6;
	s31 =	smul.u32 $0x28000, s6;
	s7 =	sor.u32 s1, s7  }
0xc: {  	_ =	strace $0x80000053;
	s10 =	sshrl.u32 s8, $0x3;
	s12 =	sshrl.u32 s9, $0x3  }
0xd: {  	s26 =	sshrl.u32 s13, $0x1;
	s15 =	sadd.s32 s9, s2;
	s16 =	sadd.s32 s8, s3  }
0xe: {  	s7 =	smul.u32 $0x4F0, s7;
	s10 =	sadd.s32 s10, s5;
	s25 =	sadd.s32 s12, s5  }
0xf: {  	s30 =	ssub.s32 s13, s26;
	s13 =	sadd.s32 s9, s31;
	s26 =	simm.s32 $0x4E80  }
0x10: {  	s6 =	sadd.s32 $0xDE00, s25;
	s8 =	sadd.s32 $0x4000, s10;
	s13 =	sshrl.u32 s13, $0x3  }
0x11: {  	s12 =	smax.u32 s30, $0x1;
	s25 =	simm.s32 $0x4E00;
	s14 =	sadd.s32 s7, s5  }
0x12: {  	s5 =	sshll.u32 s1, $0x6;
	s11 =	sadd.s32 s11, s13;
	s13 =	sshrl.u32 s15, $0x3  }
0x13: {  	s15 =	sshrl.u32 s16, $0x3;
	s16 =	simm.s32 $0x2780;
	s7 =	sor.u32 $0x1C01, s5  }
0x14: {  	s9 =	sadd.s32 $0x12E00, s14;
	s10 =	sadd.s32 $0x1CC00, s14;
	s14 =	sor.u32 $0x1C02, s5  }
.LBB2_1:
0x15: {  	[spmem:s13], [sflag:s7] =	dma.local [hbm:s6], $0x500  }
0x16: {  	[spmem:s15], [sflag:s14] =	dma.local [hbm:s8], $0x4E2  }
0x17: {  	[tilespmem:s4], [sflag:$0x3] =	stream.linear.gather [hbm4b:s9+s4], $0x2780, $0x38;
	[tilespmem:$0xAE10] =	vst v63  }
0x18: {  	_ = 	snop  }
0x19: {  	[tilespmem:s16], [sflag:$0x4] =	stream.linear.gather [hbm4b:s10+s4], $0x2780, $0x38;
	[tilespmem:$0xAE10] =	vst v63  }
0x1a: {  	_ =	swait.ge [sflag:s17], $0x500  }
0x1b: {  	[sflag:s17] =	ssyncset.done $0x0  }
0x1c: {  	[sflag:s17] =	ssyncadd.s32 $0xFFFFFB00  }
0x1d: {  	_ =	swait.ge [sflag:s18], $0x4E2  }
0x1e: {  	[sflag:s18] =	ssyncset.done $0x0  }
0x1f: {  	[sflag:s18] =	ssyncadd.s32 $0xFFFFFB1E  }
0x20: {  	_ =	swait.ge [sflag:s19], $0x2780  }
0x21: {  	[sflag:s19] =	ssyncset.done $0x0  }
0x22: {  	[sflag:s19] =	ssyncadd.s32 $0xFFFFD880  }
0x23: {  	_ =	swait.ge [sflag:s20], $0x2780  }
0x24: {  	[sflag:s20] =	ssyncset.done $0x0  }
0x25: {  	[sflag:s20] =	ssyncadd.s32 $0xFFFFD880  }
0x26: {  	[bflag:$0x0] =	sbarrier.arrive $0xFFFF  }
0x27: {  	[tilespmem:s22], [sflag:$0x1] =	stream.indirect.gather [spmem:s3], $0x10, s4, s21, $0xb8;
	[tilespmem:$0xAE10] =	vst v63  }
0x28: {  	_ = 	snop  }
0x29: {  	[tilespmem:s23], [sflag:$0x2] =	stream.indirect.gather [spmem:s3], $0x10, s21, s21, $0xb8;
	[tilespmem:$0xAE10] =	vst v63  }
0x2a: {  	_ =	swait.ge [sflag:s17], $0x800  }
0x2b: {  	[sflag:s17] =	ssyncset.done $0x0  }
0x2c: {  	[sflag:s17] =	ssyncadd.s32 $0xFFFFF800  }
0x2d: {  	[spmem:s2] =	stream.indirect.scatter.add.f32 [tilespmem:s22], [sflag:$0x3], $0x10, s16, s21, $0xb8;
	[tilespmem:$0xAE10] =	vst v63  }
0x2e: {  	_ =	swait.ge [sflag:s19], $0x800  }
0x2f: {  	[sflag:s19] =	ssyncset.done $0x0  }
0x30: {  	s30 =	simm.s32 $0x100;
	[sflag:s19] =	ssyncadd.s32 $0xFFFFF800  }
0x31: {  	[tilespmem:s22], [sflag:$0x1] =	stream.indirect.gather [spmem:s3], $0x10, s30, s21, $0xb8;
	[tilespmem:$0xAE10] =	vst v63  }
0x32: {  	_ =	swait.ge [sflag:s18], $0x800  }
0x33: {  	[sflag:s18] =	ssyncset.done $0x0  }
0x34: {  	s30 =	simm.s32 $0x2800;
	[sflag:s18] =	ssyncadd.s32 $0xFFFFF800  }
0x35: {  	[spmem:s2] =	stream.indirect.scatter.add.f32 [tilespmem:s23], [sflag:$0x4], $0x10, s30, s21, $0xb8;
	[tilespmem:$0xAE10] =	vst v63  }
0x36: {  	_ =	swait.ge [sflag:s20], $0x800  }
0x37: {  	[sflag:s20] =	ssyncset.done $0x0  }
0x38: {  	s30 =	simm.s32 $0x180;
	[sflag:s20] =	ssyncadd.s32 $0xFFFFF800  }
0x39: {  	[tilespmem:s23], [sflag:$0x2] =	stream.indirect.gather [spmem:s3], $0x10, s30, s21, $0xb8;
	[tilespmem:$0xAE10] =	vst v63  }
0x3a: {  	_ =	swait.ge [sflag:s17], $0x800  }
0x3b: {  	[sflag:s17] =	ssyncset.done $0x0  }
0x3c: {  	s31 =	simm.s32 $0x2880;
	s30 =	simm.s32 $0xFFFF6C00;
	[sflag:s17] =	ssyncadd.s32 $0xFFFFF800  }
.LBB2_2:
0x3d: {  	[spmem:s2] =	stream.indirect.scatter.add.f32 [tilespmem:s22], [sflag:$0x3], $0x10, s31, s21, $0xb8;
	[tilespmem:$0xAE10] =	vst v63  }
0x3e: {  	s31 =	smov.u32 s30  }
0x3f: {  	p0 =	sne.s32 s30, $0xFFFFFC00;
	s30 =	sadd.s32 $0x400, s30;
	_ =	swait.ge [sflag:s19], $0x800  }
0x40: {  	s31 =	sshra.s32 s31, $0x2;
	[sflag:s19] =	ssyncset.done $0x0  }
0x41: {  	s0 =	sadd.s32 $0x2700, s31;
	[sflag:s19] =	ssyncadd.s32 $0xFFFFF800  }
0x42: {  	[tilespmem:s22], [sflag:$0x1] =	stream.indirect.gather [spmem:s3], $0x10, s0, s21, $0xb8;
	[tilespmem:$0xAE10] =	vst v63  }
0x43: {  	_ =	swait.ge [sflag:s18], $0x800  }
0x44: {  	[sflag:s18] =	ssyncset.done $0x0  }
0x45: {  	s0 =	sadd.s32 $0x4E00, s31;
	[sflag:s18] =	ssyncadd.s32 $0xFFFFF800  }
0x46: {  	[spmem:s2] =	stream.indirect.scatter.add.f32 [tilespmem:s23], [sflag:$0x4], $0x10, s0, s21, $0xb8;
	[tilespmem:$0xAE10] =	vst v63  }
0x47: {  	_ =	swait.ge [sflag:s20], $0x800  }
0x48: {  	[sflag:s20] =	ssyncset.done $0x0  }
.Ltmp0:
0x49: {  	s0 =	sadd.s32 $0x2780, s31;
	[sflag:s20] =	ssyncadd.s32 $0xFFFFF800;
	(pc) =	sbr.rel @p0 .LBB2_2-.Ltmp0, $4  }
0x4a: {  	[tilespmem:s23], [sflag:$0x2] =	stream.indirect.gather [spmem:s3], $0x10, s0, s21, $0xb8;
	[tilespmem:$0xAE10] =	vst v63  }
0x4b: {  	_ =	swait.ge [sflag:s17], $0x800  }
0x4c: {  	[sflag:s17] =	ssyncset.done $0x0  }
0x4d: {  	s31 =	sadd.s32 $0x4E80, s31;
	[sflag:s17] =	ssyncadd.s32 $0xFFFFF800  }
0x4e: {  	[spmem:s2] =	stream.indirect.scatter.add.f32 [tilespmem:s22], [sflag:$0x3], $0x10, s31, s21, $0xb8;
	[tilespmem:$0xAE10] =	vst v63  }
0x4f: {  	_ =	swait.ge [sflag:s19], $0x800  }
0x50: {  	[sflag:s19] =	ssyncset.done $0x0  }
0x51: {  	[sflag:s19] =	ssyncadd.s32 $0xFFFFF800  }
0x52: {  	[tilespmem:s22], [sflag:$0x1] =	stream.indirect.gather [spmem:s3], $0x10, s24, s21, $0xb8;
	[tilespmem:$0xAE10] =	vst v63  }
0x53: {  	_ =	swait.ge [sflag:s18], $0x800  }
0x54: {  	[sflag:s18] =	ssyncset.done $0x0  }
0x55: {  	[sflag:s18] =	ssyncadd.s32 $0xFFFFF800  }
0x56: {  	[spmem:s2] =	stream.indirect.scatter.add.f32 [tilespmem:s23], [sflag:$0x4], $0x10, s25, s21, $0xb8;
	[tilespmem:$0xAE10] =	vst v63  }
0x57: {  	_ =	swait.ge [sflag:s20], $0x800  }
0x58: {  	[sflag:s20] =	ssyncset.done $0x0  }
0x59: {  	[sflag:s20] =	ssyncadd.s32 $0xFFFFF800  }
0x5a: {  	_ =	swait.ge [sflag:s17], $0x800  }
0x5b: {  	[sflag:s17] =	ssyncset.done $0x0  }
0x5c: {  	[sflag:s17] =	ssyncadd.s32 $0xFFFFF800  }
0x5d: {  	[spmem:s2] =	stream.indirect.scatter.add.f32 [tilespmem:s22], [sflag:$0x3], $0x10, s26, s21, $0xb8;
	[tilespmem:$0xAE10] =	vst v63  }
0x5e: {  	_ =	swait.ge [sflag:s19], $0x800  }
0x5f: {  	s29 =	sadd.s32 $0x1, s29;
	[sflag:s19] =	ssyncset.done $0x0  }
0x60: {  	p0 =	sne.s32 s29, s12;
	[sflag:s19] =	ssyncadd.s32 $0xFFFFF800  }
.Ltmp1:
0x61: {  	s0 =	sor.u32 $0x1C05, s5;
	[bflag:$0x0] =	sbarrier.arrive $0xFFFF;
	(pc) =	sbr.rel @p0 .LBB2_1-.Ltmp1, $4  }
0x62: {  	[hbm:s11], [sflag:s0] =	dma.local [spmem:s13], $0x500  }
0x63: {  	_ =	swait.ge [sflag:s28], $0x500  }
0x64: {  	[sflag:s28] =	ssyncset.done $0x0  }
0x65: {  	[sflag:s28] =	ssyncadd.s32 $0xFFFFFB00  }
0x66: {  	_ =	sfence.sel $0x180000  }
0x67: {  	[bflag:$0x0] =	sbarrier.arrive $0xFFFF  }
0x68: {  	_ =	strace $0x90000053  }
0x69: {  	[bflag:$0x2] =	sbarrier.arrive $0xFFFF  }
0x6a: {  	p0 =	sne.s32 s1, $0x0;
	s0 =	rddreg [dreg:$0x4]  }
0x6b: {  	s0 =	sadd.s32 @!p0 $0x100000, s0  }
0x6c: {  	[sflag:s0] =	ssyncadd.tile.s32 @!p0 $0x1;
	_ =	shalt  }
.Lfunc_end2:
_tile_overlayer_lowered:
.L_overlay_start_2:
0x6d: {  	(tag) =	ssettag $0x2  }
0x6e: {  	s0 =	rddreg [dreg:$0x0];
	s2 =	stileid.u32  }
0x6f: {  	s1 =	rddreg [dreg:$0x1];
	p0 =	sne.s32 s2, $0x0  }
0x70: {  	s3 =	rddreg [dreg:$0x2];
	[bflag:$0x3] =	sbarrier.arrive $0xFFFF;
	s2 =	simm.s32 @!p0 $0x1C05  }
0x71: {  	[timem:s3], [sflag:s2] =	dma.local @!p0 [hbm:s0], s1  }
0x72: {  	s0 =	simm.s32 @!p0 $0x5  }
0x73: {  	_ =	swait.ge @!p0 [sflag:s0], s1  }
0x74: {  	s1 =	ssub.s32 @!p0 $0x0, s1;
	[sflag:s0] =	ssyncset.done @!p0 $0x0  }
0x75: {  	[sflag:s0] =	ssyncadd.s32 @!p0 s1  }
0x76: {  	[bflag:$0x3] =	sbarrier.arrive $0xFFFF  }
0x77: {  	_ =	shalt  }

</sc_bundles>
